<compile_context>
chip_gen: v7x
topology: tpu7x:2x2x1
jax: 0.10.2.dev20260603
libtpu: 0.0.44.dev20260713+nightly
codegen_flags: <defaults>
</compile_context>

<pallas_src>
import functools

import jax
import jax.numpy as jnp
from jax import lax
from jax.experimental import pallas as pl
from jax.experimental.pallas import tpu as pltpu
from jax.experimental.pallas import tpu_sc as plsc

VOCAB = 1000000
DHATU_VOCAB = 10000
EMBED_DIM = 64
HALF = 32

NC = 2
NS = 16
NW = NC * NS

B, L = 16384, 50
N_TOKENS = B * L
B_PER_W = B // NW

SUB = 128


def _sc_mesh():
    return plsc.VectorSubcoreMesh(core_axis_name="c", subcore_axis_name="s")


def _pack_body(x_ref, o_ref):
    t = x_ref[...].T
    t4 = t.reshape(t.shape[0] // 4, 4, HALF)
    o_ref[...] = jnp.concatenate([t4[:, k, :] for k in range(4)], axis=-1)


def _tc_pack(table_t, n_rows, blkw):
    grid = ((n_rows + blkw - 1) // blkw,)
    return pl.pallas_call(
        _pack_body,
        grid=grid,
        in_specs=[pl.BlockSpec((HALF, blkw), lambda i: (0, i))],
        out_specs=pl.BlockSpec((blkw // 4, 128), lambda i: (i, 0)),
        out_shape=jax.ShapeDtypeStruct((n_rows // 4, 128), jnp.float32),
    )(table_t)


def _k1_table_pack(wt_t, dt_t):
    w_packed = _tc_pack(wt_t, VOCAB, 8192)
    d_packed = _tc_pack(dt_t, DHATU_VOCAB, 10000)
    return (w_packed.reshape(VOCAB, HALF), d_packed.reshape(DHATU_VOCAB, HALF))


TRS = B_PER_W + 1


def _gather_half(ids_lb, table, use_mod):
    @functools.partial(
        pl.kernel,
        out_type=jax.ShapeDtypeStruct((L * HALF, B), jnp.float32),
        mesh=_sc_mesh(),
        scratch_types=[
            pltpu.VMEM((L, B_PER_W), jnp.int32),
            pltpu.VMEM((2, B_PER_W), jnp.int32),
            pltpu.VMEM((2 * B_PER_W, HALF), jnp.float32),
            pltpu.VMEM((HALF, TRS), jnp.float32),
            pltpu.SemaphoreType.DMA,
            pltpu.SemaphoreType.DMA,
            pltpu.SemaphoreType.DMA,
        ],
        compiler_params=pltpu.CompilerParams(use_tc_tiling_on_sc=False, needs_layout_passes=False),
    )
    def k2(ids_hbm, t_hbm, xout_hbm, idx_v, didx_v, rows, tr,
           sem0, sem1, osem):
        wid = lax.axis_index("s") * NC + lax.axis_index("c")
        b0 = wid * B_PER_W
        f16 = lax.iota(jnp.int32, 16)
        f16h = f16 + 16
        sems = (sem0, sem1)
        pltpu.sync_copy(ids_hbm.at[:, pl.ds(b0, B_PER_W)], idx_v)

        def prep(l, slot):
            sem = sems[slot]
            r0 = slot * B_PER_W
            if use_mod:
                def mod_body(i, c2):
                    v = idx_v[l, pl.ds(i * 16, 16)]
                    didx_v[slot, pl.ds(i * 16, 16)] = lax.rem(v, DHATU_VOCAB)
                    return c2

                lax.fori_loop(0, B_PER_W // 16, mod_body, 0)
            for j in range(B_PER_W // SUB):
                if use_mod:
                    idx = didx_v.at[slot, pl.ds(j * SUB, SUB)]
                else:
                    idx = idx_v.at[l, pl.ds(j * SUB, SUB)]
                pltpu.async_copy(t_hbm.at[idx],
                                 rows.at[pl.ds(r0 + j * SUB, SUB)], sem)

        def wait_gathers(slot):
            sem = sems[slot]
            r0 = slot * B_PER_W
            for j in range(B_PER_W // SUB):
                pltpu.make_async_copy(
                    t_hbm.at[idx_v.at[0, pl.ds(j * SUB, SUB)]],
                    rows.at[pl.ds(r0 + j * SUB, SUB)], sem).wait()

        def out_handle(l):
            return pltpu.make_async_copy(
                tr.at[:, pl.ds(0, B_PER_W)],
                xout_hbm.at[pl.ds(l * HALF, HALF), pl.ds(b0, B_PER_W)],
                osem)

        def transpose(slot):
            r0 = slot * B_PER_W

            def t_body(t8, c2):
                for dt in range(8):
                    t = t8 * 8 + dt
                    tv = jnp.full((16,), 0, jnp.int32) + t
                    plsc.store_scatter(tr, [f16, tv],
                                       rows[r0 + t, pl.ds(0, 16)])
                    plsc.store_scatter(tr, [f16h, tv],
                                       rows[r0 + t, pl.ds(16, 16)])
                return c2

            lax.fori_loop(0, B_PER_W // 8, t_body, 0)

        def stage(l, slot, first):
            wait_gathers(slot)

            @pl.when(jnp.logical_not(first))
            def _():
                out_handle(0).wait()
            transpose(slot)
            out_handle(l).start()

        prep(0, 0)

        def k_body(k, carry):
            l0 = 2 * k
            prep(l0 + 1, 1)
            stage(l0, 0, k == 0)

            @pl.when(k < L // 2 - 1)
            def _():
                prep(l0 + 2, 0)
            stage(l0 + 1, 1, jnp.bool_(False))
            return carry

        lax.fori_loop(0, L // 2, k_body, 0)
        out_handle(0).wait()

    return k2(ids_lb, table)


_EPS = 1e-5


def _dense_body(x1_ref, x2_ref, w1_ref, w2_ref, bc_ref, g_ref, bt_ref, o_ref):
    x1 = x1_ref[...].reshape(HALF, B)
    x2 = x2_ref[...].reshape(HALF, B)
    yc = (jnp.dot(w1_ref[...], x1, preferred_element_type=jnp.float32)
          + jnp.dot(w2_ref[...], x2, preferred_element_type=jnp.float32)
          + bc_ref[...])
    var = jnp.mean(yc * yc, axis=0, keepdims=True)
    r = 1.0 / jnp.sqrt(var + _EPS)
    yn = yc * r * g_ref[...] + bt_ref[...]
    o_ref[...] = yn * 0.5 * (1.0 + lax.erf(yn * 0.7071067811865476))


def _k3_dense(xw, xd, W1c, W2c, bc, gamma, beta):
    grid = (L,)
    return pl.pallas_call(
        _dense_body,
        grid=grid,
        in_specs=[
            pl.BlockSpec((HALF * B,), lambda l: (l,)),
            pl.BlockSpec((HALF * B,), lambda l: (l,)),
            pl.BlockSpec((EMBED_DIM, HALF), lambda l: (0, 0)),
            pl.BlockSpec((EMBED_DIM, HALF), lambda l: (0, 0)),
            pl.BlockSpec((EMBED_DIM, 1), lambda l: (0, 0)),
            pl.BlockSpec((EMBED_DIM, 1), lambda l: (0, 0)),
            pl.BlockSpec((EMBED_DIM, 1), lambda l: (0, 0)),
        ],
        out_specs=pl.BlockSpec((EMBED_DIM, B), lambda l: (l, 0)),
        out_shape=jax.ShapeDtypeStruct((L * EMBED_DIM, B), jnp.float32),
    )(xw.reshape(-1), xd.reshape(-1), W1c, W2c, bc, gamma, beta)


def kernel(word_ids, word_table, dhatu_table, W, b, gamma, beta):
    wt_t = word_table.T
    dt_t = dhatu_table.T
    ids_lb = word_ids.T

    w_rm, d_rm = _k1_table_pack(wt_t, dt_t)
    xd = _gather_half(ids_lb, d_rm, True)
    xw = _gather_half(ids_lb, w_rm, False)

    C = jnp.eye(EMBED_DIM, dtype=jnp.float32) - 1.0 / EMBED_DIM
    W1c = C @ W[:, :HALF]
    W2c = C @ W[:, HALF:]
    bc = (C @ b).reshape(EMBED_DIM, 1)
    ytr = _k3_dense(xw, xd, W1c, W2c, bc,
                    gamma.reshape(EMBED_DIM, 1), beta.reshape(EMBED_DIM, 1))
    return ytr.reshape(L, EMBED_DIM, B).transpose(2, 0, 1)

# --- scband reference (transcript-rebuilt; emitter-appended) ---
"""Pipeline reference for scband-dhatu-embedding-26268019982952 (READ-ONLY COPY).

The authoritative reference and input builder live on the scoring server;
editing this copy changes nothing except your own understanding.
"""

import jax, jax.numpy as jnp
import numpy as np

VOCAB = 1000000
DHATU_VOCAB = 10000
EMBED_DIM = 64
HALF = EMBED_DIM // 2
B, L = 16384, 50


def setup_inputs(seed: int = 0) -> dict:
    key = jax.random.key(seed)
    k1, k2, k3, k4, k5 = jax.random.split(key, 5)
    word_ids = jax.random.randint(k1, (B, L), 0, VOCAB, dtype=jnp.int64 if jax.config.jax_enable_x64 else jnp.int32).astype(jnp.int32)
    word_table = jax.random.normal(k2, (VOCAB, HALF), dtype=jnp.float32) * 0.02
    dhatu_table = jax.random.normal(k3, (DHATU_VOCAB, HALF), dtype=jnp.float32) * 0.02
    W = jax.random.normal(k4, (EMBED_DIM, EMBED_DIM), dtype=jnp.float32) * (1.0 / np.sqrt(EMBED_DIM))
    b = jnp.zeros((EMBED_DIM,), dtype=jnp.float32)
    gamma = jnp.ones((EMBED_DIM,), dtype=jnp.float32)
    beta = jnp.zeros((EMBED_DIM,), dtype=jnp.float32)
    return {"word_ids": word_ids, "word_table": word_table, "dhatu_table": dhatu_table, "W": W, "b": b, "gamma": gamma, "beta": beta}


def _layernorm(x, gamma, beta, eps=1e-5):
    mu = jnp.mean(x, axis=-1, keepdims=True)
    var = jnp.mean((x - mu) ** 2, axis=-1, keepdims=True)
    return (x - mu) / jnp.sqrt(var + eps) * gamma + beta


def reference(word_ids, word_table, dhatu_table, W, b, gamma, beta):
    # Embedding lookups (gathers)
    w_emb = jnp.take(word_table, word_ids, axis=0)              # [B, L, HALF]
    d_idx = jnp.mod(word_ids, DHATU_VOCAB)
    d_emb = jnp.take(dhatu_table, d_idx, axis=0)                # [B, L, HALF]
    x = jnp.concatenate([w_emb, d_emb], axis=-1)                # [B, L, EMBED_DIM]
    # compose: Linear -> LayerNorm -> GELU (dropout is identity at eval)
    y = jnp.einsum('bld,ed->ble', x, W) + b
    y = _layernorm(y, gamma, beta)
    y = jax.nn.gelu(y, approximate=False)
    return y

if __name__ == "__main__":
    import jax
    _d = setup_inputs()
    print(jax.jit(kernel)(*tuple(_d.values())))

</pallas_src>

<mosaic_0001>
#map = affine_map<(d0, d1) -> (0, 0)>
module attributes {stable_mosaic.version = 14 : i64} {
  func.func @k2(%arg0: i32, %arg1: i32, %arg2: memref<50x16384xi32, #tpu.memory_space<hbm>>, %arg3: memref<10000x32xf32, #tpu.memory_space<hbm>>, %arg4: memref<1600x16384xf32, #tpu.memory_space<hbm>>, %arg5: memref<50x512xi32, #tpu.memory_space<vmem>>, %arg6: memref<2x512xi32, #tpu.memory_space<vmem>>, %arg7: memref<1024x32xf32, #tpu.memory_space<vmem>>, %arg8: memref<32x513xf32, #tpu.memory_space<vmem>>, %arg9: memref<!tpu.dma_semaphore, #tpu.memory_space<semaphore_mem>>, %arg10: memref<!tpu.dma_semaphore, #tpu.memory_space<semaphore_mem>>, %arg11: memref<!tpu.dma_semaphore, #tpu.memory_space<semaphore_mem>>) attributes {dimension_semantics = [#tpu.dimension_semantics<core_parallel>, #tpu.dimension_semantics<subcore_parallel>], iteration_bounds = array<i64: 2, 16>, scalar_prefetch = 0 : i64, scratch_operands = 7 : i64, tpu.core_type = #tpu.core_type<sc_vector_subcore>, window_params = [{transform_indices = #map}, {transform_indices = #map}, {transform_indices = #map}]} {
    %mul3A = arith.constant 2 : i32
    %mul3A_0 = arith.muli %arg1, %mul3A : i32
    %add3A = arith.addi %mul3A_0, %arg0 : i32
    %mul3A_1 = arith.constant 512 : i32
    %mul3A_2 = arith.muli %add3A, %mul3A_1 : i32
    %iota3A = tpu.iota {dimensions = array<i32: 0>} : vector<16xi32>
    %add3A_3 = arith.constant 16 : i32
    %add3A_4 = vector.broadcast %add3A_3 : i32 to vector<16xi32>
    %add3A_5 = arith.addi %iota3A, %add3A_4 : vector<16xi32>
    "tpu.region"() ({
      %run_scoped3A = tpu.sem_alloc : memref<!tpu.dma_semaphore, #tpu.memory_space<semaphore_mem>>
      %dma_start3A_65 = arith.constant 0 : i32
      %dma_start3A_66 = tpu.memref_slice %arg2[%dma_start3A_65, %mul3A_2] : memref<50x16384xi32, #tpu.memory_space<hbm>> -> memref<50x512xi32, #tpu.memory_space<hbm>>
      %dma_start3A_67 = arith.constant 0 : i32
      %dma_start3A_68 = tpu.memref_slice %arg2[%dma_start3A_67, %mul3A_2] : memref<50x16384xi32, #tpu.memory_space<hbm>> -> memref<50x512xi32, #tpu.memory_space<hbm>>
      tpu.enqueue_dma source(%dma_start3A_68 : memref<50x512xi32, #tpu.memory_space<hbm>>) target(%arg5 : memref<50x512xi32, #tpu.memory_space<vmem>>) target_semaphore(%run_scoped3A : memref<!tpu.dma_semaphore, #tpu.memory_space<semaphore_mem>>)
      %dma_wait3A_69 = arith.constant 0 : i32
      %dma_wait3A_70 = tpu.memref_slice %arg2[%dma_wait3A_69, %mul3A_2] : memref<50x16384xi32, #tpu.memory_space<hbm>> -> memref<50x512xi32, #tpu.memory_space<hbm>>
      %dma_wait3A_71 = arith.constant 0 : i32
      %dma_wait3A_72 = tpu.memref_slice %arg2[%dma_wait3A_71, %mul3A_2] : memref<50x16384xi32, #tpu.memory_space<hbm>> -> memref<50x512xi32, #tpu.memory_space<hbm>>
      tpu.wait_dma2 semaphore(%run_scoped3A : memref<!tpu.dma_semaphore, #tpu.memory_space<semaphore_mem>>) src(%dma_wait3A_72 : memref<50x512xi32, #tpu.memory_space<hbm>>) dst(%arg5 : memref<50x512xi32, #tpu.memory_space<vmem>>)
      tpu.yield
    }) : () -> ()
    %scan3A = arith.constant 0 : i32
    %scan3A_6 = arith.constant 0 : i32
    %scan3A_7 = arith.constant 32 : i32
    %scan3A_8 = arith.addi %scan3A_6, %scan3A_7 : i32
    %scan3A_9 = arith.constant 1 : i32
    scf.for %scan3A_65 = %scan3A_6 to %scan3A_8 step %scan3A_9  : i32 {
      %mul3A_66 = arith.constant 16 : i32
      %mul3A_67 = arith.muli %scan3A_65, %mul3A_66 : i32
      %get3A = arith.constant 0 : i32
      %get3A_68 = arith.index_cast %get3A : i32 to index
      %get3A_69 = arith.index_cast %mul3A_67 : i32 to index
      %get3A_70 = tpu.vector_load %arg5[%get3A_68, %get3A_69] {strides = array<i32>} : memref<50x512xi32, #tpu.memory_space<vmem>>, vector<16xi32>,
      %rem3A = arith.constant 10000 : i32
      %rem3A_71 = vector.broadcast %rem3A : i32 to vector<16xi32>
      %rem3A_72 = arith.remsi %get3A_70, %rem3A_71 : vector<16xi32>
      %mul3A_73 = arith.constant 16 : i32
      %mul3A_74 = arith.muli %scan3A_65, %mul3A_73 : i32
      %swap3A = arith.constant 0 : i32
      %swap3A_75 = arith.index_cast %swap3A : i32 to index
      %swap3A_76 = arith.index_cast %mul3A_74 : i32 to index
      %swap3A_77 = tpu.vector_load %arg6[%swap3A_75, %swap3A_76] {strides = array<i32>} : memref<2x512xi32, #tpu.memory_space<vmem>>, vector<16xi32>,
      tpu.vector_store %arg6[%swap3A_75, %swap3A_76], %rem3A_72 {strides = array<i32>} : memref<2x512xi32, #tpu.memory_space<vmem>>, vector<16xi32>,
    }
    %scan3A_10 = arith.constant 32 : i32
    %dma_start3A = arith.constant 0 : i32
    %dma_start3A_11 = arith.constant 0 : i32
    %dma_start3A_12 = arith.constant 0 : i32
    %dma_start3A_13 = tpu.memref_slice %arg7[%dma_start3A_11, %dma_start3A_12] : memref<1024x32xf32, #tpu.memory_space<vmem>> -> memref<128x32xf32, #tpu.memory_space<vmem>>
    %dma_start3A_14 = arith.constant 0 : i32
    %dma_start3A_15 = tpu.memref_slice %arg6[%dma_start3A, %dma_start3A_14] : memref<2x512xi32, #tpu.memory_space<vmem>> -> memref<1x128xi32, #tpu.memory_space<vmem>>
    %dma_start3A_16 = tpu.memref_squeeze %dma_start3A_15 : memref<1x128xi32, #tpu.memory_space<vmem>> -> memref<128xi32, #tpu.memory_space<vmem>>
    %dma_start3A_17 = arith.constant 0 : i32
    %dma_start3A_18 = arith.constant 0 : i32
    %dma_start3A_19 = tpu.memref_slice %arg3[%dma_start3A_17, %dma_start3A_18] : memref<10000x32xf32, #tpu.memory_space<hbm>> -> memref<10000x32xf32, #tpu.memory_space<hbm>>
    tpu.enqueue_indirect_dma source(%dma_start3A_19 : memref<10000x32xf32, #tpu.memory_space<hbm>>) target(%dma_start3A_13 : memref<128x32xf32, #tpu.memory_space<vmem>>) offsets(%dma_start3A_16 : memref<128xi32, #tpu.memory_space<vmem>>) semaphore(%arg9 : memref<!tpu.dma_semaphore, #tpu.memory_space<semaphore_mem>>)
    %dma_start3A_20 = arith.constant 0 : i32
    %dma_start3A_21 = arith.constant 128 : i32
    %dma_start3A_22 = arith.constant 0 : i32
    %dma_start3A_23 = tpu.memref_slice %arg7[%dma_start3A_21, %dma_start3A_22] : memref<1024x32xf32, #tpu.memory_space<vmem>> -> memref<128x32xf32, #tpu.memory_space<vmem>>
    %dma_start3A_24 = arith.constant 128 : i32
    %dma_start3A_25 = tpu.memref_slice %arg6[%dma_start3A_20, %dma_start3A_24] : memref<2x512xi32, #tpu.memory_space<vmem>> -> memref<1x128xi32, #tpu.memory_space<vmem>>
    %dma_start3A_26 = tpu.memref_squeeze %dma_start3A_25 : memref<1x128xi32, #tpu.memory_space<vmem>> -> memref<128xi32, #tpu.memory_space<vmem>>
    %dma_start3A_27 = arith.constant 0 : i32
    %dma_start3A_28 = arith.constant 0 : i32
    %dma_start3A_29 = tpu.memref_slice %arg3[%dma_start3A_27, %dma_start3A_28] : memref<10000x32xf32, #tpu.memory_space<hbm>> -> memref<10000x32xf32, #tpu.memory_space<hbm>>
    tpu.enqueue_indirect_dma source(%dma_start3A_29 : memref<10000x32xf32, #tpu.memory_space<hbm>>) target(%dma_start3A_23 : memref<128x32xf32, #tpu.memory_space<vmem>>) offsets(%dma_start3A_26 : memref<128xi32, #tpu.memory_space<vmem>>) semaphore(%arg9 : memref<!tpu.dma_semaphore, #tpu.memory_space<semaphore_mem>>)
    %dma_start3A_30 = arith.constant 0 : i32
    %dma_start3A_31 = arith.constant 256 : i32
    %dma_start3A_32 = arith.constant 0 : i32
    %dma_start3A_33 = tpu.memref_slice %arg7[%dma_start3A_31, %dma_start3A_32] : memref<1024x32xf32, #tpu.memory_space<vmem>> -> memref<128x32xf32, #tpu.memory_space<vmem>>
    %dma_start3A_34 = arith.constant 256 : i32
    %dma_start3A_35 = tpu.memref_slice %arg6[%dma_start3A_30, %dma_start3A_34] : memref<2x512xi32, #tpu.memory_space<vmem>> -> memref<1x128xi32, #tpu.memory_space<vmem>>
    %dma_start3A_36 = tpu.memref_squeeze %dma_start3A_35 : memref<1x128xi32, #tpu.memory_space<vmem>> -> memref<128xi32, #tpu.memory_space<vmem>>
    %dma_start3A_37 = arith.constant 0 : i32
    %dma_start3A_38 = arith.constant 0 : i32
    %dma_start3A_39 = tpu.memref_slice %arg3[%dma_start3A_37, %dma_start3A_38] : memref<10000x32xf32, #tpu.memory_space<hbm>> -> memref<10000x32xf32, #tpu.memory_space<hbm>>
    tpu.enqueue_indirect_dma source(%dma_start3A_39 : memref<10000x32xf32, #tpu.memory_space<hbm>>) target(%dma_start3A_33 : memref<128x32xf32, #tpu.memory_space<vmem>>) offsets(%dma_start3A_36 : memref<128xi32, #tpu.memory_space<vmem>>) semaphore(%arg9 : memref<!tpu.dma_semaphore, #tpu.memory_space<semaphore_mem>>)
    %dma_start3A_40 = arith.constant 0 : i32
    %dma_start3A_41 = arith.constant 384 : i32
    %dma_start3A_42 = arith.constant 0 : i32
    %dma_start3A_43 = tpu.memref_slice %arg7[%dma_start3A_41, %dma_start3A_42] : memref<1024x32xf32, #tpu.memory_space<vmem>> -> memref<128x32xf32, #tpu.memory_space<vmem>>
    %dma_start3A_44 = arith.constant 384 : i32
    %dma_start3A_45 = tpu.memref_slice %arg6[%dma_start3A_40, %dma_start3A_44] : memref<2x512xi32, #tpu.memory_space<vmem>> -> memref<1x128xi32, #tpu.memory_space<vmem>>
    %dma_start3A_46 = tpu.memref_squeeze %dma_start3A_45 : memref<1x128xi32, #tpu.memory_space<vmem>> -> memref<128xi32, #tpu.memory_space<vmem>>
    %dma_start3A_47 = arith.constant 0 : i32
    %dma_start3A_48 = arith.constant 0 : i32
    %dma_start3A_49 = tpu.memref_slice %arg3[%dma_start3A_47, %dma_start3A_48] : memref<10000x32xf32, #tpu.memory_space<hbm>> -> memref<10000x32xf32, #tpu.memory_space<hbm>>
    tpu.enqueue_indirect_dma source(%dma_start3A_49 : memref<10000x32xf32, #tpu.memory_space<hbm>>) target(%dma_start3A_43 : memref<128x32xf32, #tpu.memory_space<vmem>>) offsets(%dma_start3A_46 : memref<128xi32, #tpu.memory_space<vmem>>) semaphore(%arg9 : memref<!tpu.dma_semaphore, #tpu.memory_space<semaphore_mem>>)
    %scan3A_50 = arith.constant 0 : i32
    %scan3A_51 = arith.constant 0 : i32
    %scan3A_52 = arith.constant 25 : i32
    %scan3A_53 = arith.addi %scan3A_51, %scan3A_52 : i32
    %scan3A_54 = arith.constant 1 : i32
    scf.for %scan3A_65 = %scan3A_51 to %scan3A_53 step %scan3A_54  : i32 {
      %mul3A_66 = arith.constant 2 : i32
      %mul3A_67 = arith.muli %mul3A_66, %scan3A_65 : i32
      %add3A_68 = arith.constant 1 : i32
      %add3A_69 = arith.addi %mul3A_67, %add3A_68 : i32
      %scan3A_70 = arith.constant 0 : i32
      %scan3A_71 = arith.constant 0 : i32
      %scan3A_72 = arith.constant 32 : i32
      %scan3A_73 = arith.addi %scan3A_71, %scan3A_72 : i32
      %scan3A_74 = arith.constant 1 : i32
      scf.for %scan3A_243 = %scan3A_71 to %scan3A_73 step %scan3A_74  : i32 {
        %mul3A_244 = arith.constant 16 : i32
        %mul3A_245 = arith.muli %scan3A_243, %mul3A_244 : i32
        %get3A = arith.index_cast %add3A_69 : i32 to index
        %get3A_246 = arith.index_cast %mul3A_245 : i32 to index
        %get3A_247 = tpu.vector_load %arg5[%get3A, %get3A_246] {strides = array<i32>} : memref<50x512xi32, #tpu.memory_space<vmem>>, vector<16xi32>,
        %rem3A = arith.constant 10000 : i32
        %rem3A_248 = vector.broadcast %rem3A : i32 to vector<16xi32>
        %rem3A_249 = arith.remsi %get3A_247, %rem3A_248 : vector<16xi32>
        %mul3A_250 = arith.constant 16 : i32
        %mul3A_251 = arith.muli %scan3A_243, %mul3A_250 : i32
        %swap3A = arith.constant 1 : i32
        %swap3A_252 = arith.index_cast %swap3A : i32 to index
        %swap3A_253 = arith.index_cast %mul3A_251 : i32 to index
        %swap3A_254 = tpu.vector_load %arg6[%swap3A_252, %swap3A_253] {strides = array<i32>} : memref<2x512xi32, #tpu.memory_space<vmem>>, vector<16xi32>,
        tpu.vector_store %arg6[%swap3A_252, %swap3A_253], %rem3A_249 {strides = array<i32>} : memref<2x512xi32, #tpu.memory_space<vmem>>, vector<16xi32>,
      }
      %scan3A_75 = arith.constant 32 : i32
      %dma_start3A_76 = arith.constant 1 : i32
      %dma_start3A_77 = arith.constant 512 : i32
      %dma_start3A_78 = arith.constant 0 : i32
      %dma_start3A_79 = tpu.memref_slice %arg7[%dma_start3A_77, %dma_start3A_78] : memref<1024x32xf32, #tpu.memory_space<vmem>> -> memref<128x32xf32, #tpu.memory_space<vmem>>
      %dma_start3A_80 = arith.constant 0 : i32
      %dma_start3A_81 = tpu.memref_slice %arg6[%dma_start3A_76, %dma_start3A_80] : memref<2x512xi32, #tpu.memory_space<vmem>> -> memref<1x128xi32, #tpu.memory_space<vmem>>
      %dma_start3A_82 = tpu.memref_squeeze %dma_start3A_81 : memref<1x128xi32, #tpu.memory_space<vmem>> -> memref<128xi32, #tpu.memory_space<vmem>>
      %dma_start3A_83 = arith.constant 0 : i32
      %dma_start3A_84 = arith.constant 0 : i32
      %dma_start3A_85 = tpu.memref_slice %arg3[%dma_start3A_83, %dma_start3A_84] : memref<10000x32xf32, #tpu.memory_space<hbm>> -> memref<10000x32xf32, #tpu.memory_space<hbm>>
      tpu.enqueue_indirect_dma source(%dma_start3A_85 : memref<10000x32xf32, #tpu.memory_space<hbm>>) target(%dma_start3A_79 : memref<128x32xf32, #tpu.memory_space<vmem>>) offsets(%dma_start3A_82 : memref<128xi32, #tpu.memory_space<vmem>>) semaphore(%arg10 : memref<!tpu.dma_semaphore, #tpu.memory_space<semaphore_mem>>)
      %dma_start3A_86 = arith.constant 1 : i32
      %dma_start3A_87 = arith.constant 640 : i32
      %dma_start3A_88 = arith.constant 0 : i32
      %dma_start3A_89 = tpu.memref_slice %arg7[%dma_start3A_87, %dma_start3A_88] : memref<1024x32xf32, #tpu.memory_space<vmem>> -> memref<128x32xf32, #tpu.memory_space<vmem>>
      %dma_start3A_90 = arith.constant 128 : i32
      %dma_start3A_91 = tpu.memref_slice %arg6[%dma_start3A_86, %dma_start3A_90] : memref<2x512xi32, #tpu.memory_space<vmem>> -> memref<1x128xi32, #tpu.memory_space<vmem>>
      %dma_start3A_92 = tpu.memref_squeeze %dma_start3A_91 : memref<1x128xi32, #tpu.memory_space<vmem>> -> memref<128xi32, #tpu.memory_space<vmem>>
      %dma_start3A_93 = arith.constant 0 : i32
      %dma_start3A_94 = arith.constant 0 : i32
      %dma_start3A_95 = tpu.memref_slice %arg3[%dma_start3A_93, %dma_start3A_94] : memref<10000x32xf32, #tpu.memory_space<hbm>> -> memref<10000x32xf32, #tpu.memory_space<hbm>>
      tpu.enqueue_indirect_dma source(%dma_start3A_95 : memref<10000x32xf32, #tpu.memory_space<hbm>>) target(%dma_start3A_89 : memref<128x32xf32, #tpu.memory_space<vmem>>) offsets(%dma_start3A_92 : memref<128xi32, #tpu.memory_space<vmem>>) semaphore(%arg10 : memref<!tpu.dma_semaphore, #tpu.memory_space<semaphore_mem>>)
      %dma_start3A_96 = arith.constant 1 : i32
      %dma_start3A_97 = arith.constant 768 : i32
      %dma_start3A_98 = arith.constant 0 : i32
      %dma_start3A_99 = tpu.memref_slice %arg7[%dma_start3A_97, %dma_start3A_98] : memref<1024x32xf32, #tpu.memory_space<vmem>> -> memref<128x32xf32, #tpu.memory_space<vmem>>
      %dma_start3A_100 = arith.constant 256 : i32
      %dma_start3A_101 = tpu.memref_slice %arg6[%dma_start3A_96, %dma_start3A_100] : memref<2x512xi32, #tpu.memory_space<vmem>> -> memref<1x128xi32, #tpu.memory_space<vmem>>
      %dma_start3A_102 = tpu.memref_squeeze %dma_start3A_101 : memref<1x128xi32, #tpu.memory_space<vmem>> -> memref<128xi32, #tpu.memory_space<vmem>>
      %dma_start3A_103 = arith.constant 0 : i32
      %dma_start3A_104 = arith.constant 0 : i32
      %dma_start3A_105 = tpu.memref_slice %arg3[%dma_start3A_103, %dma_start3A_104] : memref<10000x32xf32, #tpu.memory_space<hbm>> -> memref<10000x32xf32, #tpu.memory_space<hbm>>
      tpu.enqueue_indirect_dma source(%dma_start3A_105 : memref<10000x32xf32, #tpu.memory_space<hbm>>) target(%dma_start3A_99 : memref<128x32xf32, #tpu.memory_space<vmem>>) offsets(%dma_start3A_102 : memref<128xi32, #tpu.memory_space<vmem>>) semaphore(%arg10 : memref<!tpu.dma_semaphore, #tpu.memory_space<semaphore_mem>>)
      %dma_start3A_106 = arith.constant 1 : i32
      %dma_start3A_107 = arith.constant 896 : i32
      %dma_start3A_108 = arith.constant 0 : i32
      %dma_start3A_109 = tpu.memref_slice %arg7[%dma_start3A_107, %dma_start3A_108] : memref<1024x32xf32, #tpu.memory_space<vmem>> -> memref<128x32xf32, #tpu.memory_space<vmem>>
      %dma_start3A_110 = arith.constant 384 : i32
      %dma_start3A_111 = tpu.memref_slice %arg6[%dma_start3A_106, %dma_start3A_110] : memref<2x512xi32, #tpu.memory_space<vmem>> -> memref<1x128xi32, #tpu.memory_space<vmem>>
      %dma_start3A_112 = tpu.memref_squeeze %dma_start3A_111 : memref<1x128xi32, #tpu.memory_space<vmem>> -> memref<128xi32, #tpu.memory_space<vmem>>
      %dma_start3A_113 = arith.constant 0 : i32
      %dma_start3A_114 = arith.constant 0 : i32
      %dma_start3A_115 = tpu.memref_slice %arg3[%dma_start3A_113, %dma_start3A_114] : memref<10000x32xf32, #tpu.memory_space<hbm>> -> memref<10000x32xf32, #tpu.memory_space<hbm>>
      tpu.enqueue_indirect_dma source(%dma_start3A_115 : memref<10000x32xf32, #tpu.memory_space<hbm>>) target(%dma_start3A_109 : memref<128x32xf32, #tpu.memory_space<vmem>>) offsets(%dma_start3A_112 : memref<128xi32, #tpu.memory_space<vmem>>) semaphore(%arg10 : memref<!tpu.dma_semaphore, #tpu.memory_space<semaphore_mem>>)
      %eq3A = arith.constant 0 : i32
      %eq3A_116 = arith.cmpi eq, %scan3A_65, %eq3A : i32
      %dma_wait3A_117 = arith.constant 0 : i32
      %dma_wait3A_118 = arith.constant 0 : i32
      %dma_wait3A_119 = arith.constant 0 : i32
      %dma_wait3A_120 = tpu.memref_slice %arg7[%dma_wait3A_118, %dma_wait3A_119] : memref<1024x32xf32, #tpu.memory_space<vmem>> -> memref<128x32xf32, #tpu.memory_space<vmem>>
      %dma_wait3A_121 = arith.constant 0 : i32
      %dma_wait3A_122 = tpu.memref_slice %arg5[%dma_wait3A_117, %dma_wait3A_121] : memref<50x512xi32, #tpu.memory_space<vmem>> -> memref<1x128xi32, #tpu.memory_space<vmem>>
      %dma_wait3A_123 = tpu.memref_squeeze %dma_wait3A_122 : memref<1x128xi32, #tpu.memory_space<vmem>> -> memref<128xi32, #tpu.memory_space<vmem>>
      %dma_wait3A_124 = arith.constant 0 : i32
      %dma_wait3A_125 = arith.constant 0 : i32
      %dma_wait3A_126 = tpu.memref_slice %arg3[%dma_wait3A_124, %dma_wait3A_125] : memref<10000x32xf32, #tpu.memory_space<hbm>> -> memref<10000x32xf32, #tpu.memory_space<hbm>>
      tpu.wait_indirect_dma semaphore(%arg9 : memref<!tpu.dma_semaphore, #tpu.memory_space<semaphore_mem>>) src(%dma_wait3A_126 : memref<10000x32xf32, #tpu.memory_space<hbm>>) dst(%dma_wait3A_120 : memref<128x32xf32, #tpu.memory_space<vmem>>)
      %dma_wait3A_127 = arith.constant 0 : i32
      %dma_wait3A_128 = arith.constant 128 : i32
      %dma_wait3A_129 = arith.constant 0 : i32
      %dma_wait3A_130 = tpu.memref_slice %arg7[%dma_wait3A_128, %dma_wait3A_129] : memref<1024x32xf32, #tpu.memory_space<vmem>> -> memref<128x32xf32, #tpu.memory_space<vmem>>
      %dma_wait3A_131 = arith.constant 128 : i32
      %dma_wait3A_132 = tpu.memref_slice %arg5[%dma_wait3A_127, %dma_wait3A_131] : memref<50x512xi32, #tpu.memory_space<vmem>> -> memref<1x128xi32, #tpu.memory_space<vmem>>
      %dma_wait3A_133 = tpu.memref_squeeze %dma_wait3A_132 : memref<1x128xi32, #tpu.memory_space<vmem>> -> memref<128xi32, #tpu.memory_space<vmem>>
      %dma_wait3A_134 = arith.constant 0 : i32
      %dma_wait3A_135 = arith.constant 0 : i32
      %dma_wait3A_136 = tpu.memref_slice %arg3[%dma_wait3A_134, %dma_wait3A_135] : memref<10000x32xf32, #tpu.memory_space<hbm>> -> memref<10000x32xf32, #tpu.memory_space<hbm>>
      tpu.wait_indirect_dma semaphore(%arg9 : memref<!tpu.dma_semaphore, #tpu.memory_space<semaphore_mem>>) src(%dma_wait3A_136 : memref<10000x32xf32, #tpu.memory_space<hbm>>) dst(%dma_wait3A_130 : memref<128x32xf32, #tpu.memory_space<vmem>>)
      %dma_wait3A_137 = arith.constant 0 : i32
      %dma_wait3A_138 = arith.constant 256 : i32
      %dma_wait3A_139 = arith.constant 0 : i32
      %dma_wait3A_140 = tpu.memref_slice %arg7[%dma_wait3A_138, %dma_wait3A_139] : memref<1024x32xf32, #tpu.memory_space<vmem>> -> memref<128x32xf32, #tpu.memory_space<vmem>>
      %dma_wait3A_141 = arith.constant 256 : i32
      %dma_wait3A_142 = tpu.memref_slice %arg5[%dma_wait3A_137, %dma_wait3A_141] : memref<50x512xi32, #tpu.memory_space<vmem>> -> memref<1x128xi32, #tpu.memory_space<vmem>>
      %dma_wait3A_143 = tpu.memref_squeeze %dma_wait3A_142 : memref<1x128xi32, #tpu.memory_space<vmem>> -> memref<128xi32, #tpu.memory_space<vmem>>
      %dma_wait3A_144 = arith.constant 0 : i32
      %dma_wait3A_145 = arith.constant 0 : i32
      %dma_wait3A_146 = tpu.memref_slice %arg3[%dma_wait3A_144, %dma_wait3A_145] : memref<10000x32xf32, #tpu.memory_space<hbm>> -> memref<10000x32xf32, #tpu.memory_space<hbm>>
      tpu.wait_indirect_dma semaphore(%arg9 : memref<!tpu.dma_semaphore, #tpu.memory_space<semaphore_mem>>) src(%dma_wait3A_146 : memref<10000x32xf32, #tpu.memory_space<hbm>>) dst(%dma_wait3A_140 : memref<128x32xf32, #tpu.memory_space<vmem>>)
      %dma_wait3A_147 = arith.constant 0 : i32
      %dma_wait3A_148 = arith.constant 384 : i32
      %dma_wait3A_149 = arith.constant 0 : i32
      %dma_wait3A_150 = tpu.memref_slice %arg7[%dma_wait3A_148, %dma_wait3A_149] : memref<1024x32xf32, #tpu.memory_space<vmem>> -> memref<128x32xf32, #tpu.memory_space<vmem>>
      %dma_wait3A_151 = arith.constant 384 : i32
      %dma_wait3A_152 = tpu.memref_slice %arg5[%dma_wait3A_147, %dma_wait3A_151] : memref<50x512xi32, #tpu.memory_space<vmem>> -> memref<1x128xi32, #tpu.memory_space<vmem>>
      %dma_wait3A_153 = tpu.memref_squeeze %dma_wait3A_152 : memref<1x128xi32, #tpu.memory_space<vmem>> -> memref<128xi32, #tpu.memory_space<vmem>>
      %dma_wait3A_154 = arith.constant 0 : i32
      %dma_wait3A_155 = arith.constant 0 : i32
      %dma_wait3A_156 = tpu.memref_slice %arg3[%dma_wait3A_154, %dma_wait3A_155] : memref<10000x32xf32, #tpu.memory_space<hbm>> -> memref<10000x32xf32, #tpu.memory_space<hbm>>
      tpu.wait_indirect_dma semaphore(%arg9 : memref<!tpu.dma_semaphore, #tpu.memory_space<semaphore_mem>>) src(%dma_wait3A_156 : memref<10000x32xf32, #tpu.memory_space<hbm>>) dst(%dma_wait3A_150 : memref<128x32xf32, #tpu.memory_space<vmem>>)
      %not3A = arith.constant true
      %not3A_157 = arith.xori %eq3A_116, %not3A : i1
      %convert_element_type3A = arith.extui %not3A_157 : i1 to i32
      %cond3A = arith.constant 0 : i32
      %cond3A_158 = arith.cmpi ne, %convert_element_type3A, %cond3A : i32
      scf.if %cond3A_158 {
        %dma_wait3A_243 = arith.constant 0 : i32
        %dma_wait3A_244 = arith.constant 0 : i32
        %dma_wait3A_245 = tpu.memref_slice %arg8[%dma_wait3A_243, %dma_wait3A_244] : memref<32x513xf32, #tpu.memory_space<vmem>> -> memref<32x512xf32, #tpu.memory_space<vmem>>
        %dma_wait3A_246 = arith.constant 0 : i32
        %dma_wait3A_247 = tpu.memref_slice %arg4[%dma_wait3A_246, %mul3A_2] : memref<1600x16384xf32, #tpu.memory_space<hbm>> -> memref<32x512xf32, #tpu.memory_space<hbm>>
        %dma_wait3A_248 = arith.constant 0 : i32
        %dma_wait3A_249 = tpu.memref_slice %arg4[%dma_wait3A_248, %mul3A_2] : memref<1600x16384xf32, #tpu.memory_space<hbm>> -> memref<32x512xf32, #tpu.memory_space<hbm>>
        %dma_wait3A_250 = arith.constant 0 : i32
        %dma_wait3A_251 = arith.constant 0 : i32
        %dma_wait3A_252 = tpu.memref_slice %arg8[%dma_wait3A_250, %dma_wait3A_251] : memref<32x513xf32, #tpu.memory_space<vmem>> -> memref<32x512xf32, #tpu.memory_space<vmem>>
        tpu.wait_dma2 semaphore(%arg11 : memref<!tpu.dma_semaphore, #tpu.memory_space<semaphore_mem>>) src(%dma_wait3A_252 : memref<32x512xf32, #tpu.memory_space<vmem>>) dst(%dma_wait3A_249 : memref<32x512xf32, #tpu.memory_space<hbm>>)
      } else {
      }
      %scan3A_159 = arith.constant 0 : i32
      %scan3A_160 = arith.constant 0 : i32
      %scan3A_161 = arith.constant 64 : i32
      %scan3A_162 = arith.addi %scan3A_160, %scan3A_161 : i32
      %scan3A_163 = arith.constant 1 : i32
      scf.for %scan3A_243 = %scan3A_160 to %scan3A_162 step %scan3A_163  : i32 {
        %mul3A_244 = arith.constant 8 : i32
        %mul3A_245 = arith.muli %scan3A_243, %mul3A_244 : i32
        %add3A_246 = arith.constant 0 : i32
        %add3A_247 = arith.addi %mul3A_245, %add3A_246 : i32
        %broadcast_in_dim3A = arith.constant 0 : i32
        %broadcast_in_dim3A_248 = vector.broadcast %broadcast_in_dim3A : i32 to vector<16xi32>
        %add3A_249 = vector.broadcast %add3A_247 : i32 to vector<16xi32>
        %add3A_250 = arith.addi %broadcast_in_dim3A_248, %add3A_249 : vector<16xi32>
        %add3A_251 = arith.constant 0 : i32
        %add3A_252 = arith.addi %add3A_251, %add3A_247 : i32
        %get3A = arith.index_cast %add3A_252 : i32 to index
        %get3A_253 = arith.constant 0 : index
        %get3A_254 = tpu.vector_load %arg7[%get3A, %get3A_253] {strides = array<i32>} : memref<1024x32xf32, #tpu.memory_space<vmem>>, vector<16xf32>,
        tpu.vector_store_idx %arg8[%iota3A, %add3A_250], %get3A_254 : memref<32x513xf32, #tpu.memory_space<vmem>>[vector<16xi32>, vector<16xi32>], vector<16xf32>,
        %add3A_255 = arith.constant 0 : i32
        %add3A_256 = arith.addi %add3A_255, %add3A_247 : i32
        %get3A_257 = arith.index_cast %add3A_256 : i32 to index
        %get3A_258 = arith.constant 16 : index
        %get3A_259 = tpu.vector_load %arg7[%get3A_257, %get3A_258] {strides = array<i32>} : memref<1024x32xf32, #tpu.memory_space<vmem>>, vector<16xf32>,
        tpu.vector_store_idx %arg8[%add3A_5, %add3A_250], %get3A_259 : memref<32x513xf32, #tpu.memory_space<vmem>>[vector<16xi32>, vector<16xi32>], vector<16xf32>,
        %mul3A_260 = arith.constant 8 : i32
        %mul3A_261 = arith.muli %scan3A_243, %mul3A_260 : i32
        %add3A_262 = arith.constant 1 : i32
        %add3A_263 = arith.addi %mul3A_261, %add3A_262 : i32
        %broadcast_in_dim3A_264 = arith.constant 0 : i32
        %broadcast_in_dim3A_265 = vector.broadcast %broadcast_in_dim3A_264 : i32 to vector<16xi32>
        %add3A_266 = vector.broadcast %add3A_263 : i32 to vector<16xi32>
        %add3A_267 = arith.addi %broadcast_in_dim3A_265, %add3A_266 : vector<16xi32>
        %add3A_268 = arith.constant 0 : i32
        %add3A_269 = arith.addi %add3A_268, %add3A_263 : i32
        %get3A_270 = arith.index_cast %add3A_269 : i32 to index
        %get3A_271 = arith.constant 0 : index
        %get3A_272 = tpu.vector_load %arg7[%get3A_270, %get3A_271] {strides = array<i32>} : memref<1024x32xf32, #tpu.memory_space<vmem>>, vector<16xf32>,
        tpu.vector_store_idx %arg8[%iota3A, %add3A_267], %get3A_272 : memref<32x513xf32, #tpu.memory_space<vmem>>[vector<16xi32>, vector<16xi32>], vector<16xf32>,
        %add3A_273 = arith.constant 0 : i32
        %add3A_274 = arith.addi %add3A_273, %add3A_263 : i32
        %get3A_275 = arith.index_cast %add3A_274 : i32 to index
        %get3A_276 = arith.constant 16 : index
        %get3A_277 = tpu.vector_load %arg7[%get3A_275, %get3A_276] {strides = array<i32>} : memref<1024x32xf32, #tpu.memory_space<vmem>>, vector<16xf32>,
        tpu.vector_store_idx %arg8[%add3A_5, %add3A_267], %get3A_277 : memref<32x513xf32, #tpu.memory_space<vmem>>[vector<16xi32>, vector<16xi32>], vector<16xf32>,
        %mul3A_278 = arith.constant 8 : i32
        %mul3A_279 = arith.muli %scan3A_243, %mul3A_278 : i32
        %add3A_280 = arith.constant 2 : i32
        %add3A_281 = arith.addi %mul3A_279, %add3A_280 : i32
        %broadcast_in_dim3A_282 = arith.constant 0 : i32
        %broadcast_in_dim3A_283 = vector.broadcast %broadcast_in_dim3A_282 : i32 to vector<16xi32>
        %add3A_284 = vector.broadcast %add3A_281 : i32 to vector<16xi32>
        %add3A_285 = arith.addi %broadcast_in_dim3A_283, %add3A_284 : vector<16xi32>
        %add3A_286 = arith.constant 0 : i32
        %add3A_287 = arith.addi %add3A_286, %add3A_281 : i32
        %get3A_288 = arith.index_cast %add3A_287 : i32 to index
        %get3A_289 = arith.constant 0 : index
        %get3A_290 = tpu.vector_load %arg7[%get3A_288, %get3A_289] {strides = array<i32>} : memref<1024x32xf32, #tpu.memory_space<vmem>>, vector<16xf32>,
        tpu.vector_store_idx %arg8[%iota3A, %add3A_285], %get3A_290 : memref<32x513xf32, #tpu.memory_space<vmem>>[vector<16xi32>, vector<16xi32>], vector<16xf32>,
        %add3A_291 = arith.constant 0 : i32
        %add3A_292 = arith.addi %add3A_291, %add3A_281 : i32
        %get3A_293 = arith.index_cast %add3A_292 : i32 to index
        %get3A_294 = arith.constant 16 : index
        %get3A_295 = tpu.vector_load %arg7[%get3A_293, %get3A_294] {strides = array<i32>} : memref<1024x32xf32, #tpu.memory_space<vmem>>, vector<16xf32>,
        tpu.vector_store_idx %arg8[%add3A_5, %add3A_285], %get3A_295 : memref<32x513xf32, #tpu.memory_space<vmem>>[vector<16xi32>, vector<16xi32>], vector<16xf32>,
        %mul3A_296 = arith.constant 8 : i32
        %mul3A_297 = arith.muli %scan3A_243, %mul3A_296 : i32
        %add3A_298 = arith.constant 3 : i32
        %add3A_299 = arith.addi %mul3A_297, %add3A_298 : i32
        %broadcast_in_dim3A_300 = arith.constant 0 : i32
        %broadcast_in_dim3A_301 = vector.broadcast %broadcast_in_dim3A_300 : i32 to vector<16xi32>
        %add3A_302 = vector.broadcast %add3A_299 : i32 to vector<16xi32>
        %add3A_303 = arith.addi %broadcast_in_dim3A_301, %add3A_302 : vector<16xi32>
        %add3A_304 = arith.constant 0 : i32
        %add3A_305 = arith.addi %add3A_304, %add3A_299 : i32
        %get3A_306 = arith.index_cast %add3A_305 : i32 to index
        %get3A_307 = arith.constant 0 : index
        %get3A_308 = tpu.vector_load %arg7[%get3A_306, %get3A_307] {strides = array<i32>} : memref<1024x32xf32, #tpu.memory_space<vmem>>, vector<16xf32>,
        tpu.vector_store_idx %arg8[%iota3A, %add3A_303], %get3A_308 : memref<32x513xf32, #tpu.memory_space<vmem>>[vector<16xi32>, vector<16xi32>], vector<16xf32>,
        %add3A_309 = arith.constant 0 : i32
        %add3A_310 = arith.addi %add3A_309, %add3A_299 : i32
        %get3A_311 = arith.index_cast %add3A_310 : i32 to index
        %get3A_312 = arith.constant 16 : index
        %get3A_313 = tpu.vector_load %arg7[%get3A_311, %get3A_312] {strides = array<i32>} : memref<1024x32xf32, #tpu.memory_space<vmem>>, vector<16xf32>,
        tpu.vector_store_idx %arg8[%add3A_5, %add3A_303], %get3A_313 : memref<32x513xf32, #tpu.memory_space<vmem>>[vector<16xi32>, vector<16xi32>], vector<16xf32>,
        %mul3A_314 = arith.constant 8 : i32
        %mul3A_315 = arith.muli %scan3A_243, %mul3A_314 : i32
        %add3A_316 = arith.constant 4 : i32
        %add3A_317 = arith.addi %mul3A_315, %add3A_316 : i32
        %broadcast_in_dim3A_318 = arith.constant 0 : i32
        %broadcast_in_dim3A_319 = vector.broadcast %broadcast_in_dim3A_318 : i32 to vector<16xi32>
        %add3A_320 = vector.broadcast %add3A_317 : i32 to vector<16xi32>
        %add3A_321 = arith.addi %broadcast_in_dim3A_319, %add3A_320 : vector<16xi32>
        %add3A_322 = arith.constant 0 : i32
        %add3A_323 = arith.addi %add3A_322, %add3A_317 : i32
        %get3A_324 = arith.index_cast %add3A_323 : i32 to index
        %get3A_325 = arith.constant 0 : index
        %get3A_326 = tpu.vector_load %arg7[%get3A_324, %get3A_325] {strides = array<i32>} : memref<1024x32xf32, #tpu.memory_space<vmem>>, vector<16xf32>,
        tpu.vector_store_idx %arg8[%iota3A, %add3A_321], %get3A_326 : memref<32x513xf32, #tpu.memory_space<vmem>>[vector<16xi32>, vector<16xi32>], vector<16xf32>,
        %add3A_327 = arith.constant 0 : i32
        %add3A_328 = arith.addi %add3A_327, %add3A_317 : i32
        %get3A_329 = arith.index_cast %add3A_328 : i32 to index
        %get3A_330 = arith.constant 16 : index
        %get3A_331 = tpu.vector_load %arg7[%get3A_329, %get3A_330] {strides = array<i32>} : memref<1024x32xf32, #tpu.memory_space<vmem>>, vector<16xf32>,
        tpu.vector_store_idx %arg8[%add3A_5, %add3A_321], %get3A_331 : memref<32x513xf32, #tpu.memory_space<vmem>>[vector<16xi32>, vector<16xi32>], vector<16xf32>,
        %mul3A_332 = arith.constant 8 : i32
        %mul3A_333 = arith.muli %scan3A_243, %mul3A_332 : i32
        %add3A_334 = arith.constant 5 : i32
        %add3A_335 = arith.addi %mul3A_333, %add3A_334 : i32
        %broadcast_in_dim3A_336 = arith.constant 0 : i32
        %broadcast_in_dim3A_337 = vector.broadcast %broadcast_in_dim3A_336 : i32 to vector<16xi32>
        %add3A_338 = vector.broadcast %add3A_335 : i32 to vector<16xi32>
        %add3A_339 = arith.addi %broadcast_in_dim3A_337, %add3A_338 : vector<16xi32>
        %add3A_340 = arith.constant 0 : i32
        %add3A_341 = arith.addi %add3A_340, %add3A_335 : i32
        %get3A_342 = arith.index_cast %add3A_341 : i32 to index
        %get3A_343 = arith.constant 0 : index
        %get3A_344 = tpu.vector_load %arg7[%get3A_342, %get3A_343] {strides = array<i32>} : memref<1024x32xf32, #tpu.memory_space<vmem>>, vector<16xf32>,
        tpu.vector_store_idx %arg8[%iota3A, %add3A_339], %get3A_344 : memref<32x513xf32, #tpu.memory_space<vmem>>[vector<16xi32>, vector<16xi32>], vector<16xf32>,
        %add3A_345 = arith.constant 0 : i32
        %add3A_346 = arith.addi %add3A_345, %add3A_335 : i32
        %get3A_347 = arith.index_cast %add3A_346 : i32 to index
        %get3A_348 = arith.constant 16 : index
        %get3A_349 = tpu.vector_load %arg7[%get3A_347, %get3A_348] {strides = array<i32>} : memref<1024x32xf32, #tpu.memory_space<vmem>>, vector<16xf32>,
        tpu.vector_store_idx %arg8[%add3A_5, %add3A_339], %get3A_349 : memref<32x513xf32, #tpu.memory_space<vmem>>[vector<16xi32>, vector<16xi32>], vector<16xf32>,
        %mul3A_350 = arith.constant 8 : i32
        %mul3A_351 = arith.muli %scan3A_243, %mul3A_350 : i32
        %add3A_352 = arith.constant 6 : i32
        %add3A_353 = arith.addi %mul3A_351, %add3A_352 : i32
        %broadcast_in_dim3A_354 = arith.constant 0 : i32
        %broadcast_in_dim3A_355 = vector.broadcast %broadcast_in_dim3A_354 : i32 to vector<16xi32>
        %add3A_356 = vector.broadcast %add3A_353 : i32 to vector<16xi32>
        %add3A_357 = arith.addi %broadcast_in_dim3A_355, %add3A_356 : vector<16xi32>
        %add3A_358 = arith.constant 0 : i32
        %add3A_359 = arith.addi %add3A_358, %add3A_353 : i32
        %get3A_360 = arith.index_cast %add3A_359 : i32 to index
        %get3A_361 = arith.constant 0 : index
        %get3A_362 = tpu.vector_load %arg7[%get3A_360, %get3A_361] {strides = array<i32>} : memref<1024x32xf32, #tpu.memory_space<vmem>>, vector<16xf32>,
        tpu.vector_store_idx %arg8[%iota3A, %add3A_357], %get3A_362 : memref<32x513xf32, #tpu.memory_space<vmem>>[vector<16xi32>, vector<16xi32>], vector<16xf32>,
        %add3A_363 = arith.constant 0 : i32
        %add3A_364 = arith.addi %add3A_363, %add3A_353 : i32
        %get3A_365 = arith.index_cast %add3A_364 : i32 to index
        %get3A_366 = arith.constant 16 : index
        %get3A_367 = tpu.vector_load %arg7[%get3A_365, %get3A_366] {strides = array<i32>} : memref<1024x32xf32, #tpu.memory_space<vmem>>, vector<16xf32>,
        tpu.vector_store_idx %arg8[%add3A_5, %add3A_357], %get3A_367 : memref<32x513xf32, #tpu.memory_space<vmem>>[vector<16xi32>, vector<16xi32>], vector<16xf32>,
        %mul3A_368 = arith.constant 8 : i32
        %mul3A_369 = arith.muli %scan3A_243, %mul3A_368 : i32
        %add3A_370 = arith.constant 7 : i32
        %add3A_371 = arith.addi %mul3A_369, %add3A_370 : i32
        %broadcast_in_dim3A_372 = arith.constant 0 : i32
        %broadcast_in_dim3A_373 = vector.broadcast %broadcast_in_dim3A_372 : i32 to vector<16xi32>
        %add3A_374 = vector.broadcast %add3A_371 : i32 to vector<16xi32>
        %add3A_375 = arith.addi %broadcast_in_dim3A_373, %add3A_374 : vector<16xi32>
        %add3A_376 = arith.constant 0 : i32
        %add3A_377 = arith.addi %add3A_376, %add3A_371 : i32
        %get3A_378 = arith.index_cast %add3A_377 : i32 to index
        %get3A_379 = arith.constant 0 : index
        %get3A_380 = tpu.vector_load %arg7[%get3A_378, %get3A_379] {strides = array<i32>} : memref<1024x32xf32, #tpu.memory_space<vmem>>, vector<16xf32>,
        tpu.vector_store_idx %arg8[%iota3A, %add3A_375], %get3A_380 : memref<32x513xf32, #tpu.memory_space<vmem>>[vector<16xi32>, vector<16xi32>], vector<16xf32>,
        %add3A_381 = arith.constant 0 : i32
        %add3A_382 = arith.addi %add3A_381, %add3A_371 : i32
        %get3A_383 = arith.index_cast %add3A_382 : i32 to index
        %get3A_384 = arith.constant 16 : index
        %get3A_385 = tpu.vector_load %arg7[%get3A_383, %get3A_384] {strides = array<i32>} : memref<1024x32xf32, #tpu.memory_space<vmem>>, vector<16xf32>,
        tpu.vector_store_idx %arg8[%add3A_5, %add3A_375], %get3A_385 : memref<32x513xf32, #tpu.memory_space<vmem>>[vector<16xi32>, vector<16xi32>], vector<16xf32>,
      }
      %scan3A_164 = arith.constant 64 : i32
      %mul3A_165 = arith.constant 32 : i32
      %mul3A_166 = arith.muli %mul3A_67, %mul3A_165 : i32
      %dma_start3A_167 = arith.constant 0 : i32
      %dma_start3A_168 = arith.constant 0 : i32
      %dma_start3A_169 = tpu.memref_slice %arg8[%dma_start3A_167, %dma_start3A_168] : memref<32x513xf32, #tpu.memory_space<vmem>> -> memref<32x512xf32, #tpu.memory_space<vmem>>
      %dma_start3A_170 = tpu.memref_slice %arg4[%mul3A_166, %mul3A_2] : memref<1600x16384xf32, #tpu.memory_space<hbm>> -> memref<32x512xf32, #tpu.memory_space<hbm>>
      %dma_start3A_171 = tpu.memref_slice %arg4[%mul3A_166, %mul3A_2] : memref<1600x16384xf32, #tpu.memory_space<hbm>> -> memref<32x512xf32, #tpu.memory_space<hbm>>
      %dma_start3A_172 = arith.constant 0 : i32
      %dma_start3A_173 = arith.constant 0 : i32
      %dma_start3A_174 = tpu.memref_slice %arg8[%dma_start3A_172, %dma_start3A_173] : memref<32x513xf32, #tpu.memory_space<vmem>> -> memref<32x512xf32, #tpu.memory_space<vmem>>
      tpu.enqueue_dma source(%dma_start3A_174 : memref<32x512xf32, #tpu.memory_space<vmem>>) target(%dma_start3A_171 : memref<32x512xf32, #tpu.memory_space<hbm>>) target_semaphore(%arg11 : memref<!tpu.dma_semaphore, #tpu.memory_space<semaphore_mem>>)
      %lt3A = arith.constant 24 : i32
      %lt3A_175 = arith.cmpi slt, %scan3A_65, %lt3A : i32
      %convert_element_type3A_176 = arith.extui %lt3A_175 : i1 to i32
      %cond3A_177 = arith.constant 0 : i32
      %cond3A_178 = arith.cmpi ne, %convert_element_type3A_176, %cond3A_177 : i32
      scf.if %cond3A_178 {
        %add3A_243 = arith.constant 2 : i32
        %add3A_244 = arith.addi %mul3A_67, %add3A_243 : i32
        %scan3A_245 = arith.constant 0 : i32
        %scan3A_246 = arith.constant 0 : i32
        %scan3A_247 = arith.constant 32 : i32
        %scan3A_248 = arith.addi %scan3A_246, %scan3A_247 : i32
        %scan3A_249 = arith.constant 1 : i32
        scf.for %scan3A_291 = %scan3A_246 to %scan3A_248 step %scan3A_249  : i32 {
          %mul3A_292 = arith.constant 16 : i32
          %mul3A_293 = arith.muli %scan3A_291, %mul3A_292 : i32
          %get3A = arith.index_cast %add3A_244 : i32 to index
          %get3A_294 = arith.index_cast %mul3A_293 : i32 to index
          %get3A_295 = tpu.vector_load %arg5[%get3A, %get3A_294] {strides = array<i32>} : memref<50x512xi32, #tpu.memory_space<vmem>>, vector<16xi32>,
          %rem3A = arith.constant 10000 : i32
          %rem3A_296 = vector.broadcast %rem3A : i32 to vector<16xi32>
          %rem3A_297 = arith.remsi %get3A_295, %rem3A_296 : vector<16xi32>
          %mul3A_298 = arith.constant 16 : i32
          %mul3A_299 = arith.muli %scan3A_291, %mul3A_298 : i32
          %swap3A = arith.constant 0 : i32
          %swap3A_300 = arith.index_cast %swap3A : i32 to index
          %swap3A_301 = arith.index_cast %mul3A_299 : i32 to index
          %swap3A_302 = tpu.vector_load %arg6[%swap3A_300, %swap3A_301] {strides = array<i32>} : memref<2x512xi32, #tpu.memory_space<vmem>>, vector<16xi32>,
          tpu.vector_store %arg6[%swap3A_300, %swap3A_301], %rem3A_297 {strides = array<i32>} : memref<2x512xi32, #tpu.memory_space<vmem>>, vector<16xi32>,
        }
        %scan3A_250 = arith.constant 32 : i32
        %dma_start3A_251 = arith.constant 0 : i32
        %dma_start3A_252 = arith.constant 0 : i32
        %dma_start3A_253 = arith.constant 0 : i32
        %dma_start3A_254 = tpu.memref_slice %arg7[%dma_start3A_252, %dma_start3A_253] : memref<1024x32xf32, #tpu.memory_space<vmem>> -> memref<128x32xf32, #tpu.memory_space<vmem>>
        %dma_start3A_255 = arith.constant 0 : i32
        %dma_start3A_256 = tpu.memref_slice %arg6[%dma_start3A_251, %dma_start3A_255] : memref<2x512xi32, #tpu.memory_space<vmem>> -> memref<1x128xi32, #tpu.memory_space<vmem>>
        %dma_start3A_257 = tpu.memref_squeeze %dma_start3A_256 : memref<1x128xi32, #tpu.memory_space<vmem>> -> memref<128xi32, #tpu.memory_space<vmem>>
        %dma_start3A_258 = arith.constant 0 : i32
        %dma_start3A_259 = arith.constant 0 : i32
        %dma_start3A_260 = tpu.memref_slice %arg3[%dma_start3A_258, %dma_start3A_259] : memref<10000x32xf32, #tpu.memory_space<hbm>> -> memref<10000x32xf32, #tpu.memory_space<hbm>>
        tpu.enqueue_indirect_dma source(%dma_start3A_260 : memref<10000x32xf32, #tpu.memory_space<hbm>>) target(%dma_start3A_254 : memref<128x32xf32, #tpu.memory_space<vmem>>) offsets(%dma_start3A_257 : memref<128xi32, #tpu.memory_space<vmem>>) semaphore(%arg9 : memref<!tpu.dma_semaphore, #tpu.memory_space<semaphore_mem>>)
        %dma_start3A_261 = arith.constant 0 : i32
        %dma_start3A_262 = arith.constant 128 : i32
        %dma_start3A_263 = arith.constant 0 : i32
        %dma_start3A_264 = tpu.memref_slice %arg7[%dma_start3A_262, %dma_start3A_263] : memref<1024x32xf32, #tpu.memory_space<vmem>> -> memref<128x32xf32, #tpu.memory_space<vmem>>
        %dma_start3A_265 = arith.constant 128 : i32
        %dma_start3A_266 = tpu.memref_slice %arg6[%dma_start3A_261, %dma_start3A_265] : memref<2x512xi32, #tpu.memory_space<vmem>> -> memref<1x128xi32, #tpu.memory_space<vmem>>
        %dma_start3A_267 = tpu.memref_squeeze %dma_start3A_266 : memref<1x128xi32, #tpu.memory_space<vmem>> -> memref<128xi32, #tpu.memory_space<vmem>>
        %dma_start3A_268 = arith.constant 0 : i32
        %dma_start3A_269 = arith.constant 0 : i32
        %dma_start3A_270 = tpu.memref_slice %arg3[%dma_start3A_268, %dma_start3A_269] : memref<10000x32xf32, #tpu.memory_space<hbm>> -> memref<10000x32xf32, #tpu.memory_space<hbm>>
        tpu.enqueue_indirect_dma source(%dma_start3A_270 : memref<10000x32xf32, #tpu.memory_space<hbm>>) target(%dma_start3A_264 : memref<128x32xf32, #tpu.memory_space<vmem>>) offsets(%dma_start3A_267 : memref<128xi32, #tpu.memory_space<vmem>>) semaphore(%arg9 : memref<!tpu.dma_semaphore, #tpu.memory_space<semaphore_mem>>)
        %dma_start3A_271 = arith.constant 0 : i32
        %dma_start3A_272 = arith.constant 256 : i32
        %dma_start3A_273 = arith.constant 0 : i32
        %dma_start3A_274 = tpu.memref_slice %arg7[%dma_start3A_272, %dma_start3A_273] : memref<1024x32xf32, #tpu.memory_space<vmem>> -> memref<128x32xf32, #tpu.memory_space<vmem>>
        %dma_start3A_275 = arith.constant 256 : i32
        %dma_start3A_276 = tpu.memref_slice %arg6[%dma_start3A_271, %dma_start3A_275] : memref<2x512xi32, #tpu.memory_space<vmem>> -> memref<1x128xi32, #tpu.memory_space<vmem>>
        %dma_start3A_277 = tpu.memref_squeeze %dma_start3A_276 : memref<1x128xi32, #tpu.memory_space<vmem>> -> memref<128xi32, #tpu.memory_space<vmem>>
        %dma_start3A_278 = arith.constant 0 : i32
        %dma_start3A_279 = arith.constant 0 : i32
        %dma_start3A_280 = tpu.memref_slice %arg3[%dma_start3A_278, %dma_start3A_279] : memref<10000x32xf32, #tpu.memory_space<hbm>> -> memref<10000x32xf32, #tpu.memory_space<hbm>>
        tpu.enqueue_indirect_dma source(%dma_start3A_280 : memref<10000x32xf32, #tpu.memory_space<hbm>>) target(%dma_start3A_274 : memref<128x32xf32, #tpu.memory_space<vmem>>) offsets(%dma_start3A_277 : memref<128xi32, #tpu.memory_space<vmem>>) semaphore(%arg9 : memref<!tpu.dma_semaphore, #tpu.memory_space<semaphore_mem>>)
        %dma_start3A_281 = arith.constant 0 : i32
        %dma_start3A_282 = arith.constant 384 : i32
        %dma_start3A_283 = arith.constant 0 : i32
        %dma_start3A_284 = tpu.memref_slice %arg7[%dma_start3A_282, %dma_start3A_283] : memref<1024x32xf32, #tpu.memory_space<vmem>> -> memref<128x32xf32, #tpu.memory_space<vmem>>
        %dma_start3A_285 = arith.constant 384 : i32
        %dma_start3A_286 = tpu.memref_slice %arg6[%dma_start3A_281, %dma_start3A_285] : memref<2x512xi32, #tpu.memory_space<vmem>> -> memref<1x128xi32, #tpu.memory_space<vmem>>
        %dma_start3A_287 = tpu.memref_squeeze %dma_start3A_286 : memref<1x128xi32, #tpu.memory_space<vmem>> -> memref<128xi32, #tpu.memory_space<vmem>>
        %dma_start3A_288 = arith.constant 0 : i32
        %dma_start3A_289 = arith.constant 0 : i32
        %dma_start3A_290 = tpu.memref_slice %arg3[%dma_start3A_288, %dma_start3A_289] : memref<10000x32xf32, #tpu.memory_space<hbm>> -> memref<10000x32xf32, #tpu.memory_space<hbm>>
        tpu.enqueue_indirect_dma source(%dma_start3A_290 : memref<10000x32xf32, #tpu.memory_space<hbm>>) target(%dma_start3A_284 : memref<128x32xf32, #tpu.memory_space<vmem>>) offsets(%dma_start3A_287 : memref<128xi32, #tpu.memory_space<vmem>>) semaphore(%arg9 : memref<!tpu.dma_semaphore, #tpu.memory_space<semaphore_mem>>)
      } else {
      }
      %add3A_179 = arith.constant 1 : i32
      %add3A_180 = arith.addi %mul3A_67, %add3A_179 : i32
      %dma_wait3A_181 = arith.constant 0 : i32
      %dma_wait3A_182 = arith.constant 512 : i32
      %dma_wait3A_183 = arith.constant 0 : i32
      %dma_wait3A_184 = tpu.memref_slice %arg7[%dma_wait3A_182, %dma_wait3A_183] : memref<1024x32xf32, #tpu.memory_space<vmem>> -> memref<128x32xf32, #tpu.memory_space<vmem>>
      %dma_wait3A_185 = arith.constant 0 : i32
      %dma_wait3A_186 = tpu.memref_slice %arg5[%dma_wait3A_181, %dma_wait3A_185] : memref<50x512xi32, #tpu.memory_space<vmem>> -> memref<1x128xi32, #tpu.memory_space<vmem>>
      %dma_wait3A_187 = tpu.memref_squeeze %dma_wait3A_186 : memref<1x128xi32, #tpu.memory_space<vmem>> -> memref<128xi32, #tpu.memory_space<vmem>>
      %dma_wait3A_188 = arith.constant 0 : i32
      %dma_wait3A_189 = arith.constant 0 : i32
      %dma_wait3A_190 = tpu.memref_slice %arg3[%dma_wait3A_188, %dma_wait3A_189] : memref<10000x32xf32, #tpu.memory_space<hbm>> -> memref<10000x32xf32, #tpu.memory_space<hbm>>
      tpu.wait_indirect_dma semaphore(%arg10 : memref<!tpu.dma_semaphore, #tpu.memory_space<semaphore_mem>>) src(%dma_wait3A_190 : memref<10000x32xf32, #tpu.memory_space<hbm>>) dst(%dma_wait3A_184 : memref<128x32xf32, #tpu.memory_space<vmem>>)
      %dma_wait3A_191 = arith.constant 0 : i32
      %dma_wait3A_192 = arith.constant 640 : i32
      %dma_wait3A_193 = arith.constant 0 : i32
      %dma_wait3A_194 = tpu.memref_slice %arg7[%dma_wait3A_192, %dma_wait3A_193] : memref<1024x32xf32, #tpu.memory_space<vmem>> -> memref<128x32xf32, #tpu.memory_space<vmem>>
      %dma_wait3A_195 = arith.constant 128 : i32
      %dma_wait3A_196 = tpu.memref_slice %arg5[%dma_wait3A_191, %dma_wait3A_195] : memref<50x512xi32, #tpu.memory_space<vmem>> -> memref<1x128xi32, #tpu.memory_space<vmem>>
      %dma_wait3A_197 = tpu.memref_squeeze %dma_wait3A_196 : memref<1x128xi32, #tpu.memory_space<vmem>> -> memref<128xi32, #tpu.memory_space<vmem>>
      %dma_wait3A_198 = arith.constant 0 : i32
      %dma_wait3A_199 = arith.constant 0 : i32
      %dma_wait3A_200 = tpu.memref_slice %arg3[%dma_wait3A_198, %dma_wait3A_199] : memref<10000x32xf32, #tpu.memory_space<hbm>> -> memref<10000x32xf32, #tpu.memory_space<hbm>>
      tpu.wait_indirect_dma semaphore(%arg10 : memref<!tpu.dma_semaphore, #tpu.memory_space<semaphore_mem>>) src(%dma_wait3A_200 : memref<10000x32xf32, #tpu.memory_space<hbm>>) dst(%dma_wait3A_194 : memref<128x32xf32, #tpu.memory_space<vmem>>)
      %dma_wait3A_201 = arith.constant 0 : i32
      %dma_wait3A_202 = arith.constant 768 : i32
      %dma_wait3A_203 = arith.constant 0 : i32
      %dma_wait3A_204 = tpu.memref_slice %arg7[%dma_wait3A_202, %dma_wait3A_203] : memref<1024x32xf32, #tpu.memory_space<vmem>> -> memref<128x32xf32, #tpu.memory_space<vmem>>
      %dma_wait3A_205 = arith.constant 256 : i32
      %dma_wait3A_206 = tpu.memref_slice %arg5[%dma_wait3A_201, %dma_wait3A_205] : memref<50x512xi32, #tpu.memory_space<vmem>> -> memref<1x128xi32, #tpu.memory_space<vmem>>
      %dma_wait3A_207 = tpu.memref_squeeze %dma_wait3A_206 : memref<1x128xi32, #tpu.memory_space<vmem>> -> memref<128xi32, #tpu.memory_space<vmem>>
      %dma_wait3A_208 = arith.constant 0 : i32
      %dma_wait3A_209 = arith.constant 0 : i32
      %dma_wait3A_210 = tpu.memref_slice %arg3[%dma_wait3A_208, %dma_wait3A_209] : memref<10000x32xf32, #tpu.memory_space<hbm>> -> memref<10000x32xf32, #tpu.memory_space<hbm>>
      tpu.wait_indirect_dma semaphore(%arg10 : memref<!tpu.dma_semaphore, #tpu.memory_space<semaphore_mem>>) src(%dma_wait3A_210 : memref<10000x32xf32, #tpu.memory_space<hbm>>) dst(%dma_wait3A_204 : memref<128x32xf32, #tpu.memory_space<vmem>>)
      %dma_wait3A_211 = arith.constant 0 : i32
      %dma_wait3A_212 = arith.constant 896 : i32
      %dma_wait3A_213 = arith.constant 0 : i32
      %dma_wait3A_214 = tpu.memref_slice %arg7[%dma_wait3A_212, %dma_wait3A_213] : memref<1024x32xf32, #tpu.memory_space<vmem>> -> memref<128x32xf32, #tpu.memory_space<vmem>>
      %dma_wait3A_215 = arith.constant 384 : i32
      %dma_wait3A_216 = tpu.memref_slice %arg5[%dma_wait3A_211, %dma_wait3A_215] : memref<50x512xi32, #tpu.memory_space<vmem>> -> memref<1x128xi32, #tpu.memory_space<vmem>>
      %dma_wait3A_217 = tpu.memref_squeeze %dma_wait3A_216 : memref<1x128xi32, #tpu.memory_space<vmem>> -> memref<128xi32, #tpu.memory_space<vmem>>
      %dma_wait3A_218 = arith.constant 0 : i32
      %dma_wait3A_219 = arith.constant 0 : i32
      %dma_wait3A_220 = tpu.memref_slice %arg3[%dma_wait3A_218, %dma_wait3A_219] : memref<10000x32xf32, #tpu.memory_space<hbm>> -> memref<10000x32xf32, #tpu.memory_space<hbm>>
      tpu.wait_indirect_dma semaphore(%arg10 : memref<!tpu.dma_semaphore, #tpu.memory_space<semaphore_mem>>) src(%dma_wait3A_220 : memref<10000x32xf32, #tpu.memory_space<hbm>>) dst(%dma_wait3A_214 : memref<128x32xf32, #tpu.memory_space<vmem>>)
      %not3A_221 = arith.constant false
      %not3A_222 = arith.constant true
      %not3A_223 = arith.xori %not3A_221, %not3A_222 : i1
      %convert_element_type3A_224 = arith.extui %not3A_223 : i1 to i32
      %cond3A_225 = arith.constant 0 : i32
      %cond3A_226 = arith.cmpi ne, %convert_element_type3A_224, %cond3A_225 : i32
      scf.if %cond3A_226 {
        %dma_wait3A_243 = arith.constant 0 : i32
        %dma_wait3A_244 = arith.constant 0 : i32
        %dma_wait3A_245 = tpu.memref_slice %arg8[%dma_wait3A_243, %dma_wait3A_244] : memref<32x513xf32, #tpu.memory_space<vmem>> -> memref<32x512xf32, #tpu.memory_space<vmem>>
        %dma_wait3A_246 = arith.constant 0 : i32
        %dma_wait3A_247 = tpu.memref_slice %arg4[%dma_wait3A_246, %mul3A_2] : memref<1600x16384xf32, #tpu.memory_space<hbm>> -> memref<32x512xf32, #tpu.memory_space<hbm>>
        %dma_wait3A_248 = arith.constant 0 : i32
        %dma_wait3A_249 = tpu.memref_slice %arg4[%dma_wait3A_248, %mul3A_2] : memref<1600x16384xf32, #tpu.memory_space<hbm>> -> memref<32x512xf32, #tpu.memory_space<hbm>>
        %dma_wait3A_250 = arith.constant 0 : i32
        %dma_wait3A_251 = arith.constant 0 : i32
        %dma_wait3A_252 = tpu.memref_slice %arg8[%dma_wait3A_250, %dma_wait3A_251] : memref<32x513xf32, #tpu.memory_space<vmem>> -> memref<32x512xf32, #tpu.memory_space<vmem>>
        tpu.wait_dma2 semaphore(%arg11 : memref<!tpu.dma_semaphore, #tpu.memory_space<semaphore_mem>>) src(%dma_wait3A_252 : memref<32x512xf32, #tpu.memory_space<vmem>>) dst(%dma_wait3A_249 : memref<32x512xf32, #tpu.memory_space<hbm>>)
      } else {
      }
      %scan3A_227 = arith.constant 0 : i32
      %scan3A_228 = arith.constant 0 : i32
      %scan3A_229 = arith.constant 64 : i32
      %scan3A_230 = arith.addi %scan3A_228, %scan3A_229 : i32
      %scan3A_231 = arith.constant 1 : i32
      scf.for %scan3A_243 = %scan3A_228 to %scan3A_230 step %scan3A_231  : i32 {
        %mul3A_244 = arith.constant 8 : i32
        %mul3A_245 = arith.muli %scan3A_243, %mul3A_244 : i32
        %add3A_246 = arith.constant 0 : i32
        %add3A_247 = arith.addi %mul3A_245, %add3A_246 : i32
        %broadcast_in_dim3A = arith.constant 0 : i32
        %broadcast_in_dim3A_248 = vector.broadcast %broadcast_in_dim3A : i32 to vector<16xi32>
        %add3A_249 = vector.broadcast %add3A_247 : i32 to vector<16xi32>
        %add3A_250 = arith.addi %broadcast_in_dim3A_248, %add3A_249 : vector<16xi32>
        %add3A_251 = arith.constant 512 : i32
        %add3A_252 = arith.addi %add3A_251, %add3A_247 : i32
        %get3A = arith.index_cast %add3A_252 : i32 to index
        %get3A_253 = arith.constant 0 : index
        %get3A_254 = tpu.vector_load %arg7[%get3A, %get3A_253] {strides = array<i32>} : memref<1024x32xf32, #tpu.memory_space<vmem>>, vector<16xf32>,
        tpu.vector_store_idx %arg8[%iota3A, %add3A_250], %get3A_254 : memref<32x513xf32, #tpu.memory_space<vmem>>[vector<16xi32>, vector<16xi32>], vector<16xf32>,
        %add3A_255 = arith.constant 512 : i32
        %add3A_256 = arith.addi %add3A_255, %add3A_247 : i32
        %get3A_257 = arith.index_cast %add3A_256 : i32 to index
        %get3A_258 = arith.constant 16 : index
        %get3A_259 = tpu.vector_load %arg7[%get3A_257, %get3A_258] {strides = array<i32>} : memref<1024x32xf32, #tpu.memory_space<vmem>>, vector<16xf32>,
        tpu.vector_store_idx %arg8[%add3A_5, %add3A_250], %get3A_259 : memref<32x513xf32, #tpu.memory_space<vmem>>[vector<16xi32>, vector<16xi32>], vector<16xf32>,
        %mul3A_260 = arith.constant 8 : i32
        %mul3A_261 = arith.muli %scan3A_243, %mul3A_260 : i32
        %add3A_262 = arith.constant 1 : i32
        %add3A_263 = arith.addi %mul3A_261, %add3A_262 : i32
        %broadcast_in_dim3A_264 = arith.constant 0 : i32
        %broadcast_in_dim3A_265 = vector.broadcast %broadcast_in_dim3A_264 : i32 to vector<16xi32>
        %add3A_266 = vector.broadcast %add3A_263 : i32 to vector<16xi32>
        %add3A_267 = arith.addi %broadcast_in_dim3A_265, %add3A_266 : vector<16xi32>
        %add3A_268 = arith.constant 512 : i32
        %add3A_269 = arith.addi %add3A_268, %add3A_263 : i32
        %get3A_270 = arith.index_cast %add3A_269 : i32 to index
        %get3A_271 = arith.constant 0 : index
        %get3A_272 = tpu.vector_load %arg7[%get3A_270, %get3A_271] {strides = array<i32>} : memref<1024x32xf32, #tpu.memory_space<vmem>>, vector<16xf32>,
        tpu.vector_store_idx %arg8[%iota3A, %add3A_267], %get3A_272 : memref<32x513xf32, #tpu.memory_space<vmem>>[vector<16xi32>, vector<16xi32>], vector<16xf32>,
        %add3A_273 = arith.constant 512 : i32
        %add3A_274 = arith.addi %add3A_273, %add3A_263 : i32
        %get3A_275 = arith.index_cast %add3A_274 : i32 to index
        %get3A_276 = arith.constant 16 : index
        %get3A_277 = tpu.vector_load %arg7[%get3A_275, %get3A_276] {strides = array<i32>} : memref<1024x32xf32, #tpu.memory_space<vmem>>, vector<16xf32>,
        tpu.vector_store_idx %arg8[%add3A_5, %add3A_267], %get3A_277 : memref<32x513xf32, #tpu.memory_space<vmem>>[vector<16xi32>, vector<16xi32>], vector<16xf32>,
        %mul3A_278 = arith.constant 8 : i32
        %mul3A_279 = arith.muli %scan3A_243, %mul3A_278 : i32
        %add3A_280 = arith.constant 2 : i32
        %add3A_281 = arith.addi %mul3A_279, %add3A_280 : i32
        %broadcast_in_dim3A_282 = arith.constant 0 : i32
        %broadcast_in_dim3A_283 = vector.broadcast %broadcast_in_dim3A_282 : i32 to vector<16xi32>
        %add3A_284 = vector.broadcast %add3A_281 : i32 to vector<16xi32>
        %add3A_285 = arith.addi %broadcast_in_dim3A_283, %add3A_284 : vector<16xi32>
        %add3A_286 = arith.constant 512 : i32
        %add3A_287 = arith.addi %add3A_286, %add3A_281 : i32
        %get3A_288 = arith.index_cast %add3A_287 : i32 to index
        %get3A_289 = arith.constant 0 : index
        %get3A_290 = tpu.vector_load %arg7[%get3A_288, %get3A_289] {strides = array<i32>} : memref<1024x32xf32, #tpu.memory_space<vmem>>, vector<16xf32>,
        tpu.vector_store_idx %arg8[%iota3A, %add3A_285], %get3A_290 : memref<32x513xf32, #tpu.memory_space<vmem>>[vector<16xi32>, vector<16xi32>], vector<16xf32>,
        %add3A_291 = arith.constant 512 : i32
        %add3A_292 = arith.addi %add3A_291, %add3A_281 : i32
        %get3A_293 = arith.index_cast %add3A_292 : i32 to index
        %get3A_294 = arith.constant 16 : index
        %get3A_295 = tpu.vector_load %arg7[%get3A_293, %get3A_294] {strides = array<i32>} : memref<1024x32xf32, #tpu.memory_space<vmem>>, vector<16xf32>,
        tpu.vector_store_idx %arg8[%add3A_5, %add3A_285], %get3A_295 : memref<32x513xf32, #tpu.memory_space<vmem>>[vector<16xi32>, vector<16xi32>], vector<16xf32>,
        %mul3A_296 = arith.constant 8 : i32
        %mul3A_297 = arith.muli %scan3A_243, %mul3A_296 : i32
        %add3A_298 = arith.constant 3 : i32
        %add3A_299 = arith.addi %mul3A_297, %add3A_298 : i32
        %broadcast_in_dim3A_300 = arith.constant 0 : i32
        %broadcast_in_dim3A_301 = vector.broadcast %broadcast_in_dim3A_300 : i32 to vector<16xi32>
        %add3A_302 = vector.broadcast %add3A_299 : i32 to vector<16xi32>
        %add3A_303 = arith.addi %broadcast_in_dim3A_301, %add3A_302 : vector<16xi32>
        %add3A_304 = arith.constant 512 : i32
        %add3A_305 = arith.addi %add3A_304, %add3A_299 : i32
        %get3A_306 = arith.index_cast %add3A_305 : i32 to index
        %get3A_307 = arith.constant 0 : index
        %get3A_308 = tpu.vector_load %arg7[%get3A_306, %get3A_307] {strides = array<i32>} : memref<1024x32xf32, #tpu.memory_space<vmem>>, vector<16xf32>,
        tpu.vector_store_idx %arg8[%iota3A, %add3A_303], %get3A_308 : memref<32x513xf32, #tpu.memory_space<vmem>>[vector<16xi32>, vector<16xi32>], vector<16xf32>,
        %add3A_309 = arith.constant 512 : i32
        %add3A_310 = arith.addi %add3A_309, %add3A_299 : i32
        %get3A_311 = arith.index_cast %add3A_310 : i32 to index
        %get3A_312 = arith.constant 16 : index
        %get3A_313 = tpu.vector_load %arg7[%get3A_311, %get3A_312] {strides = array<i32>} : memref<1024x32xf32, #tpu.memory_space<vmem>>, vector<16xf32>,
        tpu.vector_store_idx %arg8[%add3A_5, %add3A_303], %get3A_313 : memref<32x513xf32, #tpu.memory_space<vmem>>[vector<16xi32>, vector<16xi32>], vector<16xf32>,
        %mul3A_314 = arith.constant 8 : i32
        %mul3A_315 = arith.muli %scan3A_243, %mul3A_314 : i32
        %add3A_316 = arith.constant 4 : i32
        %add3A_317 = arith.addi %mul3A_315, %add3A_316 : i32
        %broadcast_in_dim3A_318 = arith.constant 0 : i32
        %broadcast_in_dim3A_319 = vector.broadcast %broadcast_in_dim3A_318 : i32 to vector<16xi32>
        %add3A_320 = vector.broadcast %add3A_317 : i32 to vector<16xi32>
        %add3A_321 = arith.addi %broadcast_in_dim3A_319, %add3A_320 : vector<16xi32>
        %add3A_322 = arith.constant 512 : i32
        %add3A_323 = arith.addi %add3A_322, %add3A_317 : i32
        %get3A_324 = arith.index_cast %add3A_323 : i32 to index
        %get3A_325 = arith.constant 0 : index
        %get3A_326 = tpu.vector_load %arg7[%get3A_324, %get3A_325] {strides = array<i32>} : memref<1024x32xf32, #tpu.memory_space<vmem>>, vector<16xf32>,
        tpu.vector_store_idx %arg8[%iota3A, %add3A_321], %get3A_326 : memref<32x513xf32, #tpu.memory_space<vmem>>[vector<16xi32>, vector<16xi32>], vector<16xf32>,
        %add3A_327 = arith.constant 512 : i32
        %add3A_328 = arith.addi %add3A_327, %add3A_317 : i32
        %get3A_329 = arith.index_cast %add3A_328 : i32 to index
        %get3A_330 = arith.constant 16 : index
        %get3A_331 = tpu.vector_load %arg7[%get3A_329, %get3A_330] {strides = array<i32>} : memref<1024x32xf32, #tpu.memory_space<vmem>>, vector<16xf32>,
        tpu.vector_store_idx %arg8[%add3A_5, %add3A_321], %get3A_331 : memref<32x513xf32, #tpu.memory_space<vmem>>[vector<16xi32>, vector<16xi32>], vector<16xf32>,
        %mul3A_332 = arith.constant 8 : i32
        %mul3A_333 = arith.muli %scan3A_243, %mul3A_332 : i32
        %add3A_334 = arith.constant 5 : i32
        %add3A_335 = arith.addi %mul3A_333, %add3A_334 : i32
        %broadcast_in_dim3A_336 = arith.constant 0 : i32
        %broadcast_in_dim3A_337 = vector.broadcast %broadcast_in_dim3A_336 : i32 to vector<16xi32>
        %add3A_338 = vector.broadcast %add3A_335 : i32 to vector<16xi32>
        %add3A_339 = arith.addi %broadcast_in_dim3A_337, %add3A_338 : vector<16xi32>
        %add3A_340 = arith.constant 512 : i32
        %add3A_341 = arith.addi %add3A_340, %add3A_335 : i32
        %get3A_342 = arith.index_cast %add3A_341 : i32 to index
        %get3A_343 = arith.constant 0 : index
        %get3A_344 = tpu.vector_load %arg7[%get3A_342, %get3A_343] {strides = array<i32>} : memref<1024x32xf32, #tpu.memory_space<vmem>>, vector<16xf32>,
        tpu.vector_store_idx %arg8[%iota3A, %add3A_339], %get3A_344 : memref<32x513xf32, #tpu.memory_space<vmem>>[vector<16xi32>, vector<16xi32>], vector<16xf32>,
        %add3A_345 = arith.constant 512 : i32
        %add3A_346 = arith.addi %add3A_345, %add3A_335 : i32
        %get3A_347 = arith.index_cast %add3A_346 : i32 to index
        %get3A_348 = arith.constant 16 : index
        %get3A_349 = tpu.vector_load %arg7[%get3A_347, %get3A_348] {strides = array<i32>} : memref<1024x32xf32, #tpu.memory_space<vmem>>, vector<16xf32>,
        tpu.vector_store_idx %arg8[%add3A_5, %add3A_339], %get3A_349 : memref<32x513xf32, #tpu.memory_space<vmem>>[vector<16xi32>, vector<16xi32>], vector<16xf32>,
        %mul3A_350 = arith.constant 8 : i32
        %mul3A_351 = arith.muli %scan3A_243, %mul3A_350 : i32
        %add3A_352 = arith.constant 6 : i32
        %add3A_353 = arith.addi %mul3A_351, %add3A_352 : i32
        %broadcast_in_dim3A_354 = arith.constant 0 : i32
        %broadcast_in_dim3A_355 = vector.broadcast %broadcast_in_dim3A_354 : i32 to vector<16xi32>
        %add3A_356 = vector.broadcast %add3A_353 : i32 to vector<16xi32>
        %add3A_357 = arith.addi %broadcast_in_dim3A_355, %add3A_356 : vector<16xi32>
        %add3A_358 = arith.constant 512 : i32
        %add3A_359 = arith.addi %add3A_358, %add3A_353 : i32
        %get3A_360 = arith.index_cast %add3A_359 : i32 to index
        %get3A_361 = arith.constant 0 : index
        %get3A_362 = tpu.vector_load %arg7[%get3A_360, %get3A_361] {strides = array<i32>} : memref<1024x32xf32, #tpu.memory_space<vmem>>, vector<16xf32>,
        tpu.vector_store_idx %arg8[%iota3A, %add3A_357], %get3A_362 : memref<32x513xf32, #tpu.memory_space<vmem>>[vector<16xi32>, vector<16xi32>], vector<16xf32>,
        %add3A_363 = arith.constant 512 : i32
        %add3A_364 = arith.addi %add3A_363, %add3A_353 : i32
        %get3A_365 = arith.index_cast %add3A_364 : i32 to index
        %get3A_366 = arith.constant 16 : index
        %get3A_367 = tpu.vector_load %arg7[%get3A_365, %get3A_366] {strides = array<i32>} : memref<1024x32xf32, #tpu.memory_space<vmem>>, vector<16xf32>,
        tpu.vector_store_idx %arg8[%add3A_5, %add3A_357], %get3A_367 : memref<32x513xf32, #tpu.memory_space<vmem>>[vector<16xi32>, vector<16xi32>], vector<16xf32>,
        %mul3A_368 = arith.constant 8 : i32
        %mul3A_369 = arith.muli %scan3A_243, %mul3A_368 : i32
        %add3A_370 = arith.constant 7 : i32
        %add3A_371 = arith.addi %mul3A_369, %add3A_370 : i32
        %broadcast_in_dim3A_372 = arith.constant 0 : i32
        %broadcast_in_dim3A_373 = vector.broadcast %broadcast_in_dim3A_372 : i32 to vector<16xi32>
        %add3A_374 = vector.broadcast %add3A_371 : i32 to vector<16xi32>
        %add3A_375 = arith.addi %broadcast_in_dim3A_373, %add3A_374 : vector<16xi32>
        %add3A_376 = arith.constant 512 : i32
        %add3A_377 = arith.addi %add3A_376, %add3A_371 : i32
        %get3A_378 = arith.index_cast %add3A_377 : i32 to index
        %get3A_379 = arith.constant 0 : index
        %get3A_380 = tpu.vector_load %arg7[%get3A_378, %get3A_379] {strides = array<i32>} : memref<1024x32xf32, #tpu.memory_space<vmem>>, vector<16xf32>,
        tpu.vector_store_idx %arg8[%iota3A, %add3A_375], %get3A_380 : memref<32x513xf32, #tpu.memory_space<vmem>>[vector<16xi32>, vector<16xi32>], vector<16xf32>,
        %add3A_381 = arith.constant 512 : i32
        %add3A_382 = arith.addi %add3A_381, %add3A_371 : i32
        %get3A_383 = arith.index_cast %add3A_382 : i32 to index
        %get3A_384 = arith.constant 16 : index
        %get3A_385 = tpu.vector_load %arg7[%get3A_383, %get3A_384] {strides = array<i32>} : memref<1024x32xf32, #tpu.memory_space<vmem>>, vector<16xf32>,
        tpu.vector_store_idx %arg8[%add3A_5, %add3A_375], %get3A_385 : memref<32x513xf32, #tpu.memory_space<vmem>>[vector<16xi32>, vector<16xi32>], vector<16xf32>,
      }
      %scan3A_232 = arith.constant 64 : i32
      %mul3A_233 = arith.constant 32 : i32
      %mul3A_234 = arith.muli %add3A_180, %mul3A_233 : i32
      %dma_start3A_235 = arith.constant 0 : i32
      %dma_start3A_236 = arith.constant 0 : i32
      %dma_start3A_237 = tpu.memref_slice %arg8[%dma_start3A_235, %dma_start3A_236] : memref<32x513xf32, #tpu.memory_space<vmem>> -> memref<32x512xf32, #tpu.memory_space<vmem>>
      %dma_start3A_238 = tpu.memref_slice %arg4[%mul3A_234, %mul3A_2] : memref<1600x16384xf32, #tpu.memory_space<hbm>> -> memref<32x512xf32, #tpu.memory_space<hbm>>
      %dma_start3A_239 = tpu.memref_slice %arg4[%mul3A_234, %mul3A_2] : memref<1600x16384xf32, #tpu.memory_space<hbm>> -> memref<32x512xf32, #tpu.memory_space<hbm>>
      %dma_start3A_240 = arith.constant 0 : i32
      %dma_start3A_241 = arith.constant 0 : i32
      %dma_start3A_242 = tpu.memref_slice %arg8[%dma_start3A_240, %dma_start3A_241] : memref<32x513xf32, #tpu.memory_space<vmem>> -> memref<32x512xf32, #tpu.memory_space<vmem>>
      tpu.enqueue_dma source(%dma_start3A_242 : memref<32x512xf32, #tpu.memory_space<vmem>>) target(%dma_start3A_239 : memref<32x512xf32, #tpu.memory_space<hbm>>) target_semaphore(%arg11 : memref<!tpu.dma_semaphore, #tpu.memory_space<semaphore_mem>>)
    }
    %scan3A_55 = arith.constant 25 : i32
    %dma_wait3A = arith.constant 0 : i32
    %dma_wait3A_56 = arith.constant 0 : i32
    %dma_wait3A_57 = tpu.memref_slice %arg8[%dma_wait3A, %dma_wait3A_56] : memref<32x513xf32, #tpu.memory_space<vmem>> -> memref<32x512xf32, #tpu.memory_space<vmem>>
    %dma_wait3A_58 = arith.constant 0 : i32
    %dma_wait3A_59 = tpu.memref_slice %arg4[%dma_wait3A_58, %mul3A_2] : memref<1600x16384xf32, #tpu.memory_space<hbm>> -> memref<32x512xf32, #tpu.memory_space<hbm>>
    %dma_wait3A_60 = arith.constant 0 : i32
    %dma_wait3A_61 = tpu.memref_slice %arg4[%dma_wait3A_60, %mul3A_2] : memref<1600x16384xf32, #tpu.memory_space<hbm>> -> memref<32x512xf32, #tpu.memory_space<hbm>>
    %dma_wait3A_62 = arith.constant 0 : i32
    %dma_wait3A_63 = arith.constant 0 : i32
    %dma_wait3A_64 = tpu.memref_slice %arg8[%dma_wait3A_62, %dma_wait3A_63] : memref<32x513xf32, #tpu.memory_space<vmem>> -> memref<32x512xf32, #tpu.memory_space<vmem>>
    tpu.wait_dma2 semaphore(%arg11 : memref<!tpu.dma_semaphore, #tpu.memory_space<semaphore_mem>>) src(%dma_wait3A_64 : memref<32x512xf32, #tpu.memory_space<vmem>>) dst(%dma_wait3A_61 : memref<32x512xf32, #tpu.memory_space<hbm>>)
    return
  }
}

#map = affine_map<(d0, d1) -> (0, 0)>
module attributes {stable_mosaic.version = 14 : i64} {
  func.func @k2(%arg0: i32, %arg1: i32, %arg2: memref<50x16384xi32, #tpu.memory_space<hbm>>, %arg3: memref<1000000x32xf32, #tpu.memory_space<hbm>>, %arg4: memref<1600x16384xf32, #tpu.memory_space<hbm>>, %arg5: memref<50x512xi32, #tpu.memory_space<vmem>>, %arg6: memref<2x512xi32, #tpu.memory_space<vmem>>, %arg7: memref<1024x32xf32, #tpu.memory_space<vmem>>, %arg8: memref<32x513xf32, #tpu.memory_space<vmem>>, %arg9: memref<!tpu.dma_semaphore, #tpu.memory_space<semaphore_mem>>, %arg10: memref<!tpu.dma_semaphore, #tpu.memory_space<semaphore_mem>>, %arg11: memref<!tpu.dma_semaphore, #tpu.memory_space<semaphore_mem>>) attributes {dimension_semantics = [#tpu.dimension_semantics<core_parallel>, #tpu.dimension_semantics<subcore_parallel>], iteration_bounds = array<i64: 2, 16>, scalar_prefetch = 0 : i64, scratch_operands = 7 : i64, tpu.core_type = #tpu.core_type<sc_vector_subcore>, window_params = [{transform_indices = #map}, {transform_indices = #map}, {transform_indices = #map}]} {
    %mul3A = arith.constant 2 : i32
    %mul3A_0 = arith.muli %arg1, %mul3A : i32
    %add3A = arith.addi %mul3A_0, %arg0 : i32
    %mul3A_1 = arith.constant 512 : i32
    %mul3A_2 = arith.muli %add3A, %mul3A_1 : i32
    %iota3A = tpu.iota {dimensions = array<i32: 0>} : vector<16xi32>
    %add3A_3 = arith.constant 16 : i32
    %add3A_4 = vector.broadcast %add3A_3 : i32 to vector<16xi32>
    %add3A_5 = arith.addi %iota3A, %add3A_4 : vector<16xi32>
    "tpu.region"() ({
      %run_scoped3A = tpu.sem_alloc : memref<!tpu.dma_semaphore, #tpu.memory_space<semaphore_mem>>
      %dma_start3A_59 = arith.constant 0 : i32
      %dma_start3A_60 = tpu.memref_slice %arg2[%dma_start3A_59, %mul3A_2] : memref<50x16384xi32, #tpu.memory_space<hbm>> -> memref<50x512xi32, #tpu.memory_space<hbm>>
      %dma_start3A_61 = arith.constant 0 : i32
      %dma_start3A_62 = tpu.memref_slice %arg2[%dma_start3A_61, %mul3A_2] : memref<50x16384xi32, #tpu.memory_space<hbm>> -> memref<50x512xi32, #tpu.memory_space<hbm>>
      tpu.enqueue_dma source(%dma_start3A_62 : memref<50x512xi32, #tpu.memory_space<hbm>>) target(%arg5 : memref<50x512xi32, #tpu.memory_space<vmem>>) target_semaphore(%run_scoped3A : memref<!tpu.dma_semaphore, #tpu.memory_space<semaphore_mem>>)
      %dma_wait3A_63 = arith.constant 0 : i32
      %dma_wait3A_64 = tpu.memref_slice %arg2[%dma_wait3A_63, %mul3A_2] : memref<50x16384xi32, #tpu.memory_space<hbm>> -> memref<50x512xi32, #tpu.memory_space<hbm>>
      %dma_wait3A_65 = arith.constant 0 : i32
      %dma_wait3A_66 = tpu.memref_slice %arg2[%dma_wait3A_65, %mul3A_2] : memref<50x16384xi32, #tpu.memory_space<hbm>> -> memref<50x512xi32, #tpu.memory_space<hbm>>
      tpu.wait_dma2 semaphore(%run_scoped3A : memref<!tpu.dma_semaphore, #tpu.memory_space<semaphore_mem>>) src(%dma_wait3A_66 : memref<50x512xi32, #tpu.memory_space<hbm>>) dst(%arg5 : memref<50x512xi32, #tpu.memory_space<vmem>>)
      tpu.yield
    }) : () -> ()
    %dma_start3A = arith.constant 0 : i32
    %dma_start3A_6 = arith.constant 0 : i32
    %dma_start3A_7 = arith.constant 0 : i32
    %dma_start3A_8 = tpu.memref_slice %arg7[%dma_start3A_6, %dma_start3A_7] : memref<1024x32xf32, #tpu.memory_space<vmem>> -> memref<128x32xf32, #tpu.memory_space<vmem>>
    %dma_start3A_9 = arith.constant 0 : i32
    %dma_start3A_10 = tpu.memref_slice %arg5[%dma_start3A, %dma_start3A_9] : memref<50x512xi32, #tpu.memory_space<vmem>> -> memref<1x128xi32, #tpu.memory_space<vmem>>
    %dma_start3A_11 = tpu.memref_squeeze %dma_start3A_10 : memref<1x128xi32, #tpu.memory_space<vmem>> -> memref<128xi32, #tpu.memory_space<vmem>>
    %dma_start3A_12 = arith.constant 0 : i32
    %dma_start3A_13 = arith.constant 0 : i32
    %dma_start3A_14 = tpu.memref_slice %arg3[%dma_start3A_12, %dma_start3A_13] : memref<1000000x32xf32, #tpu.memory_space<hbm>> -> memref<1000000x32xf32, #tpu.memory_space<hbm>>
    tpu.enqueue_indirect_dma source(%dma_start3A_14 : memref<1000000x32xf32, #tpu.memory_space<hbm>>) target(%dma_start3A_8 : memref<128x32xf32, #tpu.memory_space<vmem>>) offsets(%dma_start3A_11 : memref<128xi32, #tpu.memory_space<vmem>>) semaphore(%arg9 : memref<!tpu.dma_semaphore, #tpu.memory_space<semaphore_mem>>)
    %dma_start3A_15 = arith.constant 0 : i32
    %dma_start3A_16 = arith.constant 128 : i32
    %dma_start3A_17 = arith.constant 0 : i32
    %dma_start3A_18 = tpu.memref_slice %arg7[%dma_start3A_16, %dma_start3A_17] : memref<1024x32xf32, #tpu.memory_space<vmem>> -> memref<128x32xf32, #tpu.memory_space<vmem>>
    %dma_start3A_19 = arith.constant 128 : i32
    %dma_start3A_20 = tpu.memref_slice %arg5[%dma_start3A_15, %dma_start3A_19] : memref<50x512xi32, #tpu.memory_space<vmem>> -> memref<1x128xi32, #tpu.memory_space<vmem>>
    %dma_start3A_21 = tpu.memref_squeeze %dma_start3A_20 : memref<1x128xi32, #tpu.memory_space<vmem>> -> memref<128xi32, #tpu.memory_space<vmem>>
    %dma_start3A_22 = arith.constant 0 : i32
    %dma_start3A_23 = arith.constant 0 : i32
    %dma_start3A_24 = tpu.memref_slice %arg3[%dma_start3A_22, %dma_start3A_23] : memref<1000000x32xf32, #tpu.memory_space<hbm>> -> memref<1000000x32xf32, #tpu.memory_space<hbm>>
    tpu.enqueue_indirect_dma source(%dma_start3A_24 : memref<1000000x32xf32, #tpu.memory_space<hbm>>) target(%dma_start3A_18 : memref<128x32xf32, #tpu.memory_space<vmem>>) offsets(%dma_start3A_21 : memref<128xi32, #tpu.memory_space<vmem>>) semaphore(%arg9 : memref<!tpu.dma_semaphore, #tpu.memory_space<semaphore_mem>>)
    %dma_start3A_25 = arith.constant 0 : i32
    %dma_start3A_26 = arith.constant 256 : i32
    %dma_start3A_27 = arith.constant 0 : i32
    %dma_start3A_28 = tpu.memref_slice %arg7[%dma_start3A_26, %dma_start3A_27] : memref<1024x32xf32, #tpu.memory_space<vmem>> -> memref<128x32xf32, #tpu.memory_space<vmem>>
    %dma_start3A_29 = arith.constant 256 : i32
    %dma_start3A_30 = tpu.memref_slice %arg5[%dma_start3A_25, %dma_start3A_29] : memref<50x512xi32, #tpu.memory_space<vmem>> -> memref<1x128xi32, #tpu.memory_space<vmem>>
    %dma_start3A_31 = tpu.memref_squeeze %dma_start3A_30 : memref<1x128xi32, #tpu.memory_space<vmem>> -> memref<128xi32, #tpu.memory_space<vmem>>
    %dma_start3A_32 = arith.constant 0 : i32
    %dma_start3A_33 = arith.constant 0 : i32
    %dma_start3A_34 = tpu.memref_slice %arg3[%dma_start3A_32, %dma_start3A_33] : memref<1000000x32xf32, #tpu.memory_space<hbm>> -> memref<1000000x32xf32, #tpu.memory_space<hbm>>
    tpu.enqueue_indirect_dma source(%dma_start3A_34 : memref<1000000x32xf32, #tpu.memory_space<hbm>>) target(%dma_start3A_28 : memref<128x32xf32, #tpu.memory_space<vmem>>) offsets(%dma_start3A_31 : memref<128xi32, #tpu.memory_space<vmem>>) semaphore(%arg9 : memref<!tpu.dma_semaphore, #tpu.memory_space<semaphore_mem>>)
    %dma_start3A_35 = arith.constant 0 : i32
    %dma_start3A_36 = arith.constant 384 : i32
    %dma_start3A_37 = arith.constant 0 : i32
    %dma_start3A_38 = tpu.memref_slice %arg7[%dma_start3A_36, %dma_start3A_37] : memref<1024x32xf32, #tpu.memory_space<vmem>> -> memref<128x32xf32, #tpu.memory_space<vmem>>
    %dma_start3A_39 = arith.constant 384 : i32
    %dma_start3A_40 = tpu.memref_slice %arg5[%dma_start3A_35, %dma_start3A_39] : memref<50x512xi32, #tpu.memory_space<vmem>> -> memref<1x128xi32, #tpu.memory_space<vmem>>
    %dma_start3A_41 = tpu.memref_squeeze %dma_start3A_40 : memref<1x128xi32, #tpu.memory_space<vmem>> -> memref<128xi32, #tpu.memory_space<vmem>>
    %dma_start3A_42 = arith.constant 0 : i32
    %dma_start3A_43 = arith.constant 0 : i32
    %dma_start3A_44 = tpu.memref_slice %arg3[%dma_start3A_42, %dma_start3A_43] : memref<1000000x32xf32, #tpu.memory_space<hbm>> -> memref<1000000x32xf32, #tpu.memory_space<hbm>>
    tpu.enqueue_indirect_dma source(%dma_start3A_44 : memref<1000000x32xf32, #tpu.memory_space<hbm>>) target(%dma_start3A_38 : memref<128x32xf32, #tpu.memory_space<vmem>>) offsets(%dma_start3A_41 : memref<128xi32, #tpu.memory_space<vmem>>) semaphore(%arg9 : memref<!tpu.dma_semaphore, #tpu.memory_space<semaphore_mem>>)
    %scan3A = arith.constant 0 : i32
    %scan3A_45 = arith.constant 0 : i32
    %scan3A_46 = arith.constant 25 : i32
    %scan3A_47 = arith.addi %scan3A_45, %scan3A_46 : i32
    %scan3A_48 = arith.constant 1 : i32
    scf.for %scan3A_59 = %scan3A_45 to %scan3A_47 step %scan3A_48  : i32 {
      %mul3A_60 = arith.constant 2 : i32
      %mul3A_61 = arith.muli %mul3A_60, %scan3A_59 : i32
      %add3A_62 = arith.constant 1 : i32
      %add3A_63 = arith.addi %mul3A_61, %add3A_62 : i32
      %dma_start3A_64 = arith.constant 512 : i32
      %dma_start3A_65 = arith.constant 0 : i32
      %dma_start3A_66 = tpu.memref_slice %arg7[%dma_start3A_64, %dma_start3A_65] : memref<1024x32xf32, #tpu.memory_space<vmem>> -> memref<128x32xf32, #tpu.memory_space<vmem>>
      %dma_start3A_67 = arith.constant 0 : i32
      %dma_start3A_68 = tpu.memref_slice %arg5[%add3A_63, %dma_start3A_67] : memref<50x512xi32, #tpu.memory_space<vmem>> -> memref<1x128xi32, #tpu.memory_space<vmem>>
      %dma_start3A_69 = tpu.memref_squeeze %dma_start3A_68 : memref<1x128xi32, #tpu.memory_space<vmem>> -> memref<128xi32, #tpu.memory_space<vmem>>
      %dma_start3A_70 = arith.constant 0 : i32
      %dma_start3A_71 = arith.constant 0 : i32
      %dma_start3A_72 = tpu.memref_slice %arg3[%dma_start3A_70, %dma_start3A_71] : memref<1000000x32xf32, #tpu.memory_space<hbm>> -> memref<1000000x32xf32, #tpu.memory_space<hbm>>
      tpu.enqueue_indirect_dma source(%dma_start3A_72 : memref<1000000x32xf32, #tpu.memory_space<hbm>>) target(%dma_start3A_66 : memref<128x32xf32, #tpu.memory_space<vmem>>) offsets(%dma_start3A_69 : memref<128xi32, #tpu.memory_space<vmem>>) semaphore(%arg10 : memref<!tpu.dma_semaphore, #tpu.memory_space<semaphore_mem>>)
      %dma_start3A_73 = arith.constant 640 : i32
      %dma_start3A_74 = arith.constant 0 : i32
      %dma_start3A_75 = tpu.memref_slice %arg7[%dma_start3A_73, %dma_start3A_74] : memref<1024x32xf32, #tpu.memory_space<vmem>> -> memref<128x32xf32, #tpu.memory_space<vmem>>
      %dma_start3A_76 = arith.constant 128 : i32
      %dma_start3A_77 = tpu.memref_slice %arg5[%add3A_63, %dma_start3A_76] : memref<50x512xi32, #tpu.memory_space<vmem>> -> memref<1x128xi32, #tpu.memory_space<vmem>>
      %dma_start3A_78 = tpu.memref_squeeze %dma_start3A_77 : memref<1x128xi32, #tpu.memory_space<vmem>> -> memref<128xi32, #tpu.memory_space<vmem>>
      %dma_start3A_79 = arith.constant 0 : i32
      %dma_start3A_80 = arith.constant 0 : i32
      %dma_start3A_81 = tpu.memref_slice %arg3[%dma_start3A_79, %dma_start3A_80] : memref<1000000x32xf32, #tpu.memory_space<hbm>> -> memref<1000000x32xf32, #tpu.memory_space<hbm>>
      tpu.enqueue_indirect_dma source(%dma_start3A_81 : memref<1000000x32xf32, #tpu.memory_space<hbm>>) target(%dma_start3A_75 : memref<128x32xf32, #tpu.memory_space<vmem>>) offsets(%dma_start3A_78 : memref<128xi32, #tpu.memory_space<vmem>>) semaphore(%arg10 : memref<!tpu.dma_semaphore, #tpu.memory_space<semaphore_mem>>)
      %dma_start3A_82 = arith.constant 768 : i32
      %dma_start3A_83 = arith.constant 0 : i32
      %dma_start3A_84 = tpu.memref_slice %arg7[%dma_start3A_82, %dma_start3A_83] : memref<1024x32xf32, #tpu.memory_space<vmem>> -> memref<128x32xf32, #tpu.memory_space<vmem>>
      %dma_start3A_85 = arith.constant 256 : i32
      %dma_start3A_86 = tpu.memref_slice %arg5[%add3A_63, %dma_start3A_85] : memref<50x512xi32, #tpu.memory_space<vmem>> -> memref<1x128xi32, #tpu.memory_space<vmem>>
      %dma_start3A_87 = tpu.memref_squeeze %dma_start3A_86 : memref<1x128xi32, #tpu.memory_space<vmem>> -> memref<128xi32, #tpu.memory_space<vmem>>
      %dma_start3A_88 = arith.constant 0 : i32
      %dma_start3A_89 = arith.constant 0 : i32
      %dma_start3A_90 = tpu.memref_slice %arg3[%dma_start3A_88, %dma_start3A_89] : memref<1000000x32xf32, #tpu.memory_space<hbm>> -> memref<1000000x32xf32, #tpu.memory_space<hbm>>
      tpu.enqueue_indirect_dma source(%dma_start3A_90 : memref<1000000x32xf32, #tpu.memory_space<hbm>>) target(%dma_start3A_84 : memref<128x32xf32, #tpu.memory_space<vmem>>) offsets(%dma_start3A_87 : memref<128xi32, #tpu.memory_space<vmem>>) semaphore(%arg10 : memref<!tpu.dma_semaphore, #tpu.memory_space<semaphore_mem>>)
      %dma_start3A_91 = arith.constant 896 : i32
      %dma_start3A_92 = arith.constant 0 : i32
      %dma_start3A_93 = tpu.memref_slice %arg7[%dma_start3A_91, %dma_start3A_92] : memref<1024x32xf32, #tpu.memory_space<vmem>> -> memref<128x32xf32, #tpu.memory_space<vmem>>
      %dma_start3A_94 = arith.constant 384 : i32
      %dma_start3A_95 = tpu.memref_slice %arg5[%add3A_63, %dma_start3A_94] : memref<50x512xi32, #tpu.memory_space<vmem>> -> memref<1x128xi32, #tpu.memory_space<vmem>>
      %dma_start3A_96 = tpu.memref_squeeze %dma_start3A_95 : memref<1x128xi32, #tpu.memory_space<vmem>> -> memref<128xi32, #tpu.memory_space<vmem>>
      %dma_start3A_97 = arith.constant 0 : i32
      %dma_start3A_98 = arith.constant 0 : i32
      %dma_start3A_99 = tpu.memref_slice %arg3[%dma_start3A_97, %dma_start3A_98] : memref<1000000x32xf32, #tpu.memory_space<hbm>> -> memref<1000000x32xf32, #tpu.memory_space<hbm>>
      tpu.enqueue_indirect_dma source(%dma_start3A_99 : memref<1000000x32xf32, #tpu.memory_space<hbm>>) target(%dma_start3A_93 : memref<128x32xf32, #tpu.memory_space<vmem>>) offsets(%dma_start3A_96 : memref<128xi32, #tpu.memory_space<vmem>>) semaphore(%arg10 : memref<!tpu.dma_semaphore, #tpu.memory_space<semaphore_mem>>)
      %eq3A = arith.constant 0 : i32
      %eq3A_100 = arith.cmpi eq, %scan3A_59, %eq3A : i32
      %dma_wait3A_101 = arith.constant 0 : i32
      %dma_wait3A_102 = arith.constant 0 : i32
      %dma_wait3A_103 = arith.constant 0 : i32
      %dma_wait3A_104 = tpu.memref_slice %arg7[%dma_wait3A_102, %dma_wait3A_103] : memref<1024x32xf32, #tpu.memory_space<vmem>> -> memref<128x32xf32, #tpu.memory_space<vmem>>
      %dma_wait3A_105 = arith.constant 0 : i32
      %dma_wait3A_106 = tpu.memref_slice %arg5[%dma_wait3A_101, %dma_wait3A_105] : memref<50x512xi32, #tpu.memory_space<vmem>> -> memref<1x128xi32, #tpu.memory_space<vmem>>
      %dma_wait3A_107 = tpu.memref_squeeze %dma_wait3A_106 : memref<1x128xi32, #tpu.memory_space<vmem>> -> memref<128xi32, #tpu.memory_space<vmem>>
      %dma_wait3A_108 = arith.constant 0 : i32
      %dma_wait3A_109 = arith.constant 0 : i32
      %dma_wait3A_110 = tpu.memref_slice %arg3[%dma_wait3A_108, %dma_wait3A_109] : memref<1000000x32xf32, #tpu.memory_space<hbm>> -> memref<1000000x32xf32, #tpu.memory_space<hbm>>
      tpu.wait_indirect_dma semaphore(%arg9 : memref<!tpu.dma_semaphore, #tpu.memory_space<semaphore_mem>>) src(%dma_wait3A_110 : memref<1000000x32xf32, #tpu.memory_space<hbm>>) dst(%dma_wait3A_104 : memref<128x32xf32, #tpu.memory_space<vmem>>)
      %dma_wait3A_111 = arith.constant 0 : i32
      %dma_wait3A_112 = arith.constant 128 : i32
      %dma_wait3A_113 = arith.constant 0 : i32
      %dma_wait3A_114 = tpu.memref_slice %arg7[%dma_wait3A_112, %dma_wait3A_113] : memref<1024x32xf32, #tpu.memory_space<vmem>> -> memref<128x32xf32, #tpu.memory_space<vmem>>
      %dma_wait3A_115 = arith.constant 128 : i32
      %dma_wait3A_116 = tpu.memref_slice %arg5[%dma_wait3A_111, %dma_wait3A_115] : memref<50x512xi32, #tpu.memory_space<vmem>> -> memref<1x128xi32, #tpu.memory_space<vmem>>
      %dma_wait3A_117 = tpu.memref_squeeze %dma_wait3A_116 : memref<1x128xi32, #tpu.memory_space<vmem>> -> memref<128xi32, #tpu.memory_space<vmem>>
      %dma_wait3A_118 = arith.constant 0 : i32
      %dma_wait3A_119 = arith.constant 0 : i32
      %dma_wait3A_120 = tpu.memref_slice %arg3[%dma_wait3A_118, %dma_wait3A_119] : memref<1000000x32xf32, #tpu.memory_space<hbm>> -> memref<1000000x32xf32, #tpu.memory_space<hbm>>
      tpu.wait_indirect_dma semaphore(%arg9 : memref<!tpu.dma_semaphore, #tpu.memory_space<semaphore_mem>>) src(%dma_wait3A_120 : memref<1000000x32xf32, #tpu.memory_space<hbm>>) dst(%dma_wait3A_114 : memref<128x32xf32, #tpu.memory_space<vmem>>)
      %dma_wait3A_121 = arith.constant 0 : i32
      %dma_wait3A_122 = arith.constant 256 : i32
      %dma_wait3A_123 = arith.constant 0 : i32
      %dma_wait3A_124 = tpu.memref_slice %arg7[%dma_wait3A_122, %dma_wait3A_123] : memref<1024x32xf32, #tpu.memory_space<vmem>> -> memref<128x32xf32, #tpu.memory_space<vmem>>
      %dma_wait3A_125 = arith.constant 256 : i32
      %dma_wait3A_126 = tpu.memref_slice %arg5[%dma_wait3A_121, %dma_wait3A_125] : memref<50x512xi32, #tpu.memory_space<vmem>> -> memref<1x128xi32, #tpu.memory_space<vmem>>
      %dma_wait3A_127 = tpu.memref_squeeze %dma_wait3A_126 : memref<1x128xi32, #tpu.memory_space<vmem>> -> memref<128xi32, #tpu.memory_space<vmem>>
      %dma_wait3A_128 = arith.constant 0 : i32
      %dma_wait3A_129 = arith.constant 0 : i32
      %dma_wait3A_130 = tpu.memref_slice %arg3[%dma_wait3A_128, %dma_wait3A_129] : memref<1000000x32xf32, #tpu.memory_space<hbm>> -> memref<1000000x32xf32, #tpu.memory_space<hbm>>
      tpu.wait_indirect_dma semaphore(%arg9 : memref<!tpu.dma_semaphore, #tpu.memory_space<semaphore_mem>>) src(%dma_wait3A_130 : memref<1000000x32xf32, #tpu.memory_space<hbm>>) dst(%dma_wait3A_124 : memref<128x32xf32, #tpu.memory_space<vmem>>)
      %dma_wait3A_131 = arith.constant 0 : i32
      %dma_wait3A_132 = arith.constant 384 : i32
      %dma_wait3A_133 = arith.constant 0 : i32
      %dma_wait3A_134 = tpu.memref_slice %arg7[%dma_wait3A_132, %dma_wait3A_133] : memref<1024x32xf32, #tpu.memory_space<vmem>> -> memref<128x32xf32, #tpu.memory_space<vmem>>
      %dma_wait3A_135 = arith.constant 384 : i32
      %dma_wait3A_136 = tpu.memref_slice %arg5[%dma_wait3A_131, %dma_wait3A_135] : memref<50x512xi32, #tpu.memory_space<vmem>> -> memref<1x128xi32, #tpu.memory_space<vmem>>
      %dma_wait3A_137 = tpu.memref_squeeze %dma_wait3A_136 : memref<1x128xi32, #tpu.memory_space<vmem>> -> memref<128xi32, #tpu.memory_space<vmem>>
      %dma_wait3A_138 = arith.constant 0 : i32
      %dma_wait3A_139 = arith.constant 0 : i32
      %dma_wait3A_140 = tpu.memref_slice %arg3[%dma_wait3A_138, %dma_wait3A_139] : memref<1000000x32xf32, #tpu.memory_space<hbm>> -> memref<1000000x32xf32, #tpu.memory_space<hbm>>
      tpu.wait_indirect_dma semaphore(%arg9 : memref<!tpu.dma_semaphore, #tpu.memory_space<semaphore_mem>>) src(%dma_wait3A_140 : memref<1000000x32xf32, #tpu.memory_space<hbm>>) dst(%dma_wait3A_134 : memref<128x32xf32, #tpu.memory_space<vmem>>)
      %not3A = arith.constant true
      %not3A_141 = arith.xori %eq3A_100, %not3A : i1
      %convert_element_type3A = arith.extui %not3A_141 : i1 to i32
      %cond3A = arith.constant 0 : i32
      %cond3A_142 = arith.cmpi ne, %convert_element_type3A, %cond3A : i32
      scf.if %cond3A_142 {
        %dma_wait3A_227 = arith.constant 0 : i32
        %dma_wait3A_228 = arith.constant 0 : i32
        %dma_wait3A_229 = tpu.memref_slice %arg8[%dma_wait3A_227, %dma_wait3A_228] : memref<32x513xf32, #tpu.memory_space<vmem>> -> memref<32x512xf32, #tpu.memory_space<vmem>>
        %dma_wait3A_230 = arith.constant 0 : i32
        %dma_wait3A_231 = tpu.memref_slice %arg4[%dma_wait3A_230, %mul3A_2] : memref<1600x16384xf32, #tpu.memory_space<hbm>> -> memref<32x512xf32, #tpu.memory_space<hbm>>
        %dma_wait3A_232 = arith.constant 0 : i32
        %dma_wait3A_233 = tpu.memref_slice %arg4[%dma_wait3A_232, %mul3A_2] : memref<1600x16384xf32, #tpu.memory_space<hbm>> -> memref<32x512xf32, #tpu.memory_space<hbm>>
        %dma_wait3A_234 = arith.constant 0 : i32
        %dma_wait3A_235 = arith.constant 0 : i32
        %dma_wait3A_236 = tpu.memref_slice %arg8[%dma_wait3A_234, %dma_wait3A_235] : memref<32x513xf32, #tpu.memory_space<vmem>> -> memref<32x512xf32, #tpu.memory_space<vmem>>
        tpu.wait_dma2 semaphore(%arg11 : memref<!tpu.dma_semaphore, #tpu.memory_space<semaphore_mem>>) src(%dma_wait3A_236 : memref<32x512xf32, #tpu.memory_space<vmem>>) dst(%dma_wait3A_233 : memref<32x512xf32, #tpu.memory_space<hbm>>)
      } else {
      }
      %scan3A_143 = arith.constant 0 : i32
      %scan3A_144 = arith.constant 0 : i32
      %scan3A_145 = arith.constant 64 : i32
      %scan3A_146 = arith.addi %scan3A_144, %scan3A_145 : i32
      %scan3A_147 = arith.constant 1 : i32
      scf.for %scan3A_227 = %scan3A_144 to %scan3A_146 step %scan3A_147  : i32 {
        %mul3A_228 = arith.constant 8 : i32
        %mul3A_229 = arith.muli %scan3A_227, %mul3A_228 : i32
        %add3A_230 = arith.constant 0 : i32
        %add3A_231 = arith.addi %mul3A_229, %add3A_230 : i32
        %broadcast_in_dim3A = arith.constant 0 : i32
        %broadcast_in_dim3A_232 = vector.broadcast %broadcast_in_dim3A : i32 to vector<16xi32>
        %add3A_233 = vector.broadcast %add3A_231 : i32 to vector<16xi32>
        %add3A_234 = arith.addi %broadcast_in_dim3A_232, %add3A_233 : vector<16xi32>
        %add3A_235 = arith.constant 0 : i32
        %add3A_236 = arith.addi %add3A_235, %add3A_231 : i32
        %get3A = arith.index_cast %add3A_236 : i32 to index
        %get3A_237 = arith.constant 0 : index
        %get3A_238 = tpu.vector_load %arg7[%get3A, %get3A_237] {strides = array<i32>} : memref<1024x32xf32, #tpu.memory_space<vmem>>, vector<16xf32>,
        tpu.vector_store_idx %arg8[%iota3A, %add3A_234], %get3A_238 : memref<32x513xf32, #tpu.memory_space<vmem>>[vector<16xi32>, vector<16xi32>], vector<16xf32>,
        %add3A_239 = arith.constant 0 : i32
        %add3A_240 = arith.addi %add3A_239, %add3A_231 : i32
        %get3A_241 = arith.index_cast %add3A_240 : i32 to index
        %get3A_242 = arith.constant 16 : index
        %get3A_243 = tpu.vector_load %arg7[%get3A_241, %get3A_242] {strides = array<i32>} : memref<1024x32xf32, #tpu.memory_space<vmem>>, vector<16xf32>,
        tpu.vector_store_idx %arg8[%add3A_5, %add3A_234], %get3A_243 : memref<32x513xf32, #tpu.memory_space<vmem>>[vector<16xi32>, vector<16xi32>], vector<16xf32>,
        %mul3A_244 = arith.constant 8 : i32
        %mul3A_245 = arith.muli %scan3A_227, %mul3A_244 : i32
        %add3A_246 = arith.constant 1 : i32
        %add3A_247 = arith.addi %mul3A_245, %add3A_246 : i32
        %broadcast_in_dim3A_248 = arith.constant 0 : i32
        %broadcast_in_dim3A_249 = vector.broadcast %broadcast_in_dim3A_248 : i32 to vector<16xi32>
        %add3A_250 = vector.broadcast %add3A_247 : i32 to vector<16xi32>
        %add3A_251 = arith.addi %broadcast_in_dim3A_249, %add3A_250 : vector<16xi32>
        %add3A_252 = arith.constant 0 : i32
        %add3A_253 = arith.addi %add3A_252, %add3A_247 : i32
        %get3A_254 = arith.index_cast %add3A_253 : i32 to index
        %get3A_255 = arith.constant 0 : index
        %get3A_256 = tpu.vector_load %arg7[%get3A_254, %get3A_255] {strides = array<i32>} : memref<1024x32xf32, #tpu.memory_space<vmem>>, vector<16xf32>,
        tpu.vector_store_idx %arg8[%iota3A, %add3A_251], %get3A_256 : memref<32x513xf32, #tpu.memory_space<vmem>>[vector<16xi32>, vector<16xi32>], vector<16xf32>,
        %add3A_257 = arith.constant 0 : i32
        %add3A_258 = arith.addi %add3A_257, %add3A_247 : i32
        %get3A_259 = arith.index_cast %add3A_258 : i32 to index
        %get3A_260 = arith.constant 16 : index
        %get3A_261 = tpu.vector_load %arg7[%get3A_259, %get3A_260] {strides = array<i32>} : memref<1024x32xf32, #tpu.memory_space<vmem>>, vector<16xf32>,
        tpu.vector_store_idx %arg8[%add3A_5, %add3A_251], %get3A_261 : memref<32x513xf32, #tpu.memory_space<vmem>>[vector<16xi32>, vector<16xi32>], vector<16xf32>,
        %mul3A_262 = arith.constant 8 : i32
        %mul3A_263 = arith.muli %scan3A_227, %mul3A_262 : i32
        %add3A_264 = arith.constant 2 : i32
        %add3A_265 = arith.addi %mul3A_263, %add3A_264 : i32
        %broadcast_in_dim3A_266 = arith.constant 0 : i32
        %broadcast_in_dim3A_267 = vector.broadcast %broadcast_in_dim3A_266 : i32 to vector<16xi32>
        %add3A_268 = vector.broadcast %add3A_265 : i32 to vector<16xi32>
        %add3A_269 = arith.addi %broadcast_in_dim3A_267, %add3A_268 : vector<16xi32>
        %add3A_270 = arith.constant 0 : i32
        %add3A_271 = arith.addi %add3A_270, %add3A_265 : i32
        %get3A_272 = arith.index_cast %add3A_271 : i32 to index
        %get3A_273 = arith.constant 0 : index
        %get3A_274 = tpu.vector_load %arg7[%get3A_272, %get3A_273] {strides = array<i32>} : memref<1024x32xf32, #tpu.memory_space<vmem>>, vector<16xf32>,
        tpu.vector_store_idx %arg8[%iota3A, %add3A_269], %get3A_274 : memref<32x513xf32, #tpu.memory_space<vmem>>[vector<16xi32>, vector<16xi32>], vector<16xf32>,
        %add3A_275 = arith.constant 0 : i32
        %add3A_276 = arith.addi %add3A_275, %add3A_265 : i32
        %get3A_277 = arith.index_cast %add3A_276 : i32 to index
        %get3A_278 = arith.constant 16 : index
        %get3A_279 = tpu.vector_load %arg7[%get3A_277, %get3A_278] {strides = array<i32>} : memref<1024x32xf32, #tpu.memory_space<vmem>>, vector<16xf32>,
        tpu.vector_store_idx %arg8[%add3A_5, %add3A_269], %get3A_279 : memref<32x513xf32, #tpu.memory_space<vmem>>[vector<16xi32>, vector<16xi32>], vector<16xf32>,
        %mul3A_280 = arith.constant 8 : i32
        %mul3A_281 = arith.muli %scan3A_227, %mul3A_280 : i32
        %add3A_282 = arith.constant 3 : i32
        %add3A_283 = arith.addi %mul3A_281, %add3A_282 : i32
        %broadcast_in_dim3A_284 = arith.constant 0 : i32
        %broadcast_in_dim3A_285 = vector.broadcast %broadcast_in_dim3A_284 : i32 to vector<16xi32>
        %add3A_286 = vector.broadcast %add3A_283 : i32 to vector<16xi32>
        %add3A_287 = arith.addi %broadcast_in_dim3A_285, %add3A_286 : vector<16xi32>
        %add3A_288 = arith.constant 0 : i32
        %add3A_289 = arith.addi %add3A_288, %add3A_283 : i32
        %get3A_290 = arith.index_cast %add3A_289 : i32 to index
        %get3A_291 = arith.constant 0 : index
        %get3A_292 = tpu.vector_load %arg7[%get3A_290, %get3A_291] {strides = array<i32>} : memref<1024x32xf32, #tpu.memory_space<vmem>>, vector<16xf32>,
        tpu.vector_store_idx %arg8[%iota3A, %add3A_287], %get3A_292 : memref<32x513xf32, #tpu.memory_space<vmem>>[vector<16xi32>, vector<16xi32>], vector<16xf32>,
        %add3A_293 = arith.constant 0 : i32
        %add3A_294 = arith.addi %add3A_293, %add3A_283 : i32
        %get3A_295 = arith.index_cast %add3A_294 : i32 to index
        %get3A_296 = arith.constant 16 : index
        %get3A_297 = tpu.vector_load %arg7[%get3A_295, %get3A_296] {strides = array<i32>} : memref<1024x32xf32, #tpu.memory_space<vmem>>, vector<16xf32>,
        tpu.vector_store_idx %arg8[%add3A_5, %add3A_287], %get3A_297 : memref<32x513xf32, #tpu.memory_space<vmem>>[vector<16xi32>, vector<16xi32>], vector<16xf32>,
        %mul3A_298 = arith.constant 8 : i32
        %mul3A_299 = arith.muli %scan3A_227, %mul3A_298 : i32
        %add3A_300 = arith.constant 4 : i32
        %add3A_301 = arith.addi %mul3A_299, %add3A_300 : i32
        %broadcast_in_dim3A_302 = arith.constant 0 : i32
        %broadcast_in_dim3A_303 = vector.broadcast %broadcast_in_dim3A_302 : i32 to vector<16xi32>
        %add3A_304 = vector.broadcast %add3A_301 : i32 to vector<16xi32>
        %add3A_305 = arith.addi %broadcast_in_dim3A_303, %add3A_304 : vector<16xi32>
        %add3A_306 = arith.constant 0 : i32
        %add3A_307 = arith.addi %add3A_306, %add3A_301 : i32
        %get3A_308 = arith.index_cast %add3A_307 : i32 to index
        %get3A_309 = arith.constant 0 : index
        %get3A_310 = tpu.vector_load %arg7[%get3A_308, %get3A_309] {strides = array<i32>} : memref<1024x32xf32, #tpu.memory_space<vmem>>, vector<16xf32>,
        tpu.vector_store_idx %arg8[%iota3A, %add3A_305], %get3A_310 : memref<32x513xf32, #tpu.memory_space<vmem>>[vector<16xi32>, vector<16xi32>], vector<16xf32>,
        %add3A_311 = arith.constant 0 : i32
        %add3A_312 = arith.addi %add3A_311, %add3A_301 : i32
        %get3A_313 = arith.index_cast %add3A_312 : i32 to index
        %get3A_314 = arith.constant 16 : index
        %get3A_315 = tpu.vector_load %arg7[%get3A_313, %get3A_314] {strides = array<i32>} : memref<1024x32xf32, #tpu.memory_space<vmem>>, vector<16xf32>,
        tpu.vector_store_idx %arg8[%add3A_5, %add3A_305], %get3A_315 : memref<32x513xf32, #tpu.memory_space<vmem>>[vector<16xi32>, vector<16xi32>], vector<16xf32>,
        %mul3A_316 = arith.constant 8 : i32
        %mul3A_317 = arith.muli %scan3A_227, %mul3A_316 : i32
        %add3A_318 = arith.constant 5 : i32
        %add3A_319 = arith.addi %mul3A_317, %add3A_318 : i32
        %broadcast_in_dim3A_320 = arith.constant 0 : i32
        %broadcast_in_dim3A_321 = vector.broadcast %broadcast_in_dim3A_320 : i32 to vector<16xi32>
        %add3A_322 = vector.broadcast %add3A_319 : i32 to vector<16xi32>
        %add3A_323 = arith.addi %broadcast_in_dim3A_321, %add3A_322 : vector<16xi32>
        %add3A_324 = arith.constant 0 : i32
        %add3A_325 = arith.addi %add3A_324, %add3A_319 : i32
        %get3A_326 = arith.index_cast %add3A_325 : i32 to index
        %get3A_327 = arith.constant 0 : index
        %get3A_328 = tpu.vector_load %arg7[%get3A_326, %get3A_327] {strides = array<i32>} : memref<1024x32xf32, #tpu.memory_space<vmem>>, vector<16xf32>,
        tpu.vector_store_idx %arg8[%iota3A, %add3A_323], %get3A_328 : memref<32x513xf32, #tpu.memory_space<vmem>>[vector<16xi32>, vector<16xi32>], vector<16xf32>,
        %add3A_329 = arith.constant 0 : i32
        %add3A_330 = arith.addi %add3A_329, %add3A_319 : i32
        %get3A_331 = arith.index_cast %add3A_330 : i32 to index
        %get3A_332 = arith.constant 16 : index
        %get3A_333 = tpu.vector_load %arg7[%get3A_331, %get3A_332] {strides = array<i32>} : memref<1024x32xf32, #tpu.memory_space<vmem>>, vector<16xf32>,
        tpu.vector_store_idx %arg8[%add3A_5, %add3A_323], %get3A_333 : memref<32x513xf32, #tpu.memory_space<vmem>>[vector<16xi32>, vector<16xi32>], vector<16xf32>,
        %mul3A_334 = arith.constant 8 : i32
        %mul3A_335 = arith.muli %scan3A_227, %mul3A_334 : i32
        %add3A_336 = arith.constant 6 : i32
        %add3A_337 = arith.addi %mul3A_335, %add3A_336 : i32
        %broadcast_in_dim3A_338 = arith.constant 0 : i32
        %broadcast_in_dim3A_339 = vector.broadcast %broadcast_in_dim3A_338 : i32 to vector<16xi32>
        %add3A_340 = vector.broadcast %add3A_337 : i32 to vector<16xi32>
        %add3A_341 = arith.addi %broadcast_in_dim3A_339, %add3A_340 : vector<16xi32>
        %add3A_342 = arith.constant 0 : i32
        %add3A_343 = arith.addi %add3A_342, %add3A_337 : i32
        %get3A_344 = arith.index_cast %add3A_343 : i32 to index
        %get3A_345 = arith.constant 0 : index
        %get3A_346 = tpu.vector_load %arg7[%get3A_344, %get3A_345] {strides = array<i32>} : memref<1024x32xf32, #tpu.memory_space<vmem>>, vector<16xf32>,
        tpu.vector_store_idx %arg8[%iota3A, %add3A_341], %get3A_346 : memref<32x513xf32, #tpu.memory_space<vmem>>[vector<16xi32>, vector<16xi32>], vector<16xf32>,
        %add3A_347 = arith.constant 0 : i32
        %add3A_348 = arith.addi %add3A_347, %add3A_337 : i32
        %get3A_349 = arith.index_cast %add3A_348 : i32 to index
        %get3A_350 = arith.constant 16 : index
        %get3A_351 = tpu.vector_load %arg7[%get3A_349, %get3A_350] {strides = array<i32>} : memref<1024x32xf32, #tpu.memory_space<vmem>>, vector<16xf32>,
        tpu.vector_store_idx %arg8[%add3A_5, %add3A_341], %get3A_351 : memref<32x513xf32, #tpu.memory_space<vmem>>[vector<16xi32>, vector<16xi32>], vector<16xf32>,
        %mul3A_352 = arith.constant 8 : i32
        %mul3A_353 = arith.muli %scan3A_227, %mul3A_352 : i32
        %add3A_354 = arith.constant 7 : i32
        %add3A_355 = arith.addi %mul3A_353, %add3A_354 : i32
        %broadcast_in_dim3A_356 = arith.constant 0 : i32
        %broadcast_in_dim3A_357 = vector.broadcast %broadcast_in_dim3A_356 : i32 to vector<16xi32>
        %add3A_358 = vector.broadcast %add3A_355 : i32 to vector<16xi32>
        %add3A_359 = arith.addi %broadcast_in_dim3A_357, %add3A_358 : vector<16xi32>
        %add3A_360 = arith.constant 0 : i32
        %add3A_361 = arith.addi %add3A_360, %add3A_355 : i32
        %get3A_362 = arith.index_cast %add3A_361 : i32 to index
        %get3A_363 = arith.constant 0 : index
        %get3A_364 = tpu.vector_load %arg7[%get3A_362, %get3A_363] {strides = array<i32>} : memref<1024x32xf32, #tpu.memory_space<vmem>>, vector<16xf32>,
        tpu.vector_store_idx %arg8[%iota3A, %add3A_359], %get3A_364 : memref<32x513xf32, #tpu.memory_space<vmem>>[vector<16xi32>, vector<16xi32>], vector<16xf32>,
        %add3A_365 = arith.constant 0 : i32
        %add3A_366 = arith.addi %add3A_365, %add3A_355 : i32
        %get3A_367 = arith.index_cast %add3A_366 : i32 to index
        %get3A_368 = arith.constant 16 : index
        %get3A_369 = tpu.vector_load %arg7[%get3A_367, %get3A_368] {strides = array<i32>} : memref<1024x32xf32, #tpu.memory_space<vmem>>, vector<16xf32>,
        tpu.vector_store_idx %arg8[%add3A_5, %add3A_359], %get3A_369 : memref<32x513xf32, #tpu.memory_space<vmem>>[vector<16xi32>, vector<16xi32>], vector<16xf32>,
      }
      %scan3A_148 = arith.constant 64 : i32
      %mul3A_149 = arith.constant 32 : i32
      %mul3A_150 = arith.muli %mul3A_61, %mul3A_149 : i32
      %dma_start3A_151 = arith.constant 0 : i32
      %dma_start3A_152 = arith.constant 0 : i32
      %dma_start3A_153 = tpu.memref_slice %arg8[%dma_start3A_151, %dma_start3A_152] : memref<32x513xf32, #tpu.memory_space<vmem>> -> memref<32x512xf32, #tpu.memory_space<vmem>>
      %dma_start3A_154 = tpu.memref_slice %arg4[%mul3A_150, %mul3A_2] : memref<1600x16384xf32, #tpu.memory_space<hbm>> -> memref<32x512xf32, #tpu.memory_space<hbm>>
      %dma_start3A_155 = tpu.memref_slice %arg4[%mul3A_150, %mul3A_2] : memref<1600x16384xf32, #tpu.memory_space<hbm>> -> memref<32x512xf32, #tpu.memory_space<hbm>>
      %dma_start3A_156 = arith.constant 0 : i32
      %dma_start3A_157 = arith.constant 0 : i32
      %dma_start3A_158 = tpu.memref_slice %arg8[%dma_start3A_156, %dma_start3A_157] : memref<32x513xf32, #tpu.memory_space<vmem>> -> memref<32x512xf32, #tpu.memory_space<vmem>>
      tpu.enqueue_dma source(%dma_start3A_158 : memref<32x512xf32, #tpu.memory_space<vmem>>) target(%dma_start3A_155 : memref<32x512xf32, #tpu.memory_space<hbm>>) target_semaphore(%arg11 : memref<!tpu.dma_semaphore, #tpu.memory_space<semaphore_mem>>)
      %lt3A = arith.constant 24 : i32
      %lt3A_159 = arith.cmpi slt, %scan3A_59, %lt3A : i32
      %convert_element_type3A_160 = arith.extui %lt3A_159 : i1 to i32
      %cond3A_161 = arith.constant 0 : i32
      %cond3A_162 = arith.cmpi ne, %convert_element_type3A_160, %cond3A_161 : i32
      scf.if %cond3A_162 {
        %add3A_227 = arith.constant 2 : i32
        %add3A_228 = arith.addi %mul3A_61, %add3A_227 : i32
        %dma_start3A_229 = arith.constant 0 : i32
        %dma_start3A_230 = arith.constant 0 : i32
        %dma_start3A_231 = tpu.memref_slice %arg7[%dma_start3A_229, %dma_start3A_230] : memref<1024x32xf32, #tpu.memory_space<vmem>> -> memref<128x32xf32, #tpu.memory_space<vmem>>
        %dma_start3A_232 = arith.constant 0 : i32
        %dma_start3A_233 = tpu.memref_slice %arg5[%add3A_228, %dma_start3A_232] : memref<50x512xi32, #tpu.memory_space<vmem>> -> memref<1x128xi32, #tpu.memory_space<vmem>>
        %dma_start3A_234 = tpu.memref_squeeze %dma_start3A_233 : memref<1x128xi32, #tpu.memory_space<vmem>> -> memref<128xi32, #tpu.memory_space<vmem>>
        %dma_start3A_235 = arith.constant 0 : i32
        %dma_start3A_236 = arith.constant 0 : i32
        %dma_start3A_237 = tpu.memref_slice %arg3[%dma_start3A_235, %dma_start3A_236] : memref<1000000x32xf32, #tpu.memory_space<hbm>> -> memref<1000000x32xf32, #tpu.memory_space<hbm>>
        tpu.enqueue_indirect_dma source(%dma_start3A_237 : memref<1000000x32xf32, #tpu.memory_space<hbm>>) target(%dma_start3A_231 : memref<128x32xf32, #tpu.memory_space<vmem>>) offsets(%dma_start3A_234 : memref<128xi32, #tpu.memory_space<vmem>>) semaphore(%arg9 : memref<!tpu.dma_semaphore, #tpu.memory_space<semaphore_mem>>)
        %dma_start3A_238 = arith.constant 128 : i32
        %dma_start3A_239 = arith.constant 0 : i32
        %dma_start3A_240 = tpu.memref_slice %arg7[%dma_start3A_238, %dma_start3A_239] : memref<1024x32xf32, #tpu.memory_space<vmem>> -> memref<128x32xf32, #tpu.memory_space<vmem>>
        %dma_start3A_241 = arith.constant 128 : i32
        %dma_start3A_242 = tpu.memref_slice %arg5[%add3A_228, %dma_start3A_241] : memref<50x512xi32, #tpu.memory_space<vmem>> -> memref<1x128xi32, #tpu.memory_space<vmem>>
        %dma_start3A_243 = tpu.memref_squeeze %dma_start3A_242 : memref<1x128xi32, #tpu.memory_space<vmem>> -> memref<128xi32, #tpu.memory_space<vmem>>
        %dma_start3A_244 = arith.constant 0 : i32
        %dma_start3A_245 = arith.constant 0 : i32
        %dma_start3A_246 = tpu.memref_slice %arg3[%dma_start3A_244, %dma_start3A_245] : memref<1000000x32xf32, #tpu.memory_space<hbm>> -> memref<1000000x32xf32, #tpu.memory_space<hbm>>
        tpu.enqueue_indirect_dma source(%dma_start3A_246 : memref<1000000x32xf32, #tpu.memory_space<hbm>>) target(%dma_start3A_240 : memref<128x32xf32, #tpu.memory_space<vmem>>) offsets(%dma_start3A_243 : memref<128xi32, #tpu.memory_space<vmem>>) semaphore(%arg9 : memref<!tpu.dma_semaphore, #tpu.memory_space<semaphore_mem>>)
        %dma_start3A_247 = arith.constant 256 : i32
        %dma_start3A_248 = arith.constant 0 : i32
        %dma_start3A_249 = tpu.memref_slice %arg7[%dma_start3A_247, %dma_start3A_248] : memref<1024x32xf32, #tpu.memory_space<vmem>> -> memref<128x32xf32, #tpu.memory_space<vmem>>
        %dma_start3A_250 = arith.constant 256 : i32
        %dma_start3A_251 = tpu.memref_slice %arg5[%add3A_228, %dma_start3A_250] : memref<50x512xi32, #tpu.memory_space<vmem>> -> memref<1x128xi32, #tpu.memory_space<vmem>>
        %dma_start3A_252 = tpu.memref_squeeze %dma_start3A_251 : memref<1x128xi32, #tpu.memory_space<vmem>> -> memref<128xi32, #tpu.memory_space<vmem>>
        %dma_start3A_253 = arith.constant 0 : i32
        %dma_start3A_254 = arith.constant 0 : i32
        %dma_start3A_255 = tpu.memref_slice %arg3[%dma_start3A_253, %dma_start3A_254] : memref<1000000x32xf32, #tpu.memory_space<hbm>> -> memref<1000000x32xf32, #tpu.memory_space<hbm>>
        tpu.enqueue_indirect_dma source(%dma_start3A_255 : memref<1000000x32xf32, #tpu.memory_space<hbm>>) target(%dma_start3A_249 : memref<128x32xf32, #tpu.memory_space<vmem>>) offsets(%dma_start3A_252 : memref<128xi32, #tpu.memory_space<vmem>>) semaphore(%arg9 : memref<!tpu.dma_semaphore, #tpu.memory_space<semaphore_mem>>)
        %dma_start3A_256 = arith.constant 384 : i32
        %dma_start3A_257 = arith.constant 0 : i32
        %dma_start3A_258 = tpu.memref_slice %arg7[%dma_start3A_256, %dma_start3A_257] : memref<1024x32xf32, #tpu.memory_space<vmem>> -> memref<128x32xf32, #tpu.memory_space<vmem>>
        %dma_start3A_259 = arith.constant 384 : i32
        %dma_start3A_260 = tpu.memref_slice %arg5[%add3A_228, %dma_start3A_259] : memref<50x512xi32, #tpu.memory_space<vmem>> -> memref<1x128xi32, #tpu.memory_space<vmem>>
        %dma_start3A_261 = tpu.memref_squeeze %dma_start3A_260 : memref<1x128xi32, #tpu.memory_space<vmem>> -> memref<128xi32, #tpu.memory_space<vmem>>
        %dma_start3A_262 = arith.constant 0 : i32
        %dma_start3A_263 = arith.constant 0 : i32
        %dma_start3A_264 = tpu.memref_slice %arg3[%dma_start3A_262, %dma_start3A_263] : memref<1000000x32xf32, #tpu.memory_space<hbm>> -> memref<1000000x32xf32, #tpu.memory_space<hbm>>
        tpu.enqueue_indirect_dma source(%dma_start3A_264 : memref<1000000x32xf32, #tpu.memory_space<hbm>>) target(%dma_start3A_258 : memref<128x32xf32, #tpu.memory_space<vmem>>) offsets(%dma_start3A_261 : memref<128xi32, #tpu.memory_space<vmem>>) semaphore(%arg9 : memref<!tpu.dma_semaphore, #tpu.memory_space<semaphore_mem>>)
      } else {
      }
      %add3A_163 = arith.constant 1 : i32
      %add3A_164 = arith.addi %mul3A_61, %add3A_163 : i32
      %dma_wait3A_165 = arith.constant 0 : i32
      %dma_wait3A_166 = arith.constant 512 : i32
      %dma_wait3A_167 = arith.constant 0 : i32
      %dma_wait3A_168 = tpu.memref_slice %arg7[%dma_wait3A_166, %dma_wait3A_167] : memref<1024x32xf32, #tpu.memory_space<vmem>> -> memref<128x32xf32, #tpu.memory_space<vmem>>
      %dma_wait3A_169 = arith.constant 0 : i32
      %dma_wait3A_170 = tpu.memref_slice %arg5[%dma_wait3A_165, %dma_wait3A_169] : memref<50x512xi32, #tpu.memory_space<vmem>> -> memref<1x128xi32, #tpu.memory_space<vmem>>
      %dma_wait3A_171 = tpu.memref_squeeze %dma_wait3A_170 : memref<1x128xi32, #tpu.memory_space<vmem>> -> memref<128xi32, #tpu.memory_space<vmem>>
      %dma_wait3A_172 = arith.constant 0 : i32
      %dma_wait3A_173 = arith.constant 0 : i32
      %dma_wait3A_174 = tpu.memref_slice %arg3[%dma_wait3A_172, %dma_wait3A_173] : memref<1000000x32xf32, #tpu.memory_space<hbm>> -> memref<1000000x32xf32, #tpu.memory_space<hbm>>
      tpu.wait_indirect_dma semaphore(%arg10 : memref<!tpu.dma_semaphore, #tpu.memory_space<semaphore_mem>>) src(%dma_wait3A_174 : memref<1000000x32xf32, #tpu.memory_space<hbm>>) dst(%dma_wait3A_168 : memref<128x32xf32, #tpu.memory_space<vmem>>)
      %dma_wait3A_175 = arith.constant 0 : i32
      %dma_wait3A_176 = arith.constant 640 : i32
      %dma_wait3A_177 = arith.constant 0 : i32
      %dma_wait3A_178 = tpu.memref_slice %arg7[%dma_wait3A_176, %dma_wait3A_177] : memref<1024x32xf32, #tpu.memory_space<vmem>> -> memref<128x32xf32, #tpu.memory_space<vmem>>
      %dma_wait3A_179 = arith.constant 128 : i32
      %dma_wait3A_180 = tpu.memref_slice %arg5[%dma_wait3A_175, %dma_wait3A_179] : memref<50x512xi32, #tpu.memory_space<vmem>> -> memref<1x128xi32, #tpu.memory_space<vmem>>
      %dma_wait3A_181 = tpu.memref_squeeze %dma_wait3A_180 : memref<1x128xi32, #tpu.memory_space<vmem>> -> memref<128xi32, #tpu.memory_space<vmem>>
      %dma_wait3A_182 = arith.constant 0 : i32
      %dma_wait3A_183 = arith.constant 0 : i32
      %dma_wait3A_184 = tpu.memref_slice %arg3[%dma_wait3A_182, %dma_wait3A_183] : memref<1000000x32xf32, #tpu.memory_space<hbm>> -> memref<1000000x32xf32, #tpu.memory_space<hbm>>
      tpu.wait_indirect_dma semaphore(%arg10 : memref<!tpu.dma_semaphore, #tpu.memory_space<semaphore_mem>>) src(%dma_wait3A_184 : memref<1000000x32xf32, #tpu.memory_space<hbm>>) dst(%dma_wait3A_178 : memref<128x32xf32, #tpu.memory_space<vmem>>)
      %dma_wait3A_185 = arith.constant 0 : i32
      %dma_wait3A_186 = arith.constant 768 : i32
      %dma_wait3A_187 = arith.constant 0 : i32
      %dma_wait3A_188 = tpu.memref_slice %arg7[%dma_wait3A_186, %dma_wait3A_187] : memref<1024x32xf32, #tpu.memory_space<vmem>> -> memref<128x32xf32, #tpu.memory_space<vmem>>
      %dma_wait3A_189 = arith.constant 256 : i32
      %dma_wait3A_190 = tpu.memref_slice %arg5[%dma_wait3A_185, %dma_wait3A_189] : memref<50x512xi32, #tpu.memory_space<vmem>> -> memref<1x128xi32, #tpu.memory_space<vmem>>
      %dma_wait3A_191 = tpu.memref_squeeze %dma_wait3A_190 : memref<1x128xi32, #tpu.memory_space<vmem>> -> memref<128xi32, #tpu.memory_space<vmem>>
      %dma_wait3A_192 = arith.constant 0 : i32
      %dma_wait3A_193 = arith.constant 0 : i32
      %dma_wait3A_194 = tpu.memref_slice %arg3[%dma_wait3A_192, %dma_wait3A_193] : memref<1000000x32xf32, #tpu.memory_space<hbm>> -> memref<1000000x32xf32, #tpu.memory_space<hbm>>
      tpu.wait_indirect_dma semaphore(%arg10 : memref<!tpu.dma_semaphore, #tpu.memory_space<semaphore_mem>>) src(%dma_wait3A_194 : memref<1000000x32xf32, #tpu.memory_space<hbm>>) dst(%dma_wait3A_188 : memref<128x32xf32, #tpu.memory_space<vmem>>)
      %dma_wait3A_195 = arith.constant 0 : i32
      %dma_wait3A_196 = arith.constant 896 : i32
      %dma_wait3A_197 = arith.constant 0 : i32
      %dma_wait3A_198 = tpu.memref_slice %arg7[%dma_wait3A_196, %dma_wait3A_197] : memref<1024x32xf32, #tpu.memory_space<vmem>> -> memref<128x32xf32, #tpu.memory_space<vmem>>
      %dma_wait3A_199 = arith.constant 384 : i32
      %dma_wait3A_200 = tpu.memref_slice %arg5[%dma_wait3A_195, %dma_wait3A_199] : memref<50x512xi32, #tpu.memory_space<vmem>> -> memref<1x128xi32, #tpu.memory_space<vmem>>
      %dma_wait3A_201 = tpu.memref_squeeze %dma_wait3A_200 : memref<1x128xi32, #tpu.memory_space<vmem>> -> memref<128xi32, #tpu.memory_space<vmem>>
      %dma_wait3A_202 = arith.constant 0 : i32
      %dma_wait3A_203 = arith.constant 0 : i32
      %dma_wait3A_204 = tpu.memref_slice %arg3[%dma_wait3A_202, %dma_wait3A_203] : memref<1000000x32xf32, #tpu.memory_space<hbm>> -> memref<1000000x32xf32, #tpu.memory_space<hbm>>
      tpu.wait_indirect_dma semaphore(%arg10 : memref<!tpu.dma_semaphore, #tpu.memory_space<semaphore_mem>>) src(%dma_wait3A_204 : memref<1000000x32xf32, #tpu.memory_space<hbm>>) dst(%dma_wait3A_198 : memref<128x32xf32, #tpu.memory_space<vmem>>)
      %not3A_205 = arith.constant false
      %not3A_206 = arith.constant true
      %not3A_207 = arith.xori %not3A_205, %not3A_206 : i1
      %convert_element_type3A_208 = arith.extui %not3A_207 : i1 to i32
      %cond3A_209 = arith.constant 0 : i32
      %cond3A_210 = arith.cmpi ne, %convert_element_type3A_208, %cond3A_209 : i32
      scf.if %cond3A_210 {
        %dma_wait3A_227 = arith.constant 0 : i32
        %dma_wait3A_228 = arith.constant 0 : i32
        %dma_wait3A_229 = tpu.memref_slice %arg8[%dma_wait3A_227, %dma_wait3A_228] : memref<32x513xf32, #tpu.memory_space<vmem>> -> memref<32x512xf32, #tpu.memory_space<vmem>>
        %dma_wait3A_230 = arith.constant 0 : i32
        %dma_wait3A_231 = tpu.memref_slice %arg4[%dma_wait3A_230, %mul3A_2] : memref<1600x16384xf32, #tpu.memory_space<hbm>> -> memref<32x512xf32, #tpu.memory_space<hbm>>
        %dma_wait3A_232 = arith.constant 0 : i32
        %dma_wait3A_233 = tpu.memref_slice %arg4[%dma_wait3A_232, %mul3A_2] : memref<1600x16384xf32, #tpu.memory_space<hbm>> -> memref<32x512xf32, #tpu.memory_space<hbm>>
        %dma_wait3A_234 = arith.constant 0 : i32
        %dma_wait3A_235 = arith.constant 0 : i32
        %dma_wait3A_236 = tpu.memref_slice %arg8[%dma_wait3A_234, %dma_wait3A_235] : memref<32x513xf32, #tpu.memory_space<vmem>> -> memref<32x512xf32, #tpu.memory_space<vmem>>
        tpu.wait_dma2 semaphore(%arg11 : memref<!tpu.dma_semaphore, #tpu.memory_space<semaphore_mem>>) src(%dma_wait3A_236 : memref<32x512xf32, #tpu.memory_space<vmem>>) dst(%dma_wait3A_233 : memref<32x512xf32, #tpu.memory_space<hbm>>)
      } else {
      }
      %scan3A_211 = arith.constant 0 : i32
      %scan3A_212 = arith.constant 0 : i32
      %scan3A_213 = arith.constant 64 : i32
      %scan3A_214 = arith.addi %scan3A_212, %scan3A_213 : i32
      %scan3A_215 = arith.constant 1 : i32
      scf.for %scan3A_227 = %scan3A_212 to %scan3A_214 step %scan3A_215  : i32 {
        %mul3A_228 = arith.constant 8 : i32
        %mul3A_229 = arith.muli %scan3A_227, %mul3A_228 : i32
        %add3A_230 = arith.constant 0 : i32
        %add3A_231 = arith.addi %mul3A_229, %add3A_230 : i32
        %broadcast_in_dim3A = arith.constant 0 : i32
        %broadcast_in_dim3A_232 = vector.broadcast %broadcast_in_dim3A : i32 to vector<16xi32>
        %add3A_233 = vector.broadcast %add3A_231 : i32 to vector<16xi32>
        %add3A_234 = arith.addi %broadcast_in_dim3A_232, %add3A_233 : vector<16xi32>
        %add3A_235 = arith.constant 512 : i32
        %add3A_236 = arith.addi %add3A_235, %add3A_231 : i32
        %get3A = arith.index_cast %add3A_236 : i32 to index
        %get3A_237 = arith.constant 0 : index
        %get3A_238 = tpu.vector_load %arg7[%get3A, %get3A_237] {strides = array<i32>} : memref<1024x32xf32, #tpu.memory_space<vmem>>, vector<16xf32>,
        tpu.vector_store_idx %arg8[%iota3A, %add3A_234], %get3A_238 : memref<32x513xf32, #tpu.memory_space<vmem>>[vector<16xi32>, vector<16xi32>], vector<16xf32>,
        %add3A_239 = arith.constant 512 : i32
        %add3A_240 = arith.addi %add3A_239, %add3A_231 : i32
        %get3A_241 = arith.index_cast %add3A_240 : i32 to index
        %get3A_242 = arith.constant 16 : index
        %get3A_243 = tpu.vector_load %arg7[%get3A_241, %get3A_242] {strides = array<i32>} : memref<1024x32xf32, #tpu.memory_space<vmem>>, vector<16xf32>,
        tpu.vector_store_idx %arg8[%add3A_5, %add3A_234], %get3A_243 : memref<32x513xf32, #tpu.memory_space<vmem>>[vector<16xi32>, vector<16xi32>], vector<16xf32>,
        %mul3A_244 = arith.constant 8 : i32
        %mul3A_245 = arith.muli %scan3A_227, %mul3A_244 : i32
        %add3A_246 = arith.constant 1 : i32
        %add3A_247 = arith.addi %mul3A_245, %add3A_246 : i32
        %broadcast_in_dim3A_248 = arith.constant 0 : i32
        %broadcast_in_dim3A_249 = vector.broadcast %broadcast_in_dim3A_248 : i32 to vector<16xi32>
        %add3A_250 = vector.broadcast %add3A_247 : i32 to vector<16xi32>
        %add3A_251 = arith.addi %broadcast_in_dim3A_249, %add3A_250 : vector<16xi32>
        %add3A_252 = arith.constant 512 : i32
        %add3A_253 = arith.addi %add3A_252, %add3A_247 : i32
        %get3A_254 = arith.index_cast %add3A_253 : i32 to index
        %get3A_255 = arith.constant 0 : index
        %get3A_256 = tpu.vector_load %arg7[%get3A_254, %get3A_255] {strides = array<i32>} : memref<1024x32xf32, #tpu.memory_space<vmem>>, vector<16xf32>,
        tpu.vector_store_idx %arg8[%iota3A, %add3A_251], %get3A_256 : memref<32x513xf32, #tpu.memory_space<vmem>>[vector<16xi32>, vector<16xi32>], vector<16xf32>,
        %add3A_257 = arith.constant 512 : i32
        %add3A_258 = arith.addi %add3A_257, %add3A_247 : i32
        %get3A_259 = arith.index_cast %add3A_258 : i32 to index
        %get3A_260 = arith.constant 16 : index
        %get3A_261 = tpu.vector_load %arg7[%get3A_259, %get3A_260] {strides = array<i32>} : memref<1024x32xf32, #tpu.memory_space<vmem>>, vector<16xf32>,
        tpu.vector_store_idx %arg8[%add3A_5, %add3A_251], %get3A_261 : memref<32x513xf32, #tpu.memory_space<vmem>>[vector<16xi32>, vector<16xi32>], vector<16xf32>,
        %mul3A_262 = arith.constant 8 : i32
        %mul3A_263 = arith.muli %scan3A_227, %mul3A_262 : i32
        %add3A_264 = arith.constant 2 : i32
        %add3A_265 = arith.addi %mul3A_263, %add3A_264 : i32
        %broadcast_in_dim3A_266 = arith.constant 0 : i32
        %broadcast_in_dim3A_267 = vector.broadcast %broadcast_in_dim3A_266 : i32 to vector<16xi32>
        %add3A_268 = vector.broadcast %add3A_265 : i32 to vector<16xi32>
        %add3A_269 = arith.addi %broadcast_in_dim3A_267, %add3A_268 : vector<16xi32>
        %add3A_270 = arith.constant 512 : i32
        %add3A_271 = arith.addi %add3A_270, %add3A_265 : i32
        %get3A_272 = arith.index_cast %add3A_271 : i32 to index
        %get3A_273 = arith.constant 0 : index
        %get3A_274 = tpu.vector_load %arg7[%get3A_272, %get3A_273] {strides = array<i32>} : memref<1024x32xf32, #tpu.memory_space<vmem>>, vector<16xf32>,
        tpu.vector_store_idx %arg8[%iota3A, %add3A_269], %get3A_274 : memref<32x513xf32, #tpu.memory_space<vmem>>[vector<16xi32>, vector<16xi32>], vector<16xf32>,
        %add3A_275 = arith.constant 512 : i32
        %add3A_276 = arith.addi %add3A_275, %add3A_265 : i32
        %get3A_277 = arith.index_cast %add3A_276 : i32 to index
        %get3A_278 = arith.constant 16 : index
        %get3A_279 = tpu.vector_load %arg7[%get3A_277, %get3A_278] {strides = array<i32>} : memref<1024x32xf32, #tpu.memory_space<vmem>>, vector<16xf32>,
        tpu.vector_store_idx %arg8[%add3A_5, %add3A_269], %get3A_279 : memref<32x513xf32, #tpu.memory_space<vmem>>[vector<16xi32>, vector<16xi32>], vector<16xf32>,
        %mul3A_280 = arith.constant 8 : i32
        %mul3A_281 = arith.muli %scan3A_227, %mul3A_280 : i32
        %add3A_282 = arith.constant 3 : i32
        %add3A_283 = arith.addi %mul3A_281, %add3A_282 : i32
        %broadcast_in_dim3A_284 = arith.constant 0 : i32
        %broadcast_in_dim3A_285 = vector.broadcast %broadcast_in_dim3A_284 : i32 to vector<16xi32>
        %add3A_286 = vector.broadcast %add3A_283 : i32 to vector<16xi32>
        %add3A_287 = arith.addi %broadcast_in_dim3A_285, %add3A_286 : vector<16xi32>
        %add3A_288 = arith.constant 512 : i32
        %add3A_289 = arith.addi %add3A_288, %add3A_283 : i32
        %get3A_290 = arith.index_cast %add3A_289 : i32 to index
        %get3A_291 = arith.constant 0 : index
        %get3A_292 = tpu.vector_load %arg7[%get3A_290, %get3A_291] {strides = array<i32>} : memref<1024x32xf32, #tpu.memory_space<vmem>>, vector<16xf32>,
        tpu.vector_store_idx %arg8[%iota3A, %add3A_287], %get3A_292 : memref<32x513xf32, #tpu.memory_space<vmem>>[vector<16xi32>, vector<16xi32>], vector<16xf32>,
        %add3A_293 = arith.constant 512 : i32
        %add3A_294 = arith.addi %add3A_293, %add3A_283 : i32
        %get3A_295 = arith.index_cast %add3A_294 : i32 to index
        %get3A_296 = arith.constant 16 : index
        %get3A_297 = tpu.vector_load %arg7[%get3A_295, %get3A_296] {strides = array<i32>} : memref<1024x32xf32, #tpu.memory_space<vmem>>, vector<16xf32>,
        tpu.vector_store_idx %arg8[%add3A_5, %add3A_287], %get3A_297 : memref<32x513xf32, #tpu.memory_space<vmem>>[vector<16xi32>, vector<16xi32>], vector<16xf32>,
        %mul3A_298 = arith.constant 8 : i32
        %mul3A_299 = arith.muli %scan3A_227, %mul3A_298 : i32
        %add3A_300 = arith.constant 4 : i32
        %add3A_301 = arith.addi %mul3A_299, %add3A_300 : i32
        %broadcast_in_dim3A_302 = arith.constant 0 : i32
        %broadcast_in_dim3A_303 = vector.broadcast %broadcast_in_dim3A_302 : i32 to vector<16xi32>
        %add3A_304 = vector.broadcast %add3A_301 : i32 to vector<16xi32>
        %add3A_305 = arith.addi %broadcast_in_dim3A_303, %add3A_304 : vector<16xi32>
        %add3A_306 = arith.constant 512 : i32
        %add3A_307 = arith.addi %add3A_306, %add3A_301 : i32
        %get3A_308 = arith.index_cast %add3A_307 : i32 to index
        %get3A_309 = arith.constant 0 : index
        %get3A_310 = tpu.vector_load %arg7[%get3A_308, %get3A_309] {strides = array<i32>} : memref<1024x32xf32, #tpu.memory_space<vmem>>, vector<16xf32>,
        tpu.vector_store_idx %arg8[%iota3A, %add3A_305], %get3A_310 : memref<32x513xf32, #tpu.memory_space<vmem>>[vector<16xi32>, vector<16xi32>], vector<16xf32>,
        %add3A_311 = arith.constant 512 : i32
        %add3A_312 = arith.addi %add3A_311, %add3A_301 : i32
        %get3A_313 = arith.index_cast %add3A_312 : i32 to index
        %get3A_314 = arith.constant 16 : index
        %get3A_315 = tpu.vector_load %arg7[%get3A_313, %get3A_314] {strides = array<i32>} : memref<1024x32xf32, #tpu.memory_space<vmem>>, vector<16xf32>,
        tpu.vector_store_idx %arg8[%add3A_5, %add3A_305], %get3A_315 : memref<32x513xf32, #tpu.memory_space<vmem>>[vector<16xi32>, vector<16xi32>], vector<16xf32>,
        %mul3A_316 = arith.constant 8 : i32
        %mul3A_317 = arith.muli %scan3A_227, %mul3A_316 : i32
        %add3A_318 = arith.constant 5 : i32
        %add3A_319 = arith.addi %mul3A_317, %add3A_318 : i32
        %broadcast_in_dim3A_320 = arith.constant 0 : i32
        %broadcast_in_dim3A_321 = vector.broadcast %broadcast_in_dim3A_320 : i32 to vector<16xi32>
        %add3A_322 = vector.broadcast %add3A_319 : i32 to vector<16xi32>
        %add3A_323 = arith.addi %broadcast_in_dim3A_321, %add3A_322 : vector<16xi32>
        %add3A_324 = arith.constant 512 : i32
        %add3A_325 = arith.addi %add3A_324, %add3A_319 : i32
        %get3A_326 = arith.index_cast %add3A_325 : i32 to index
        %get3A_327 = arith.constant 0 : index
        %get3A_328 = tpu.vector_load %arg7[%get3A_326, %get3A_327] {strides = array<i32>} : memref<1024x32xf32, #tpu.memory_space<vmem>>, vector<16xf32>,
        tpu.vector_store_idx %arg8[%iota3A, %add3A_323], %get3A_328 : memref<32x513xf32, #tpu.memory_space<vmem>>[vector<16xi32>, vector<16xi32>], vector<16xf32>,
        %add3A_329 = arith.constant 512 : i32
        %add3A_330 = arith.addi %add3A_329, %add3A_319 : i32
        %get3A_331 = arith.index_cast %add3A_330 : i32 to index
        %get3A_332 = arith.constant 16 : index
        %get3A_333 = tpu.vector_load %arg7[%get3A_331, %get3A_332] {strides = array<i32>} : memref<1024x32xf32, #tpu.memory_space<vmem>>, vector<16xf32>,
        tpu.vector_store_idx %arg8[%add3A_5, %add3A_323], %get3A_333 : memref<32x513xf32, #tpu.memory_space<vmem>>[vector<16xi32>, vector<16xi32>], vector<16xf32>,
        %mul3A_334 = arith.constant 8 : i32
        %mul3A_335 = arith.muli %scan3A_227, %mul3A_334 : i32
        %add3A_336 = arith.constant 6 : i32
        %add3A_337 = arith.addi %mul3A_335, %add3A_336 : i32
        %broadcast_in_dim3A_338 = arith.constant 0 : i32
        %broadcast_in_dim3A_339 = vector.broadcast %broadcast_in_dim3A_338 : i32 to vector<16xi32>
        %add3A_340 = vector.broadcast %add3A_337 : i32 to vector<16xi32>
        %add3A_341 = arith.addi %broadcast_in_dim3A_339, %add3A_340 : vector<16xi32>
        %add3A_342 = arith.constant 512 : i32
        %add3A_343 = arith.addi %add3A_342, %add3A_337 : i32
        %get3A_344 = arith.index_cast %add3A_343 : i32 to index
        %get3A_345 = arith.constant 0 : index
        %get3A_346 = tpu.vector_load %arg7[%get3A_344, %get3A_345] {strides = array<i32>} : memref<1024x32xf32, #tpu.memory_space<vmem>>, vector<16xf32>,
        tpu.vector_store_idx %arg8[%iota3A, %add3A_341], %get3A_346 : memref<32x513xf32, #tpu.memory_space<vmem>>[vector<16xi32>, vector<16xi32>], vector<16xf32>,
        %add3A_347 = arith.constant 512 : i32
        %add3A_348 = arith.addi %add3A_347, %add3A_337 : i32
        %get3A_349 = arith.index_cast %add3A_348 : i32 to index
        %get3A_350 = arith.constant 16 : index
        %get3A_351 = tpu.vector_load %arg7[%get3A_349, %get3A_350] {strides = array<i32>} : memref<1024x32xf32, #tpu.memory_space<vmem>>, vector<16xf32>,
        tpu.vector_store_idx %arg8[%add3A_5, %add3A_341], %get3A_351 : memref<32x513xf32, #tpu.memory_space<vmem>>[vector<16xi32>, vector<16xi32>], vector<16xf32>,
        %mul3A_352 = arith.constant 8 : i32
        %mul3A_353 = arith.muli %scan3A_227, %mul3A_352 : i32
        %add3A_354 = arith.constant 7 : i32
        %add3A_355 = arith.addi %mul3A_353, %add3A_354 : i32
        %broadcast_in_dim3A_356 = arith.constant 0 : i32
        %broadcast_in_dim3A_357 = vector.broadcast %broadcast_in_dim3A_356 : i32 to vector<16xi32>
        %add3A_358 = vector.broadcast %add3A_355 : i32 to vector<16xi32>
        %add3A_359 = arith.addi %broadcast_in_dim3A_357, %add3A_358 : vector<16xi32>
        %add3A_360 = arith.constant 512 : i32
        %add3A_361 = arith.addi %add3A_360, %add3A_355 : i32
        %get3A_362 = arith.index_cast %add3A_361 : i32 to index
        %get3A_363 = arith.constant 0 : index
        %get3A_364 = tpu.vector_load %arg7[%get3A_362, %get3A_363] {strides = array<i32>} : memref<1024x32xf32, #tpu.memory_space<vmem>>, vector<16xf32>,
        tpu.vector_store_idx %arg8[%iota3A, %add3A_359], %get3A_364 : memref<32x513xf32, #tpu.memory_space<vmem>>[vector<16xi32>, vector<16xi32>], vector<16xf32>,
        %add3A_365 = arith.constant 512 : i32
        %add3A_366 = arith.addi %add3A_365, %add3A_355 : i32
        %get3A_367 = arith.index_cast %add3A_366 : i32 to index
        %get3A_368 = arith.constant 16 : index
        %get3A_369 = tpu.vector_load %arg7[%get3A_367, %get3A_368] {strides = array<i32>} : memref<1024x32xf32, #tpu.memory_space<vmem>>, vector<16xf32>,
        tpu.vector_store_idx %arg8[%add3A_5, %add3A_359], %get3A_369 : memref<32x513xf32, #tpu.memory_space<vmem>>[vector<16xi32>, vector<16xi32>], vector<16xf32>,
      }
      %scan3A_216 = arith.constant 64 : i32
      %mul3A_217 = arith.constant 32 : i32
      %mul3A_218 = arith.muli %add3A_164, %mul3A_217 : i32
      %dma_start3A_219 = arith.constant 0 : i32
      %dma_start3A_220 = arith.constant 0 : i32
      %dma_start3A_221 = tpu.memref_slice %arg8[%dma_start3A_219, %dma_start3A_220] : memref<32x513xf32, #tpu.memory_space<vmem>> -> memref<32x512xf32, #tpu.memory_space<vmem>>
      %dma_start3A_222 = tpu.memref_slice %arg4[%mul3A_218, %mul3A_2] : memref<1600x16384xf32, #tpu.memory_space<hbm>> -> memref<32x512xf32, #tpu.memory_space<hbm>>
      %dma_start3A_223 = tpu.memref_slice %arg4[%mul3A_218, %mul3A_2] : memref<1600x16384xf32, #tpu.memory_space<hbm>> -> memref<32x512xf32, #tpu.memory_space<hbm>>
      %dma_start3A_224 = arith.constant 0 : i32
      %dma_start3A_225 = arith.constant 0 : i32
      %dma_start3A_226 = tpu.memref_slice %arg8[%dma_start3A_224, %dma_start3A_225] : memref<32x513xf32, #tpu.memory_space<vmem>> -> memref<32x512xf32, #tpu.memory_space<vmem>>
      tpu.enqueue_dma source(%dma_start3A_226 : memref<32x512xf32, #tpu.memory_space<vmem>>) target(%dma_start3A_223 : memref<32x512xf32, #tpu.memory_space<hbm>>) target_semaphore(%arg11 : memref<!tpu.dma_semaphore, #tpu.memory_space<semaphore_mem>>)
    }
    %scan3A_49 = arith.constant 25 : i32
    %dma_wait3A = arith.constant 0 : i32
    %dma_wait3A_50 = arith.constant 0 : i32
    %dma_wait3A_51 = tpu.memref_slice %arg8[%dma_wait3A, %dma_wait3A_50] : memref<32x513xf32, #tpu.memory_space<vmem>> -> memref<32x512xf32, #tpu.memory_space<vmem>>
    %dma_wait3A_52 = arith.constant 0 : i32
    %dma_wait3A_53 = tpu.memref_slice %arg4[%dma_wait3A_52, %mul3A_2] : memref<1600x16384xf32, #tpu.memory_space<hbm>> -> memref<32x512xf32, #tpu.memory_space<hbm>>
    %dma_wait3A_54 = arith.constant 0 : i32
    %dma_wait3A_55 = tpu.memref_slice %arg4[%dma_wait3A_54, %mul3A_2] : memref<1600x16384xf32, #tpu.memory_space<hbm>> -> memref<32x512xf32, #tpu.memory_space<hbm>>
    %dma_wait3A_56 = arith.constant 0 : i32
    %dma_wait3A_57 = arith.constant 0 : i32
    %dma_wait3A_58 = tpu.memref_slice %arg8[%dma_wait3A_56, %dma_wait3A_57] : memref<32x513xf32, #tpu.memory_space<vmem>> -> memref<32x512xf32, #tpu.memory_space<vmem>>
    tpu.wait_dma2 semaphore(%arg11 : memref<!tpu.dma_semaphore, #tpu.memory_space<semaphore_mem>>) src(%dma_wait3A_58 : memref<32x512xf32, #tpu.memory_space<vmem>>) dst(%dma_wait3A_55 : memref<32x512xf32, #tpu.memory_space<hbm>>)
    return
  }
}

module attributes {stable_mosaic.version = 14 : i64} {
  func.func @_pack_body(%arg0: i32, %arg1: memref<32x10000xf32, #tpu.memory_space<vmem>>, %arg2: memref<2500x128xf32, #tpu.memory_space<vmem>>) attributes {dimension_semantics = [#tpu.dimension_semantics<arbitrary>], iteration_bounds = array<i64: 1>, scalar_prefetch = 0 : i64, scratch_operands = 0 : i64, tpu.core_type = #tpu.core_type<tc>, window_params = [{transform_indices = @transform_0, window_bounds = array<i64: 32, 10000>}, {transform_indices = @transform_1, window_bounds = array<i64: 2500, 128>}]} {
    %get3A = arith.constant 0 : index
    %get3A_0 = arith.constant 0 : index
    %get3A_1 = vector.load %arg1[%get3A, %get3A_0] : memref<32x10000xf32, #tpu.memory_space<vmem>>, vector<32x10000xf32>
    %transpose3A = tpu.transpose %get3A_1, [1, 0] : vector<32x10000xf32> -> vector<10000x32xf32>
    %reshape3A = vector.shape_cast %transpose3A : vector<10000x32xf32> to vector<2500x4x32xf32>
    %slice3A = vector.extract_strided_slice %reshape3A {offsets = [0, 0, 0], sizes = [2500, 1, 32], strides = [1, 1, 1]} : vector<2500x4x32xf32> to vector<2500x1x32xf32>
    %squeeze3A = vector.shape_cast %slice3A : vector<2500x1x32xf32> to vector<2500x32xf32>
    %slice3A_2 = vector.extract_strided_slice %reshape3A {offsets = [0, 1, 0], sizes = [2500, 1, 32], strides = [1, 1, 1]} : vector<2500x4x32xf32> to vector<2500x1x32xf32>
    %squeeze3A_3 = vector.shape_cast %slice3A_2 : vector<2500x1x32xf32> to vector<2500x32xf32>
    %slice3A_4 = vector.extract_strided_slice %reshape3A {offsets = [0, 2, 0], sizes = [2500, 1, 32], strides = [1, 1, 1]} : vector<2500x4x32xf32> to vector<2500x1x32xf32>
    %squeeze3A_5 = vector.shape_cast %slice3A_4 : vector<2500x1x32xf32> to vector<2500x32xf32>
    %slice3A_6 = vector.extract_strided_slice %reshape3A {offsets = [0, 3, 0], sizes = [2500, 1, 32], strides = [1, 1, 1]} : vector<2500x4x32xf32> to vector<2500x1x32xf32>
    %squeeze3A_7 = vector.shape_cast %slice3A_6 : vector<2500x1x32xf32> to vector<2500x32xf32>
    %concatenate3A = tpu.concatenate %squeeze3A, %squeeze3A_3, %squeeze3A_5, %squeeze3A_7 in 1 : vector<2500x32xf32>, vector<2500x32xf32>, vector<2500x32xf32>, vector<2500x32xf32> -> vector<2500x128xf32>
    %swap3A = arith.constant 0 : index
    %swap3A_8 = arith.constant 0 : index
    %swap3A_9 = vector.load %arg2[%swap3A, %swap3A_8] : memref<2500x128xf32, #tpu.memory_space<vmem>>, vector<2500x128xf32>
    tpu.vector_store %arg2[%swap3A, %swap3A_8], %concatenate3A {strides = array<i32>} : memref<2500x128xf32, #tpu.memory_space<vmem>>, vector<2500x128xf32>,
    return
  }
  func.func @transform_0(%arg0: i32) -> (i32, i32) {
    %c0_i32 = arith.constant 0 : i32
    %c0_i32_0 = arith.constant 0 : i32
    return %c0_i32, %arg0 : i32, i32
  }
  func.func @transform_1(%arg0: i32) -> (i32, i32) {
    %c0_i32 = arith.constant 0 : i32
    %c0_i32_0 = arith.constant 0 : i32
    return %arg0, %c0_i32 : i32, i32
  }
}

module attributes {stable_mosaic.version = 14 : i64} {
  func.func @_pack_body(%arg0: i32, %arg1: memref<32x8192xf32, #tpu.memory_space<vmem>>, %arg2: memref<2048x128xf32, #tpu.memory_space<vmem>>) attributes {dimension_semantics = [#tpu.dimension_semantics<arbitrary>], iteration_bounds = array<i64: 123>, scalar_prefetch = 0 : i64, scratch_operands = 0 : i64, tpu.core_type = #tpu.core_type<tc>, window_params = [{transform_indices = @transform_0, window_bounds = array<i64: 32, 8192>}, {transform_indices = @transform_1, window_bounds = array<i64: 2048, 128>}]} {
    %get3A = arith.constant 0 : index
    %get3A_0 = arith.constant 0 : index
    %get3A_1 = vector.load %arg1[%get3A, %get3A_0] : memref<32x8192xf32, #tpu.memory_space<vmem>>, vector<32x8192xf32>
    %transpose3A = tpu.transpose %get3A_1, [1, 0] : vector<32x8192xf32> -> vector<8192x32xf32>
    %reshape3A = vector.shape_cast %transpose3A : vector<8192x32xf32> to vector<2048x4x32xf32>
    %slice3A = vector.extract_strided_slice %reshape3A {offsets = [0, 0, 0], sizes = [2048, 1, 32], strides = [1, 1, 1]} : vector<2048x4x32xf32> to vector<2048x1x32xf32>
    %squeeze3A = vector.shape_cast %slice3A : vector<2048x1x32xf32> to vector<2048x32xf32>
    %slice3A_2 = vector.extract_strided_slice %reshape3A {offsets = [0, 1, 0], sizes = [2048, 1, 32], strides = [1, 1, 1]} : vector<2048x4x32xf32> to vector<2048x1x32xf32>
    %squeeze3A_3 = vector.shape_cast %slice3A_2 : vector<2048x1x32xf32> to vector<2048x32xf32>
    %slice3A_4 = vector.extract_strided_slice %reshape3A {offsets = [0, 2, 0], sizes = [2048, 1, 32], strides = [1, 1, 1]} : vector<2048x4x32xf32> to vector<2048x1x32xf32>
    %squeeze3A_5 = vector.shape_cast %slice3A_4 : vector<2048x1x32xf32> to vector<2048x32xf32>
    %slice3A_6 = vector.extract_strided_slice %reshape3A {offsets = [0, 3, 0], sizes = [2048, 1, 32], strides = [1, 1, 1]} : vector<2048x4x32xf32> to vector<2048x1x32xf32>
    %squeeze3A_7 = vector.shape_cast %slice3A_6 : vector<2048x1x32xf32> to vector<2048x32xf32>
    %concatenate3A = tpu.concatenate %squeeze3A, %squeeze3A_3, %squeeze3A_5, %squeeze3A_7 in 1 : vector<2048x32xf32>, vector<2048x32xf32>, vector<2048x32xf32>, vector<2048x32xf32> -> vector<2048x128xf32>
    %swap3A = arith.constant 0 : index
    %swap3A_8 = arith.constant 0 : index
    %swap3A_9 = vector.load %arg2[%swap3A, %swap3A_8] : memref<2048x128xf32, #tpu.memory_space<vmem>>, vector<2048x128xf32>
    tpu.vector_store %arg2[%swap3A, %swap3A_8], %concatenate3A {strides = array<i32>} : memref<2048x128xf32, #tpu.memory_space<vmem>>, vector<2048x128xf32>,
    return
  }
  func.func @transform_0(%arg0: i32) -> (i32, i32) {
    %c0_i32 = arith.constant 0 : i32
    %c0_i32_0 = arith.constant 0 : i32
    return %c0_i32, %arg0 : i32, i32
  }
  func.func @transform_1(%arg0: i32) -> (i32, i32) {
    %c0_i32 = arith.constant 0 : i32
    %c0_i32_0 = arith.constant 0 : i32
    return %arg0, %c0_i32 : i32, i32
  }
}

module attributes {stable_mosaic.version = 14 : i64} {
  func.func @_dense_body(%arg0: i32, %arg1: memref<524288xf32, #tpu.memory_space<vmem>>, %arg2: memref<524288xf32, #tpu.memory_space<vmem>>, %arg3: memref<64x32xf32, #tpu.memory_space<vmem>>, %arg4: memref<64x32xf32, #tpu.memory_space<vmem>>, %arg5: memref<64x1xf32, #tpu.memory_space<vmem>>, %arg6: memref<64x1xf32, #tpu.memory_space<vmem>>, %arg7: memref<64x1xf32, #tpu.memory_space<vmem>>, %arg8: memref<64x16384xf32, #tpu.memory_space<vmem>>) attributes {dimension_semantics = [#tpu.dimension_semantics<arbitrary>], iteration_bounds = array<i64: 50>, scalar_prefetch = 0 : i64, scratch_operands = 0 : i64, tpu.core_type = #tpu.core_type<tc>, window_params = [{transform_indices = @transform_0, window_bounds = array<i64: 524288>}, {transform_indices = @transform_1, window_bounds = array<i64: 524288>}, {pipeline_mode = #tpu.pipeline_mode<synchronous>, transform_indices = @transform_2, window_bounds = array<i64: 64, 32>}, {pipeline_mode = #tpu.pipeline_mode<synchronous>, transform_indices = @transform_3, window_bounds = array<i64: 64, 32>}, {pipeline_mode = #tpu.pipeline_mode<synchronous>, transform_indices = @transform_4, window_bounds = array<i64: 64, 1>}, {pipeline_mode = #tpu.pipeline_mode<synchronous>, transform_indices = @transform_5, window_bounds = array<i64: 64, 1>}, {pipeline_mode = #tpu.pipeline_mode<synchronous>, transform_indices = @transform_6, window_bounds = array<i64: 64, 1>}, {transform_indices = @transform_7, window_bounds = array<i64: 64, 16384>}]} {
    %get3A = arith.constant 0 : index
    %get3A_0 = vector.load %arg1[%get3A] : memref<524288xf32, #tpu.memory_space<vmem>>, vector<524288xf32>
    %reshape3A = vector.shape_cast %get3A_0 : vector<524288xf32> to vector<32x16384xf32>
    %get3A_1 = arith.constant 0 : index
    %get3A_2 = vector.load %arg2[%get3A_1] : memref<524288xf32, #tpu.memory_space<vmem>>, vector<524288xf32>
    %reshape3A_3 = vector.shape_cast %get3A_2 : vector<524288xf32> to vector<32x16384xf32>
    %get3A_4 = arith.constant 0 : index
    %get3A_5 = arith.constant 0 : index
    %get3A_6 = vector.load %arg3[%get3A_4, %get3A_5] : memref<64x32xf32, #tpu.memory_space<vmem>>, vector<64x32xf32>
    %dot_general3A = arith.constant dense<0.000000e+00> : vector<64x16384xf32>
    %dot_general3A_7 = tpu.matmul %get3A_6, %reshape3A, %dot_general3A {dimension_numbers = #tpu.dot_dimension_numbers<[1], [0], [0], [1], [0, 0, 1, 1], [], []>, transpose_lhs_hint = false} : vector<64x32xf32>, vector<32x16384xf32>, vector<64x16384xf32> -> vector<64x16384xf32>
    %get3A_8 = arith.constant 0 : index
    %get3A_9 = arith.constant 0 : index
    %get3A_10 = vector.load %arg4[%get3A_8, %get3A_9] : memref<64x32xf32, #tpu.memory_space<vmem>>, vector<64x32xf32>
    %dot_general3A_11 = arith.constant dense<0.000000e+00> : vector<64x16384xf32>
    %dot_general3A_12 = tpu.matmul %get3A_10, %reshape3A_3, %dot_general3A_11 {dimension_numbers = #tpu.dot_dimension_numbers<[1], [0], [0], [1], [0, 0, 1, 1], [], []>, transpose_lhs_hint = false} : vector<64x32xf32>, vector<32x16384xf32>, vector<64x16384xf32> -> vector<64x16384xf32>
    %add3A = arith.addf %dot_general3A_7, %dot_general3A_12 : vector<64x16384xf32>
    %get3A_13 = arith.constant 0 : index
    %get3A_14 = arith.constant 0 : index
    %get3A_15 = vector.load %arg5[%get3A_13, %get3A_14] : memref<64x1xf32, #tpu.memory_space<vmem>>, vector<64x1xf32>
    %add3A_16 = vector.broadcast %get3A_15 : vector<64x1xf32> to vector<64x16384xf32>
    %add3A_17 = arith.addf %add3A, %add3A_16 : vector<64x16384xf32>
    %mul3A = arith.mulf %add3A_17, %add3A_17 : vector<64x16384xf32>
    %reduce_sum3A = arith.constant dense<0.000000e+00> : vector<16384xf32>
    %reduce_sum3A_18 = vector.multi_reduction <add>, %mul3A, %reduce_sum3A [0] : vector<64x16384xf32> to vector<16384xf32>
    %broadcast_in_dim3A = vector.shape_cast %reduce_sum3A_18 : vector<16384xf32> to vector<1x16384xf32>
    %div3A = arith.constant 6.400000e+01 : f32
    %div3A_19 = vector.broadcast %div3A : f32 to vector<1x16384xf32>
    %div3A_20 = arith.divf %broadcast_in_dim3A, %div3A_19 : vector<1x16384xf32>
    %add3A_21 = arith.constant 9.99999974E-6 : f32
    %add3A_22 = vector.broadcast %add3A_21 : f32 to vector<1x16384xf32>
    %add3A_23 = arith.addf %div3A_20, %add3A_22 : vector<1x16384xf32>
    %sqrt3A = math.sqrt %add3A_23 : vector<1x16384xf32>
    %div3A_24 = arith.constant 1.000000e+00 : f32
    %div3A_25 = vector.broadcast %div3A_24 : f32 to vector<1x16384xf32>
    %div3A_26 = arith.divf %div3A_25, %sqrt3A : vector<1x16384xf32>
    %mul3A_27 = vector.broadcast %div3A_26 : vector<1x16384xf32> to vector<64x16384xf32>
    %mul3A_28 = arith.mulf %add3A_17, %mul3A_27 : vector<64x16384xf32>
    %get3A_29 = arith.constant 0 : index
    %get3A_30 = arith.constant 0 : index
    %get3A_31 = vector.load %arg6[%get3A_29, %get3A_30] : memref<64x1xf32, #tpu.memory_space<vmem>>, vector<64x1xf32>
    %mul3A_32 = vector.broadcast %get3A_31 : vector<64x1xf32> to vector<64x16384xf32>
    %mul3A_33 = arith.mulf %mul3A_28, %mul3A_32 : vector<64x16384xf32>
    %get3A_34 = arith.constant 0 : index
    %get3A_35 = arith.constant 0 : index
    %get3A_36 = vector.load %arg7[%get3A_34, %get3A_35] : memref<64x1xf32, #tpu.memory_space<vmem>>, vector<64x1xf32>
    %add3A_37 = vector.broadcast %get3A_36 : vector<64x1xf32> to vector<64x16384xf32>
    %add3A_38 = arith.addf %mul3A_33, %add3A_37 : vector<64x16384xf32>
    %mul3A_39 = arith.constant 5.000000e-01 : f32
    %mul3A_40 = vector.broadcast %mul3A_39 : f32 to vector<64x16384xf32>
    %mul3A_41 = arith.mulf %add3A_38, %mul3A_40 : vector<64x16384xf32>
    %mul3A_42 = arith.constant 0.707106769 : f32
    %mul3A_43 = vector.broadcast %mul3A_42 : f32 to vector<64x16384xf32>
    %mul3A_44 = arith.mulf %add3A_38, %mul3A_43 : vector<64x16384xf32>
    %erf3A = math.erf %mul3A_44 : vector<64x16384xf32>
    %add3A_45 = arith.constant 1.000000e+00 : f32
    %add3A_46 = vector.broadcast %add3A_45 : f32 to vector<64x16384xf32>
    %add3A_47 = arith.addf %add3A_46, %erf3A : vector<64x16384xf32>
    %mul3A_48 = arith.mulf %mul3A_41, %add3A_47 : vector<64x16384xf32>
    %swap3A = arith.constant 0 : index
    %swap3A_49 = arith.constant 0 : index
    %swap3A_50 = vector.load %arg8[%swap3A, %swap3A_49] : memref<64x16384xf32, #tpu.memory_space<vmem>>, vector<64x16384xf32>
    tpu.vector_store %arg8[%swap3A, %swap3A_49], %mul3A_48 {strides = array<i32>} : memref<64x16384xf32, #tpu.memory_space<vmem>>, vector<64x16384xf32>,
    return
  }
  func.func @transform_0(%arg0: i32) -> i32 {
    %c0_i32 = arith.constant 0 : i32
    return %arg0 : i32
  }
  func.func @transform_1(%arg0: i32) -> i32 {
    %c0_i32 = arith.constant 0 : i32
    return %arg0 : i32
  }
  func.func @transform_2(%arg0: i32) -> (i32, i32) {
    %c0_i32 = arith.constant 0 : i32
    %c0_i32_0 = arith.constant 0 : i32
    %c0_i32_1 = arith.constant 0 : i32
    return %c0_i32, %c0_i32_0 : i32, i32
  }
  func.func @transform_3(%arg0: i32) -> (i32, i32) {
    %c0_i32 = arith.constant 0 : i32
    %c0_i32_0 = arith.constant 0 : i32
    %c0_i32_1 = arith.constant 0 : i32
    return %c0_i32, %c0_i32_0 : i32, i32
  }
  func.func @transform_4(%arg0: i32) -> (i32, i32) {
    %c0_i32 = arith.constant 0 : i32
    %c0_i32_0 = arith.constant 0 : i32
    %c0_i32_1 = arith.constant 0 : i32
    return %c0_i32, %c0_i32_0 : i32, i32
  }
  func.func @transform_5(%arg0: i32) -> (i32, i32) {
    %c0_i32 = arith.constant 0 : i32
    %c0_i32_0 = arith.constant 0 : i32
    %c0_i32_1 = arith.constant 0 : i32
    return %c0_i32, %c0_i32_0 : i32, i32
  }
  func.func @transform_6(%arg0: i32) -> (i32, i32) {
    %c0_i32 = arith.constant 0 : i32
    %c0_i32_0 = arith.constant 0 : i32
    %c0_i32_1 = arith.constant 0 : i32
    return %c0_i32, %c0_i32_0 : i32, i32
  }
  func.func @transform_7(%arg0: i32) -> (i32, i32) {
    %c0_i32 = arith.constant 0 : i32
    %c0_i32_0 = arith.constant 0 : i32
    return %arg0, %c0_i32 : i32, i32
  }
}

</mosaic_0001>

<sc_bundles>
// kernel: kernel.10.cloned.1.call-start
scs
__scs_entry_jumppad:
0x0: {  	(pc) =	sbr.rel $0x88, $3  }
0x1: {  	(tag) =	ssettag $0x0;
	lr =	simm.s32 $0x1  }
0x2: {  	[smem:$0x3F9A] =	sst lr;
	_ =	strace $0xD0000000  }
0x3: {  	_ = 	snop  }
0x4: {  	_ = 	snop  }
0x5: {  	_ = 	snop  }
0x6: {  	_ = 	snop  }
0x7: {  	_ = 	snop  }
__scs_overlays_trampoline_lowered:
0x8: {  	[smem:$0x3FA9] =	sst s0  }
0x9: {  	[smem:$0x3FAA] =	sst s1  }
0xa: {  	[smem:$0x3FAB] =	sst s2  }
0xb: {  	[smem:$0x3FAC] =	sst s3  }
0xc: {  	[smem:$0x3FAD] =	sst s4  }
0xd: {  	[smem:$0x3FAE] =	sst s5  }
0xe: {  	[smem:$0x3FAF] =	sst s6  }
0xf: {  	[smem:$0x3FB0] =	sst s7  }
0x10: {  	[smem:$0x3FB1] =	sst s8  }
0x11: {  	[smem:$0x3FB2] =	sst s9;
	s0 =	simm.s32 @!p0 $0x0  }
0x12: {  	s1 =	sld [smem:$0x3F98];
	s0 =	simm.s32 @p0 $0x1  }
0x13: {  	[smem:$0x3FB3] =	sst s0;
	s0 =	simm.s32 @!p1 $0x0  }
0x14: {  	s2 =	sld [smem:$0x3F97];
	s0 =	simm.s32 @p1 $0x1  }
0x15: {  	[smem:$0x3FB4] =	sst s0;
	s0 =	simm.s32 @!p2 $0x0  }
0x16: {  	s3 =	sld [smem:$0x3FDB];
	s0 =	simm.s32 @p2 $0x1  }
0x17: {  	s4 =	simm.s32 $0x1BF5;
	[smem:$0x3FB6] =	sst s0  }
0x18: {  	s0 =	sld [smem:$0x3F99];
	_ =	swait.ge [sflag:s4], $0x0  }
0x19: {  	s7 =	sld [smem:$0x3F9A]  }
0x1a: {  	s8 =	sadd.s32 $0xFFFFE003, lr  }
0x1b: {  	s9 =	sadd.s32 $0xFFFFFEF7, lr;
	s5 =	simm.s32 $0xFFFFFFFF;
	p2 =	slt.u32 s8, $0xFFFFF086  }
0x1c: {  	p1 =	slt.u32 s9, $0xF7A;
	s5 =	simm.s32 @!p2 $0x0  }
0x1d: {  	s5 =	simm.s32 @p1 $0x1;
	p0 =	seq.s32 s7, s2  }
0x1e: {  	s7 =	smul.u32 @!p0 $0xF7A, s2;
	p2 =	seq.s32 @!p0 s5, $0x0  }
0x1f: {  	s9 =	smul.u32 $0xF7A, s1;
	s8 =	simm.s32 @!p0 $0x1BF5;
	p2 =	por !p2, p0  }
0x20: {  	[sflag:s8] =	ssyncset.s32 @!p0 $0xFFFFF086;
	s6 =	sadd.s32 @!p0 s3, s7;
	s7 =	simm.s32 @!p0 $0x108  }
0x21: {  	s3 =	sadd.s32 s3, s9;
	s6 =	sadd.s32 @!p0 $0x88, s6;
	s7 =	simm.s32 @p2 $0x1082  }
0x22: {  	[simem:s7], [sflag:s8] =	dma.local @!p0 [hbm:s6], $0xF7A  }
0x23: {  	s9 =	sor.u32 $0xD0000000, s2;
	s6 =	simm.s32 $0x108;
	_ =	swait.ge @!p0 [sflag:s8], $0x0  }
0x24: {  	s3 =	sadd.s32 $0x88, s3;
	s6 =	simm.s32 @!p1 $0x1082;
	[sflag:s4] =	ssyncset.s32 $0xFFFFF086  }
0x25: {  	[simem:s6], [sflag:s4] =	dma.local [hbm:s3], $0xF7A  }
0x26: {  	[smem:$0x3F9A] =	sst s1;
	(tag) =	ssettag s2;
	_ =	strace s9  }
0x27: {  	s1 =	sld [smem:$0x3FAA]  }
0x28: {  	s2 =	sld [smem:$0x3FAB]  }
0x29: {  	s4 =	sld [smem:$0x3FAD]  }
0x2a: {  	p0 =	seq.s32 s5, $0x0;
	s5 =	sld [smem:$0x3FAE]  }
0x2b: {  	s6 =	sld [smem:$0x3FAF]  }
0x2c: {  	s7 =	sld [smem:$0x3FB0]  }
0x2d: {  	s3 =	simm.s32 $0x108;
	s8 =	sld [smem:$0x3FB1]  }
0x2e: {  	s3 =	simm.s32 @!p0 $0x1082;
	s9 =	sld [smem:$0x3FB2]  }
0x2f: {  	lr =	sadd.s32 s0, s3;
	s0 =	sld [smem:$0x3FA9]  }
0x30: {  	s3 =	sld [smem:$0x3FAC]  }
0x31: {  	[smem:$0x3FB5] =	sst s10  }
0x32: {  	s10 =	sld [smem:$0x3FB3];
	_ =	sdelay $0x3  }
0x33: {  	p0 =	seq.s32 s10, $0x1;
	s10 =	sld [smem:$0x3FB5];
	_ =	sdelay $0x3  }
0x34: {  	[smem:$0x3FB5] =	sst s10  }
0x35: {  	s10 =	sld [smem:$0x3FB4];
	_ =	sdelay $0x3  }
0x36: {  	p1 =	seq.s32 s10, $0x1;
	s10 =	sld [smem:$0x3FB5];
	_ =	sdelay $0x3  }
0x37: {  	[smem:$0x3FB5] =	sst s10  }
0x38: {  	s10 =	sld [smem:$0x3FB6]  }
0x39: {  	_ = 	snop;
	(pc) =	sbr.ind lr, $3  }
0x3a: {  	_ = 	snop  }
0x3b: {  	_ = 	snop  }
0x3c: {  	p2 =	seq.s32 s10, $0x1;
	s10 =	sld [smem:$0x3FB5]  }
0x3d: {  	_ =	shalt  }
0x3e: {  	_ =	shalt  }
0x3f: {  	_ =	shalt  }
0x40: {  	_ =	shalt  }
0x41: {  	_ =	shalt  }
0x42: {  	_ =	shalt  }
0x43: {  	_ =	shalt  }
0x44: {  	_ =	shalt  }
0x45: {  	_ =	shalt  }
0x46: {  	_ =	shalt  }
0x47: {  	_ =	shalt  }
0x48: {  	_ =	shalt  }
0x49: {  	_ =	shalt  }
0x4a: {  	_ =	shalt  }
0x4b: {  	_ =	shalt  }
0x4c: {  	_ =	shalt  }
0x4d: {  	_ =	shalt  }
0x4e: {  	_ =	shalt  }
0x4f: {  	_ =	shalt  }
0x50: {  	_ =	shalt  }
0x51: {  	_ =	shalt  }
0x52: {  	_ =	shalt  }
0x53: {  	_ =	shalt  }
0x54: {  	_ =	shalt  }
0x55: {  	_ =	shalt  }
0x56: {  	_ =	shalt  }
0x57: {  	_ =	shalt  }
0x58: {  	_ =	shalt  }
0x59: {  	_ =	shalt  }
0x5a: {  	_ =	shalt  }
0x5b: {  	_ =	shalt  }
0x5c: {  	_ =	shalt  }
0x5d: {  	_ =	shalt  }
0x5e: {  	_ =	shalt  }
0x5f: {  	_ =	shalt  }
0x60: {  	_ =	shalt  }
0x61: {  	_ =	shalt  }
0x62: {  	_ =	shalt  }
0x63: {  	_ =	shalt  }
0x64: {  	_ =	shalt  }
0x65: {  	_ =	shalt  }
0x66: {  	_ =	shalt  }
0x67: {  	_ =	shalt  }
0x68: {  	_ =	shalt  }
0x69: {  	_ =	shalt  }
0x6a: {  	_ =	shalt  }
0x6b: {  	_ =	shalt  }
0x6c: {  	_ =	shalt  }
0x6d: {  	_ =	shalt  }
0x6e: {  	_ =	shalt  }
0x6f: {  	_ =	shalt  }
0x70: {  	_ =	shalt  }
0x71: {  	_ =	shalt  }
0x72: {  	_ =	shalt  }
0x73: {  	_ =	shalt  }
0x74: {  	_ =	shalt  }
0x75: {  	_ =	shalt  }
0x76: {  	_ =	shalt  }
0x77: {  	_ =	shalt  }
0x78: {  	_ =	shalt  }
0x79: {  	_ =	shalt  }
0x7a: {  	_ =	shalt  }
0x7b: {  	_ =	shalt  }
0x7c: {  	_ =	shalt  }
0x7d: {  	_ =	shalt  }
0x7e: {  	_ =	shalt  }
0x7f: {  	_ =	shalt  }
0x80: {  	_ =	shalt  }
0x81: {  	_ =	shalt  }
0x82: {  	_ =	shalt  }
0x83: {  	_ =	shalt  }
0x84: {  	_ =	shalt  }
0x85: {  	_ =	shalt  }
0x86: {  	_ =	shalt  }
0x87: {  	_ =	shalt  }
.Lfunc_end0:
.L_simem_size_0:
called_computation.1_lowered:
.L_overlay_start_0:
0x88: {  	s2 =	sld [smem:$0x3FD9]  }
0x89: {  	s3 =	sld [smem:$0x3FFE];
	_ =	sdelay $0x1  }
0x8a: {  	s1 =	srdreg.scid  }
0x8b: {  	s0 =	sand.u32 $0x1, s1  }
0x8c: {  	s17 =	sshll.u32 s0, $0xA;
	s2 =	sadd.s32 s3, s2  }
0x8d: {  	s2 =	sadd.s32 s2, s17  }
0x8e: {  	[smem:$0x3FC1] =	sst s2  }
0x8f: {  	_ = 	snop  }
0x90: {  	s18 =	sld [smem:$0x3FD0];
	(tm) =	ssettm $0x1  }
0x91: {  	s19 =	sld [smem:$0x3FFB];
	_ =	sdelay $0x3  }
0x92: {  	_ =	strace s19  }
0x93: {  	s2 =	sld [smem:$0x3FFC];
	_ =	sdelay $0x3  }
0x94: {  	_ =	strace s2  }
0x95: {  	s2 =	sld [smem:$0x3FFD];
	_ =	sdelay $0x3  }
0x96: {  	_ =	strace s2  }
0x97: {  	_ =	strace $0x8FFFFFFF  }
0x98: {  	s20 =	sld [smem:$0x3FDB];
	_ =	sdelay $0x1  }
0x99: {  	s4 =	simm.s32 $_scs_section_size  }
0x9a: {  	s5 =	simm.s32 $_size__tile_overlayer_lowered;
	s6 =	simm.s32 $_tile_overlayer_lowered  }
0x9b: {  	s7 =	simm.s32 $0x1BFF;
	s21 =	sshll.u32 s6, $0x1;
	s4 =	sadd.s32 s4, s20  }
0x9c: {  	s22 =	simm.s32 $0x0;
	s5 =	sshll.u32 s5, $0x1;
	s6 =	sadd.s32 s21, s4  }
0x9d: {  	[timem:s22], [sflag:s7] =	dma.local [hbm:s6], s5  }
0x9e: {  	_ =	swait.ge [sflag:s7], s5  }
0x9f: {  	s5 =	ssub.s32 $0x0, s5;
	[sflag:s7] =	ssyncset.done $0x0  }
0xa0: {  	[sflag:s7] =	ssyncadd.s32 s5;
	_ =	sdelay $0x1  }
0xa1: {  	s23 =	simm.s32 $0x1B8B  }
0xa2: {  	_ =	swait.ge [sflag:s23], $0x1  }
0xa3: {  	[sflag:s23] =	ssyncset.done $0x0  }
0xa4: {  	[sflag:s23] =	ssyncadd.s32 $0xFFFFFFFF  }
0xa5: {  	s5 =	sld [smem:$0x0]  }
0xa6: {  	s6 =	sand.u32 $0xFFFFFFFE, s1  }
0xa7: {  	p0 =	sne.s32 s1, s6  }
0xa8: {  	s6 =	sshll.u32 @p0 s6, $0xE  }
0xa9: {  	s6 =	sadd.s32 @p0 $0x11B8D, s6;
	s7 =	sshll.u32 @p0 s5, $0x11  }
0xaa: {  	s6 =	sor.u32 @p0 s7, s6  }
0xab: {  	[sflag:s6] =	ssyncadd.remote.s32 @p0 $0x1;
	_ =	sdelay $0x1  }
0xac: {  	s6 =	simm.s32 @p0 $0x1B8D  }
0xad: {  	_ =	swait.eq @p0 [sflag:s6], $0x1  }
0xae: {  	[sflag:s6] =	ssyncadd.s32 @p0 $0xFFFFFFFF  }
0xaf: {  	s7 =	sshll.u32 @!p0 s1, $0xE  }
0xb0: {  	s7 =	sor.u32 @!p0 $0x4000, s7;
	s6 =	simm.s32 @!p0 $0x1B8D  }
0xb1: {  	s5 =	sshll.u32 @!p0 s5, $0x11;
	s7 =	sadd.s32 @!p0 $0x11B8D, s7;
	_ =	swait.eq @!p0 [sflag:s6], $0x1  }
0xb2: {  	s5 =	sor.u32 @!p0 s5, s7;
	[sflag:s6] =	ssyncadd.s32 @!p0 $0xFFFFFFFF  }
0xb3: {  	s25 =	simm.s32 $0x1B8E;
	s24 =	sld [smem:$0x3FFE];
	[sflag:s5] =	ssyncadd.remote.s32 @!p0 $0x1  }
0xb4: {  	s26 =	simm.s32 $execute0_lowered;
	[smem:$0x3FD2] =	sst s25  }
0xb5: {  	s6 =	sshll.u32 s26, $0x1;
	_ =	strace $0x80000049;
	[dreg:$0x1] =	wrdreg $0xFFFFFFFF  }
0xb6: {  	s28 =	simm.s32 $_size_execute0_lowered;
	s4 =	sadd.s32 s4, s6;
	[dreg:$0x0] =	wrdreg $0x0  }
0xb7: {  	s6 =	sshll.u32 s28, $0x1;
	[dreg:$0x2] =	wrdreg s4  }
0xb8: {  	[dreg:$0x3] =	wrdreg s6  }
0xb9: {  	[dreg:$0x4] =	wrdreg $0xC0  }
0xba: {  	_ =	task [dreg:s22], $0x5FFFF  }
0xbb: {  	[dreg:$0x1] =	wrdreg $0xFFFFFFFF  }
0xbc: {  	[dreg:$0x0] =	wrdreg $0x60  }
0xbd: {  	[dreg:$0x2] =	wrdreg s24  }
0xbe: {  	[dreg:$0x3] =	wrdreg s18  }
0xbf: {  	[dreg:$0x4] =	wrdreg $0xA  }
0xc0: {  	_ =	task.clear_ibuf [dreg:s22], $0x5FFFF;
	_ =	strace $0x90000049  }
0xc1: {  	s29 =	simm.s32 $0xA;
	_ =	strace $0x8000004B  }
0xc2: {  	_ =	swait.ge [sflag:s29], $0x1  }
0xc3: {  	[sflag:s29] =	ssyncadd.s32 $0xFFFFFFFF  }
0xc4: {  	_ =	strace $0x9000004B  }
0xc5: {  	_ =	sfence  }
0xc6: {  	s30 =	sld [smem:$0x0];
	_ =	sdelay $0x2  }
0xc7: {  	s31 =	sshll.u32 s1, $0xD;
	s1 =	sshrl.u32 s1, $0x2  }
0xc8: {  	s4 =	sand.u32 $0x4000, s31;
	s1 =	sadd.s32 s1, s30  }
0xc9: {  	s0 =	sor.u32 s4, s0;
	s1 =	sshll.u32 s1, $0x11  }
0xca: {  	s0 =	sor.u32 s1, s0  }
0xcb: {  	s0 =	sadd.s32 $0x8F2B, s0  }
0xcc: {  	[sflag:s0] =	ssyncadd.remote.s32 $0x1  }
0xcd: {  	_ =	sfence.sel $0xFFFF  }
0xce: {  	[dreg:$0x0] =	wrdreg $0xFFFFFFFF;
	(pc) =	sbr.abs _section_cstart, $3  }
0xcf: {  	[dreg:$0x1] =	wrdreg $0xFFFFFFFF  }
0xd0: {  	_ =	task.clear_ibuf [dreg:s22], $0x2FFFF;
	_ =	strace $0x9FFFFFFF  }
0xd1: {  	(tm) =	ssettm $0x7FFFFFFF  }
tec
execute0_lowered:
.L_overlay_start_1:
0x0: {  	(tag) =	ssettag $0x1  }
0x1: {  	s0 =	rddreg [dreg:$0x0]  }
0x2: {  	s2 =	rddreg [dreg:$0x1]  }
0x3: {  	s1 =	srdreg.scid;
	s4 =	stileid.u32  }
0x4: {  	s3 =	simm.s32 $0x0;
	s9 =	simm.s32 $0x4000;
	s10 =	simm.s32 $0x4  }
0x5: {  	s11 =	simm.s32 $0x80;
	s12 =	simm.s32 $0x6400;
	s13 =	simm.s32 $0x7400  }
0x6: {  	s14 =	simm.s32 $0x100;
	s15 =	simm.s32 $0x8400;
	s16 =	simm.s32 $0x180  }
0x7: {  	v0 =	vlaneseq.u32;
	s17 =	simm.s32 $0x9400;
	s18 =	simm.s32 $0xA400;
	s19 =	simm.s32 $0xB400  }
0x8: {  	v1 =	vimm.s32 $0x0;
	vm0 =	vcmask $0x300;
	s20 =	simm.s32 $0xC400;
	s21 =	simm.s32 $0xD400;
	s22 =	simm.s32 $0x1;
	v0 =	vmul.u32 $0x208, v0  }
0x9: {  	s23 =	simm.s32 $0xE400;
	s24 =	simm.s32 $0x2;
	s1 =	sand.u32 $0x1, s1;
	v1 =	vsel vm0, $0x3, v1  }
0xa: {  	s25 =	simm.s32 $0x3;
	s4 =	sshll.u32 s4, $0xA;
	s5 =	sshll.u32 s1, $0x9;
	v2 =	vadd.s32 $0x2080, v0;
	v3 =	vor.u32 $0x1, v0;
	v4 =	vadd.s32 $0x2081, v0  }
0xb: {  	s26 =	simm.s32 $0x0;
	s1 =	ssub.s32 $0x2, s1;
	s4 =	sor.u32 s5, s4;
	v5 =	vor.u32 $0x2, v0;
	v6 =	vadd.s32 $0x2082, v0;
	v7 =	vor.u32 $0x3, v0  }
0xc: {  	[smem:$0x7FF] =	sst s3;
	s6 =	sshrl.u32 s1, $0x1;
	v8 =	vadd.s32 $0x2083, v0;
	v9 =	vor.u32 $0x4, v0;
	v10 =	vadd.s32 $0x2084, v0;
	s5 =	sshrl.u32 s4, $0x3  }
0xd: {  	_ =	strace $0x8000004A;
	v11 =	vor.u32 $0x5, v0;
	v12 =	vadd.s32 $0x2085, v0;
	v13 =	vor.u32 $0x6, v0;
	s31 =	ssub.s32 s1, s6;
	s7 =	sadd.s32 s5, s0  }
0xe: {  	v14 =	vadd.s32 $0x2086, v0;
	v15 =	vor.u32 $0x7, v0;
	v16 =	vadd.s32 $0x2087, v0;
	s5 =	sadd.s32 $0x344200, s0;
	s6 =	sadd.s32 $0xB200, s7;
	s7 =	smax.u32 s31, $0x1  }
.LBB2_1:
0xf: {  	s0 =	simm.s32 $0x200  }
0x10: {  	[tilespmem:s3], [sflag:$0x4] =	stream.strided.gather [hbm4b:s6+s0], $0x6400, s9, s0, $0x38;
	[tilespmem:$0x12500] =	vst v63  }
0x11: {  	_ =	swait.ge [sflag:s10], $0x6400  }
0x12: {  	[sflag:s10] =	ssyncset.done $0x0  }
0x13: {  	[sflag:s10] =	ssyncadd.s32 $0xFFFF9C00  }
0x14: {  	[tilespmem:s12], [sflag:$0x1] =	stream.indirect.gather [hbm4b:s2+s11], $0x20, s3, s11, $0xb8;
	[tilespmem:$0x12500] =	vst v63  }
0x15: {  	_ = 	snop  }
0x16: {  	[tilespmem:s13], [sflag:$0x1] =	stream.indirect.gather [hbm4b:s2+s11], $0x20, s11, s11, $0xb8;
	[tilespmem:$0x12500] =	vst v63  }
0x17: {  	_ = 	snop  }
0x18: {  	[tilespmem:s15], [sflag:$0x1] =	stream.indirect.gather [hbm4b:s2+s11], $0x20, s14, s11, $0xb8;
	[tilespmem:$0x12500] =	vst v63  }
0x19: {  	s28 =	simm.s32 $0x0  }
0x1a: {  	[tilespmem:s17], [sflag:$0x1] =	stream.indirect.gather [hbm4b:s2+s11], $0x20, s16, s11, $0xb8;
	[tilespmem:$0x12500] =	vst v63  }
.LBB2_2:
0x1b: {  	s29 =	sshllo.u32 s28, $0x1  }
0x1c: {  	s0 =	sshll.u32 s29, $0x9  }
0x1d: {  	s0 =	sand.u32 $0x3FFFFE00, s0  }
0x1e: {  	[tilespmem:s18], [sflag:$0x2] =	stream.indirect.gather [hbm4b:s2+s11], $0x20, s0, s11, $0xb8;
	[tilespmem:$0x12500] =	vst v63  }
0x1f: {  	s1 =	sor.u32 $0x80, s0  }
0x20: {  	[tilespmem:s19], [sflag:$0x2] =	stream.indirect.gather [hbm4b:s2+s11], $0x20, s1, s11, $0xb8;
	[tilespmem:$0x12500] =	vst v63  }
0x21: {  	s8 =	sor.u32 $0x100, s0  }
0x22: {  	[tilespmem:s20], [sflag:$0x2] =	stream.indirect.gather [hbm4b:s2+s11], $0x20, s8, s11, $0xb8;
	[tilespmem:$0x12500] =	vst v63  }
0x23: {  	s0 =	sor.u32 $0x180, s0  }
0x24: {  	[tilespmem:s21], [sflag:$0x2] =	stream.indirect.gather [hbm4b:s2+s11], $0x20, s0, s11, $0xb8;
	[tilespmem:$0x12500] =	vst v63  }
0x25: {  	_ =	swait.ge [sflag:s22], $0x1000  }
0x26: {  	[sflag:s22] =	ssyncset.done $0x0  }
0x27: {  	[sflag:s22] =	ssyncadd.s32 $0xFFFFF000  }
0x28: {  	_ =	swait.ge [sflag:s22], $0x1000  }
0x29: {  	[sflag:s22] =	ssyncset.done $0x0  }
0x2a: {  	[sflag:s22] =	ssyncadd.s32 $0xFFFFF000  }
0x2b: {  	_ =	swait.ge [sflag:s22], $0x1000  }
0x2c: {  	[sflag:s22] =	ssyncset.done $0x0  }
0x2d: {  	[sflag:s22] =	ssyncadd.s32 $0xFFFFF000  }
0x2e: {  	s1 =	simm.s32 $0x0;
	_ =	swait.ge [sflag:s22], $0x1000  }
0x2f: {  	p0 =	seq.s32 s28, $0x0;
	v17 =	vmov s1;
	[sflag:s22] =	ssyncset.done $0x0  }
0x30: {  	v17 =	vshrl.u32 v17, $0x3;
	s0 =	simm.s32 @!p0 $0x3;
	[sflag:s22] =	ssyncadd.s32 $0xFFFFF000  }
0x31: {  	v17 =	vshll.u32 v17, v1;
	_ =	swait.ge @!p0 [sflag:s0], $0x4000  }
0x32: {  	v17 =	vbroadcast v17, $0x0;
	[sflag:s0] =	ssyncset.done @!p0 $0x0  }
0x33: {  	s30 =	simm.s32 $0x6480;
	[sflag:s0] =	ssyncadd.s32 @!p0 $0xFFFFC000  }
0x34: {  	v19 =	vadd.s32 v0, v17;
	v18 =	vld [tilespmem:s30+$0xFFFFFF80];
	_ =	sdelay $0x4  }
0x35: {  	[tilespmem:v19+s23+$0x0] =	vst.idx.msk $0xffff, v18  }
0x36: {  	s8 =	simm.s32 $0x1;
	v17 =	vadd.s32 v2, v17;
	v18 =	vld [tilespmem:s30+$0xFFFFFF90]  }
0x37: {  	v19 =	vmov s8  }
0x38: {  	v19 =	vshrl.u32 v19, $0x3  }
0x39: {  	v19 =	vshll.u32 v19, v1  }
0x3a: {  	v19 =	vbroadcast v19, $0x0  }
0x3b: {  	[tilespmem:v17+s23+$0x0] =	vst.idx.msk $0xffff, v18  }
0x3c: {  	v18 =	vadd.s32 v3, v19;
	v17 =	vld [tilespmem:s30+$0xFFFFFFA0];
	_ =	sdelay $0x4  }
0x3d: {  	[tilespmem:v18+s23+$0x0] =	vst.idx.msk $0xffff, v17  }
0x3e: {  	s1 =	simm.s32 $0x2;
	v18 =	vadd.s32 v4, v19;
	v17 =	vld [tilespmem:s30+$0xFFFFFFB0]  }
0x3f: {  	v19 =	vmov s1  }
0x40: {  	v19 =	vshrl.u32 v19, $0x3  }
0x41: {  	v19 =	vshll.u32 v19, v1  }
0x42: {  	v19 =	vbroadcast v19, $0x0  }
0x43: {  	[tilespmem:v18+s23+$0x0] =	vst.idx.msk $0xffff, v17  }
0x44: {  	v18 =	vadd.s32 v5, v19;
	v17 =	vld [tilespmem:s30+$0xFFFFFFC0];
	_ =	sdelay $0x4  }
0x45: {  	[tilespmem:v18+s23+$0x0] =	vst.idx.msk $0xffff, v17  }
0x46: {  	s8 =	simm.s32 $0x3;
	v18 =	vadd.s32 v6, v19;
	v17 =	vld [tilespmem:s30+$0xFFFFFFD0]  }
0x47: {  	v19 =	vmov s8  }
0x48: {  	v19 =	vshrl.u32 v19, $0x3  }
0x49: {  	v19 =	vshll.u32 v19, v1  }
0x4a: {  	v19 =	vbroadcast v19, $0x0  }
0x4b: {  	[tilespmem:v18+s23+$0x0] =	vst.idx.msk $0xffff, v17  }
0x4c: {  	v18 =	vadd.s32 v7, v19;
	v17 =	vld [tilespmem:s30+$0xFFFFFFE0];
	_ =	sdelay $0x4  }
0x4d: {  	[tilespmem:v18+s23+$0x0] =	vst.idx.msk $0xffff, v17  }
0x4e: {  	s1 =	simm.s32 $0x4;
	v18 =	vadd.s32 v8, v19;
	v17 =	vld [tilespmem:s30+$0xFFFFFFF0]  }
0x4f: {  	v19 =	vmov s1  }
0x50: {  	v19 =	vshrl.u32 v19, $0x3  }
0x51: {  	v19 =	vshll.u32 v19, v1  }
0x52: {  	v19 =	vbroadcast v19, $0x0  }
0x53: {  	[tilespmem:v18+s23+$0x0] =	vst.idx.msk $0xffff, v17  }
0x54: {  	v18 =	vadd.s32 v9, v19;
	v17 =	vld [tilespmem:s30+$0x0];
	_ =	sdelay $0x4  }
0x55: {  	[tilespmem:v18+s23+$0x0] =	vst.idx.msk $0xffff, v17  }
0x56: {  	s8 =	simm.s32 $0x5;
	v18 =	vadd.s32 v10, v19;
	v17 =	vld [tilespmem:s30+$0x10]  }
0x57: {  	v19 =	vmov s8  }
0x58: {  	v19 =	vshrl.u32 v19, $0x3  }
0x59: {  	v19 =	vshll.u32 v19, v1  }
0x5a: {  	v19 =	vbroadcast v19, $0x0  }
0x5b: {  	[tilespmem:v18+s23+$0x0] =	vst.idx.msk $0xffff, v17  }
0x5c: {  	v18 =	vadd.s32 v11, v19;
	v17 =	vld [tilespmem:s30+$0x20];
	_ =	sdelay $0x4  }
0x5d: {  	[tilespmem:v18+s23+$0x0] =	vst.idx.msk $0xffff, v17  }
0x5e: {  	s1 =	simm.s32 $0x6;
	v18 =	vadd.s32 v12, v19;
	v17 =	vld [tilespmem:s30+$0x30]  }
0x5f: {  	v19 =	vmov s1  }
0x60: {  	v19 =	vshrl.u32 v19, $0x3  }
0x61: {  	v19 =	vshll.u32 v19, v1  }
0x62: {  	v19 =	vbroadcast v19, $0x0  }
0x63: {  	[tilespmem:v18+s23+$0x0] =	vst.idx.msk $0xffff, v17  }
0x64: {  	v18 =	vadd.s32 v13, v19;
	v17 =	vld [tilespmem:s30+$0x40];
	_ =	sdelay $0x4  }
0x65: {  	[tilespmem:v18+s23+$0x0] =	vst.idx.msk $0xffff, v17  }
0x66: {  	s8 =	simm.s32 $0x7;
	v18 =	vadd.s32 v14, v19;
	v17 =	vld [tilespmem:s30+$0x50]  }
0x67: {  	v19 =	vmov s8  }
0x68: {  	v19 =	vshrl.u32 v19, $0x3  }
0x69: {  	v19 =	vshll.u32 v19, v1  }
0x6a: {  	v19 =	vbroadcast v19, $0x0  }
0x6b: {  	[tilespmem:v18+s23+$0x0] =	vst.idx.msk $0xffff, v17  }
0x6c: {  	v18 =	vadd.s32 v15, v19;
	v17 =	vld [tilespmem:s30+$0x60];
	_ =	sdelay $0x4  }
0x6d: {  	[tilespmem:v18+s23+$0x0] =	vst.idx.msk $0xffff, v17  }
0x6e: {  	s31 =	simm.s32 $0xF;
	s0 =	simm.s32 $0x17;
	s1 =	simm.s32 $0x8;
	v18 =	vadd.s32 v16, v19;
	v17 =	vld [tilespmem:s30+$0x70]  }
.LBB2_3:
0x6f: {  	p0 =	sne.s32 s0, $0x1FF;
	v19 =	vmov s1  }
0x70: {  	v19 =	vshrl.u32 v19, $0x3  }
0x71: {  	v19 =	vshll.u32 v19, v1  }
0x72: {  	v19 =	vbroadcast v19, $0x0  }
0x73: {  	s30 =	sadd.s32 $0x100, s30;
	[tilespmem:v18+s23+$0x0] =	vst.idx.msk $0xffff, v17  }
0x74: {  	v17 =	vld [tilespmem:s30+$0xFFFFFF80];
	v18 =	vadd.s32 v0, v19;
	_ =	sdelay $0x4  }
0x75: {  	[tilespmem:v18+s23+$0x0] =	vst.idx.msk $0xffff, v17  }
0x76: {  	s1 =	sadd.s32 $0xFFFFFFFA, s31;
	v18 =	vadd.s32 v2, v19;
	v17 =	vld [tilespmem:s30+$0xFFFFFF90]  }
0x77: {  	v19 =	vmov s1  }
0x78: {  	v19 =	vshrl.u32 v19, $0x3  }
0x79: {  	v19 =	vshll.u32 v19, v1  }
0x7a: {  	v19 =	vbroadcast v19, $0x0  }
0x7b: {  	[tilespmem:v18+s23+$0x0] =	vst.idx.msk $0xffff, v17  }
0x7c: {  	v18 =	vadd.s32 v3, v19;
	v17 =	vld [tilespmem:s30+$0xFFFFFFA0];
	_ =	sdelay $0x4  }
0x7d: {  	[tilespmem:v18+s23+$0x0] =	vst.idx.msk $0xffff, v17  }
0x7e: {  	s1 =	sadd.s32 $0xFFFFFFFB, s31;
	v18 =	vadd.s32 v4, v19;
	v17 =	vld [tilespmem:s30+$0xFFFFFFB0]  }
0x7f: {  	v19 =	vmov s1  }
0x80: {  	v19 =	vshrl.u32 v19, $0x3  }
0x81: {  	v19 =	vshll.u32 v19, v1  }
0x82: {  	v19 =	vbroadcast v19, $0x0  }
0x83: {  	[tilespmem:v18+s23+$0x0] =	vst.idx.msk $0xffff, v17  }
0x84: {  	v18 =	vadd.s32 v5, v19;
	v17 =	vld [tilespmem:s30+$0xFFFFFFC0];
	_ =	sdelay $0x4  }
0x85: {  	[tilespmem:v18+s23+$0x0] =	vst.idx.msk $0xffff, v17  }
0x86: {  	s1 =	sadd.s32 $0xFFFFFFFC, s31;
	v18 =	vadd.s32 v6, v19;
	v17 =	vld [tilespmem:s30+$0xFFFFFFD0]  }
0x87: {  	v19 =	vmov s1  }
0x88: {  	v19 =	vshrl.u32 v19, $0x3  }
0x89: {  	v19 =	vshll.u32 v19, v1  }
0x8a: {  	v19 =	vbroadcast v19, $0x0  }
0x8b: {  	[tilespmem:v18+s23+$0x0] =	vst.idx.msk $0xffff, v17  }
0x8c: {  	v18 =	vadd.s32 v7, v19;
	v17 =	vld [tilespmem:s30+$0xFFFFFFE0];
	_ =	sdelay $0x4  }
0x8d: {  	[tilespmem:v18+s23+$0x0] =	vst.idx.msk $0xffff, v17  }
0x8e: {  	s1 =	sadd.s32 $0xFFFFFFFD, s31;
	v18 =	vadd.s32 v8, v19;
	v17 =	vld [tilespmem:s30+$0xFFFFFFF0]  }
0x8f: {  	v19 =	vmov s1  }
0x90: {  	v19 =	vshrl.u32 v19, $0x3  }
0x91: {  	v19 =	vshll.u32 v19, v1  }
0x92: {  	v19 =	vbroadcast v19, $0x0  }
0x93: {  	[tilespmem:v18+s23+$0x0] =	vst.idx.msk $0xffff, v17  }
0x94: {  	v18 =	vadd.s32 v9, v19;
	v17 =	vld [tilespmem:s30+$0x0];
	_ =	sdelay $0x4  }
0x95: {  	[tilespmem:v18+s23+$0x0] =	vst.idx.msk $0xffff, v17  }
0x96: {  	s1 =	sadd.s32 $0xFFFFFFFE, s31;
	v18 =	vadd.s32 v10, v19;
	v17 =	vld [tilespmem:s30+$0x10]  }
0x97: {  	v19 =	vmov s1  }
0x98: {  	v19 =	vshrl.u32 v19, $0x3  }
0x99: {  	v19 =	vshll.u32 v19, v1  }
0x9a: {  	v19 =	vbroadcast v19, $0x0  }
0x9b: {  	[tilespmem:v18+s23+$0x0] =	vst.idx.msk $0xffff, v17  }
0x9c: {  	v18 =	vadd.s32 v11, v19;
	v17 =	vld [tilespmem:s30+$0x20];
	_ =	sdelay $0x4  }
0x9d: {  	[tilespmem:v18+s23+$0x0] =	vst.idx.msk $0xffff, v17  }
0x9e: {  	s1 =	sadd.s32 $0xFFFFFFFF, s31;
	v18 =	vadd.s32 v12, v19;
	v17 =	vld [tilespmem:s30+$0x30]  }
0x9f: {  	v19 =	vmov s1  }
0xa0: {  	v19 =	vshrl.u32 v19, $0x3  }
0xa1: {  	v19 =	vshll.u32 v19, v1  }
0xa2: {  	v19 =	vbroadcast v19, $0x0  }
0xa3: {  	[tilespmem:v18+s23+$0x0] =	vst.idx.msk $0xffff, v17  }
0xa4: {  	v18 =	vadd.s32 v13, v19;
	v17 =	vld [tilespmem:s30+$0x40];
	_ =	sdelay $0x4  }
0xa5: {  	[tilespmem:v18+s23+$0x0] =	vst.idx.msk $0xffff, v17  }
0xa6: {  	v18 =	vadd.s32 v14, v19;
	v17 =	vld [tilespmem:s30+$0x50]  }
0xa7: {  	v19 =	vmov s31;
	s31 =	smov.u32 s0  }
0xa8: {  	v19 =	vshrl.u32 v19, $0x3  }
0xa9: {  	v19 =	vshll.u32 v19, v1  }
0xaa: {  	v19 =	vbroadcast v19, $0x0  }
0xab: {  	[tilespmem:v18+s23+$0x0] =	vst.idx.msk $0xffff, v17  }
0xac: {  	v18 =	vadd.s32 v15, v19;
	v17 =	vld [tilespmem:s30+$0x60];
	_ =	sdelay $0x1  }
.Ltmp0:
0xad: {  	(pc) =	sbr.rel @p0 .LBB2_3-.Ltmp0, $3  }
0xae: {  	_ =	sdelay $0x1  }
0xaf: {  	[tilespmem:v18+s23+$0x0] =	vst.idx.msk $0xffff, v17  }
0xb0: {  	s0 =	sadd.s32 $0x8, s0;
	s1 =	sadd.s32 $0xFFFFFFF9, s31;
	v18 =	vadd.s32 v16, v19;
	v17 =	vld [tilespmem:s30+$0x70]  }
0xb1: {  	v19 =	vmov s1  }
0xb2: {  	v19 =	vshrl.u32 v19, $0x3  }
0xb3: {  	v19 =	vshll.u32 v19, v1  }
0xb4: {  	v19 =	vbroadcast v19, $0x0  }
0xb5: {  	s0 =	sadd.s32 $0x100, s30;
	[tilespmem:v18+s23+$0x0] =	vst.idx.msk $0xffff, v17  }
0xb6: {  	v17 =	vld [tilespmem:s0+$0xFFFFFF80];
	v18 =	vadd.s32 v0, v19;
	_ =	sdelay $0x4  }
0xb7: {  	[tilespmem:v18+s23+$0x0] =	vst.idx.msk $0xffff, v17  }
0xb8: {  	s8 =	sadd.s32 $0xFFFFFFFA, s31;
	v18 =	vadd.s32 v2, v19;
	v17 =	vld [tilespmem:s0+$0xFFFFFF90]  }
0xb9: {  	v19 =	vmov s8  }
0xba: {  	v19 =	vshrl.u32 v19, $0x3  }
0xbb: {  	v19 =	vshll.u32 v19, v1  }
0xbc: {  	v19 =	vbroadcast v19, $0x0  }
0xbd: {  	[tilespmem:v18+s23+$0x0] =	vst.idx.msk $0xffff, v17  }
0xbe: {  	v18 =	vadd.s32 v3, v19;
	v17 =	vld [tilespmem:s0+$0xFFFFFFA0];
	_ =	sdelay $0x4  }
0xbf: {  	[tilespmem:v18+s23+$0x0] =	vst.idx.msk $0xffff, v17  }
0xc0: {  	s8 =	sadd.s32 $0xFFFFFFFB, s31;
	v18 =	vadd.s32 v4, v19;
	v17 =	vld [tilespmem:s0+$0xFFFFFFB0]  }
0xc1: {  	v19 =	vmov s8  }
0xc2: {  	v19 =	vshrl.u32 v19, $0x3  }
0xc3: {  	v19 =	vshll.u32 v19, v1  }
0xc4: {  	v19 =	vbroadcast v19, $0x0  }
0xc5: {  	[tilespmem:v18+s23+$0x0] =	vst.idx.msk $0xffff, v17  }
0xc6: {  	v18 =	vadd.s32 v5, v19;
	v17 =	vld [tilespmem:s0+$0xFFFFFFC0];
	_ =	sdelay $0x4  }
0xc7: {  	[tilespmem:v18+s23+$0x0] =	vst.idx.msk $0xffff, v17  }
0xc8: {  	s8 =	sadd.s32 $0xFFFFFFFC, s31;
	v18 =	vadd.s32 v6, v19;
	v17 =	vld [tilespmem:s0+$0xFFFFFFD0]  }
0xc9: {  	v19 =	vmov s8  }
0xca: {  	v19 =	vshrl.u32 v19, $0x3  }
0xcb: {  	v19 =	vshll.u32 v19, v1  }
0xcc: {  	v19 =	vbroadcast v19, $0x0  }
0xcd: {  	[tilespmem:v18+s23+$0x0] =	vst.idx.msk $0xffff, v17  }
0xce: {  	v18 =	vadd.s32 v7, v19;
	v17 =	vld [tilespmem:s0+$0xFFFFFFE0];
	_ =	sdelay $0x4  }
0xcf: {  	[tilespmem:v18+s23+$0x0] =	vst.idx.msk $0xffff, v17  }
0xd0: {  	s8 =	sadd.s32 $0xFFFFFFFD, s31;
	v18 =	vadd.s32 v8, v19;
	v17 =	vld [tilespmem:s0+$0xFFFFFFF0]  }
0xd1: {  	v19 =	vmov s8  }
0xd2: {  	v19 =	vshrl.u32 v19, $0x3  }
0xd3: {  	v19 =	vshll.u32 v19, v1  }
0xd4: {  	v19 =	vbroadcast v19, $0x0  }
0xd5: {  	[tilespmem:v18+s23+$0x0] =	vst.idx.msk $0xffff, v17  }
0xd6: {  	v18 =	vadd.s32 v9, v19;
	v17 =	vld [tilespmem:s0+$0x0];
	_ =	sdelay $0x4  }
0xd7: {  	[tilespmem:v18+s23+$0x0] =	vst.idx.msk $0xffff, v17  }
0xd8: {  	s8 =	sadd.s32 $0xFFFFFFFE, s31;
	v18 =	vadd.s32 v10, v19;
	v17 =	vld [tilespmem:s0+$0x10]  }
0xd9: {  	v19 =	vmov s8  }
0xda: {  	v19 =	vshrl.u32 v19, $0x3  }
0xdb: {  	v19 =	vshll.u32 v19, v1  }
0xdc: {  	v19 =	vbroadcast v19, $0x0  }
0xdd: {  	[tilespmem:v18+s23+$0x0] =	vst.idx.msk $0xffff, v17  }
0xde: {  	v18 =	vadd.s32 v11, v19;
	v17 =	vld [tilespmem:s0+$0x20];
	_ =	sdelay $0x4  }
0xdf: {  	[tilespmem:v18+s23+$0x0] =	vst.idx.msk $0xffff, v17  }
0xe0: {  	s8 =	sadd.s32 $0xFFFFFFFF, s31;
	v18 =	vadd.s32 v12, v19;
	v17 =	vld [tilespmem:s0+$0x30]  }
0xe1: {  	v19 =	vmov s8  }
0xe2: {  	v19 =	vshrl.u32 v19, $0x3  }
0xe3: {  	v19 =	vshll.u32 v19, v1  }
0xe4: {  	v19 =	vbroadcast v19, $0x0  }
0xe5: {  	[tilespmem:v18+s23+$0x0] =	vst.idx.msk $0xffff, v17  }
0xe6: {  	v18 =	vadd.s32 v13, v19;
	v17 =	vld [tilespmem:s0+$0x40];
	_ =	sdelay $0x4  }
0xe7: {  	[tilespmem:v18+s23+$0x0] =	vst.idx.msk $0xffff, v17  }
0xe8: {  	v18 =	vadd.s32 v14, v19;
	v17 =	vld [tilespmem:s0+$0x50]  }
0xe9: {  	v19 =	vmov s31  }
0xea: {  	v19 =	vshrl.u32 v19, $0x3  }
0xeb: {  	v19 =	vshll.u32 v19, v1  }
0xec: {  	v19 =	vbroadcast v19, $0x0  }
0xed: {  	[tilespmem:v18+s23+$0x0] =	vst.idx.msk $0xffff, v17  }
0xee: {  	v18 =	vadd.s32 v15, v19;
	v17 =	vld [tilespmem:s0+$0x60];
	_ =	sdelay $0x4  }
0xef: {  	[tilespmem:v18+s23+$0x0] =	vst.idx.msk $0xffff, v17  }
0xf0: {  	v18 =	vadd.s32 v16, v19;
	v17 =	vld [tilespmem:s0+$0x70]  }
0xf1: {  	s8 =	sshll.u32 s28, $0x14  }
0xf2: {  	s0 =	sor.u32 s4, s8  }
0xf3: {  	s0 =	sshrl.u32 s0, $0x3  }
0xf4: {  	s1 =	simm.s32 $0xE400;
	s0 =	sadd.s32 s5, s0  }
0xf5: {  	s30 =	simm.s32 $0x800;
	s31 =	simm.s32 $0xE608;
	s8 =	sadd.s32 $0x0, s0;
	[tilespmem:v18+s23+$0x0] =	vst.idx.msk $0xffff, v17  }
.LBB2_5:
0xf6: {  	[hbm4b:s8+s3] =	stream.linear.scatter [tilespmem:s1], [sflag:$0x3], $0x200, $0x38;
	[tilespmem:$0x12500] =	vst v63  }
0xf7: {  	s8 =	smov.u32 s30;
	s1 =	smov.u32 s31;
	p0 =	sne.s32 s30, $0xF800  }
.Ltmp1:
0xf8: {  	s30 =	sadd.s32 $0x800, s30;
	(pc) =	sbr.rel @p0 .LBB2_5-.Ltmp1, $2  }
0xf9: {  	_ =	sdelay $0x2  }
0xfa: {  	s31 =	sadd.s32 $0x208, s31;
	s8 =	sadd.s32 s8, s0  }
0xfb: {  	[hbm4b:s8+s3] =	stream.linear.scatter [tilespmem:s1], [sflag:$0x3], $0x200, $0x38;
	[tilespmem:$0x12500] =	vst v63  }
0xfc: {  	p0 =	seq.s32 s28, $0x18  }
0xfd: {  	s0 =	sshll.u32 @!p0 s28, $0xA  }
0xfe: {  	s0 =	sand.u32 @!p0 $0x3FFFFC00, s0  }
0xff: {  	s8 =	simm.s32 @!p0 $0x80;
	s30 =	simm.s32 @!p0 $0x6400;
	s1 =	sadd.s32 @!p0 $0x400, s0  }
0x100: {  	[tilespmem:s30], [sflag:$0x1] =	stream.indirect.gather @!p0 [hbm4b:s2+s8], $0x20, s1, s8, $0xb8;
	[tilespmem:$0x12500] =	vst v63  }
0x101: {  	s1 =	sadd.s32 @!p0 $0x480, s0;
	s30 =	simm.s32 @!p0 $0x7400  }
0x102: {  	[tilespmem:s30], [sflag:$0x1] =	stream.indirect.gather @!p0 [hbm4b:s2+s8], $0x20, s1, s8, $0xb8;
	[tilespmem:$0x12500] =	vst v63  }
0x103: {  	s1 =	sadd.s32 @!p0 $0x500, s0;
	s30 =	simm.s32 @!p0 $0x8400  }
0x104: {  	[tilespmem:s30], [sflag:$0x1] =	stream.indirect.gather @!p0 [hbm4b:s2+s8], $0x20, s1, s8, $0xb8;
	[tilespmem:$0x12500] =	vst v63  }
0x105: {  	s0 =	sadd.s32 @!p0 $0x580, s0;
	s1 =	simm.s32 @!p0 $0x9400  }
0x106: {  	[tilespmem:s1], [sflag:$0x1] =	stream.indirect.gather @!p0 [hbm4b:s2+s8], $0x20, s0, s8, $0xb8;
	[tilespmem:$0x12500] =	vst v63  }
0x107: {  	_ =	swait.ge [sflag:s24], $0x1000  }
0x108: {  	[sflag:s24] =	ssyncset.done $0x0  }
0x109: {  	[sflag:s24] =	ssyncadd.s32 $0xFFFFF000  }
0x10a: {  	_ =	swait.ge [sflag:s24], $0x1000  }
0x10b: {  	[sflag:s24] =	ssyncset.done $0x0  }
0x10c: {  	[sflag:s24] =	ssyncadd.s32 $0xFFFFF000  }
0x10d: {  	_ =	swait.ge [sflag:s24], $0x1000  }
0x10e: {  	[sflag:s24] =	ssyncset.done $0x0  }
0x10f: {  	[sflag:s24] =	ssyncadd.s32 $0xFFFFF000  }
0x110: {  	s1 =	simm.s32 $0x0;
	_ =	swait.ge [sflag:s24], $0x1000  }
0x111: {  	v17 =	vmov s1;
	[sflag:s24] =	ssyncset.done $0x0  }
0x112: {  	v17 =	vshrl.u32 v17, $0x3;
	[sflag:s24] =	ssyncadd.s32 $0xFFFFF000  }
0x113: {  	v17 =	vshll.u32 v17, $0x3;
	_ =	swait.ge [sflag:s25], $0x4000  }
0x114: {  	v17 =	vbroadcast v17, $0x0;
	[sflag:s25] =	ssyncset.done $0x0  }
0x115: {  	s8 =	simm.s32 $0x0;
	[sflag:s25] =	ssyncadd.s32 $0xFFFFC000  }
0x116: {  	v19 =	vadd.s32 v0, v17;
	v18 =	vld [tilespmem:s8+$0xA400];
	_ =	sdelay $0x4  }
0x117: {  	[tilespmem:v19+s23+$0x0] =	vst.idx.msk $0xffff, v18  }
0x118: {  	v19 =	vadd.s32 v2, v17;
	v18 =	vld [tilespmem:s8+$0xA410];
	_ =	sdelay $0x4  }
0x119: {  	[tilespmem:v19+s23+$0x0] =	vst.idx.msk $0xffff, v18  }
0x11a: {  	v19 =	vadd.s32 v3, v17;
	v18 =	vld [tilespmem:s8+$0xA420];
	_ =	sdelay $0x4  }
0x11b: {  	[tilespmem:v19+s23+$0x0] =	vst.idx.msk $0xffff, v18  }
0x11c: {  	v19 =	vadd.s32 v4, v17;
	v18 =	vld [tilespmem:s8+$0xA430];
	_ =	sdelay $0x4  }
0x11d: {  	[tilespmem:v19+s23+$0x0] =	vst.idx.msk $0xffff, v18  }
0x11e: {  	v19 =	vadd.s32 v5, v17;
	v18 =	vld [tilespmem:s8+$0xA440];
	_ =	sdelay $0x4  }
0x11f: {  	[tilespmem:v19+s23+$0x0] =	vst.idx.msk $0xffff, v18  }
0x120: {  	v19 =	vadd.s32 v6, v17;
	v18 =	vld [tilespmem:s8+$0xA450];
	_ =	sdelay $0x4  }
0x121: {  	[tilespmem:v19+s23+$0x0] =	vst.idx.msk $0xffff, v18  }
0x122: {  	v19 =	vadd.s32 v7, v17;
	v18 =	vld [tilespmem:s8+$0xA460];
	_ =	sdelay $0x4  }
0x123: {  	[tilespmem:v19+s23+$0x0] =	vst.idx.msk $0xffff, v18  }
0x124: {  	v19 =	vadd.s32 v8, v17;
	v18 =	vld [tilespmem:s8+$0xA470];
	_ =	sdelay $0x4  }
0x125: {  	[tilespmem:v19+s23+$0x0] =	vst.idx.msk $0xffff, v18  }
0x126: {  	v19 =	vadd.s32 v9, v17;
	v18 =	vld [tilespmem:s8+$0xA480];
	_ =	sdelay $0x4  }
0x127: {  	[tilespmem:v19+s23+$0x0] =	vst.idx.msk $0xffff, v18  }
0x128: {  	v19 =	vadd.s32 v10, v17;
	v18 =	vld [tilespmem:s8+$0xA490];
	_ =	sdelay $0x4  }
0x129: {  	[tilespmem:v19+s23+$0x0] =	vst.idx.msk $0xffff, v18  }
0x12a: {  	v19 =	vadd.s32 v11, v17;
	v18 =	vld [tilespmem:s8+$0xA4A0];
	_ =	sdelay $0x4  }
0x12b: {  	[tilespmem:v19+s23+$0x0] =	vst.idx.msk $0xffff, v18  }
0x12c: {  	v19 =	vadd.s32 v12, v17;
	v18 =	vld [tilespmem:s8+$0xA4B0];
	_ =	sdelay $0x4  }
0x12d: {  	[tilespmem:v19+s23+$0x0] =	vst.idx.msk $0xffff, v18  }
0x12e: {  	v19 =	vadd.s32 v13, v17;
	v18 =	vld [tilespmem:s8+$0xA4C0];
	_ =	sdelay $0x4  }
0x12f: {  	[tilespmem:v19+s23+$0x0] =	vst.idx.msk $0xffff, v18  }
0x130: {  	v19 =	vadd.s32 v14, v17;
	v18 =	vld [tilespmem:s8+$0xA4D0];
	_ =	sdelay $0x4  }
0x131: {  	[tilespmem:v19+s23+$0x0] =	vst.idx.msk $0xffff, v18  }
0x132: {  	v19 =	vadd.s32 v15, v17;
	v18 =	vld [tilespmem:s8+$0xA4E0];
	_ =	sdelay $0x4  }
0x133: {  	[tilespmem:v19+s23+$0x0] =	vst.idx.msk $0xffff, v18  }
0x134: {  	s30 =	simm.s32 $0x8;
	v19 =	vadd.s32 v16, v17;
	v18 =	vld [tilespmem:s8+$0xA4F0]  }
0x135: {  	s31 =	simm.s32 $0x800;
	s0 =	simm.s32 $0x400;
	v17 =	vmov s30  }
.LBB2_7:
0x136: {  	p0 =	sne.s32 s31, $0xFC00;
	v17 =	vshrl.u32 v17, $0x3  }
0x137: {  	v17 =	vshll.u32 v17, $0x3  }
0x138: {  	v17 =	vbroadcast v17, $0x0  }
0x139: {  	s1 =	sshra.s32 s0, $0x2;
	s0 =	smov.u32 s31;
	[tilespmem:v19+s23+$0x0] =	vst.idx.msk $0xffff, v18  }
0x13a: {  	v18 =	vld [tilespmem:s1+$0xA400];
	v19 =	vadd.s32 v0, v17;
	_ =	sdelay $0x4  }
0x13b: {  	[tilespmem:v19+s23+$0x0] =	vst.idx.msk $0xffff, v18  }
0x13c: {  	v19 =	vadd.s32 v2, v17;
	v18 =	vld [tilespmem:s1+$0xA410];
	_ =	sdelay $0x4  }
0x13d: {  	[tilespmem:v19+s23+$0x0] =	vst.idx.msk $0xffff, v18  }
0x13e: {  	v19 =	vadd.s32 v3, v17;
	v18 =	vld [tilespmem:s1+$0xA420];
	_ =	sdelay $0x4  }
0x13f: {  	[tilespmem:v19+s23+$0x0] =	vst.idx.msk $0xffff, v18  }
0x140: {  	v19 =	vadd.s32 v4, v17;
	v18 =	vld [tilespmem:s1+$0xA430];
	_ =	sdelay $0x4  }
0x141: {  	[tilespmem:v19+s23+$0x0] =	vst.idx.msk $0xffff, v18  }
0x142: {  	v19 =	vadd.s32 v5, v17;
	v18 =	vld [tilespmem:s1+$0xA440];
	_ =	sdelay $0x4  }
0x143: {  	[tilespmem:v19+s23+$0x0] =	vst.idx.msk $0xffff, v18  }
0x144: {  	v19 =	vadd.s32 v6, v17;
	v18 =	vld [tilespmem:s1+$0xA450];
	_ =	sdelay $0x4  }
0x145: {  	[tilespmem:v19+s23+$0x0] =	vst.idx.msk $0xffff, v18  }
0x146: {  	v19 =	vadd.s32 v7, v17;
	v18 =	vld [tilespmem:s1+$0xA460];
	_ =	sdelay $0x4  }
0x147: {  	[tilespmem:v19+s23+$0x0] =	vst.idx.msk $0xffff, v18  }
0x148: {  	v19 =	vadd.s32 v8, v17;
	v18 =	vld [tilespmem:s1+$0xA470];
	_ =	sdelay $0x4  }
0x149: {  	[tilespmem:v19+s23+$0x0] =	vst.idx.msk $0xffff, v18  }
0x14a: {  	v19 =	vadd.s32 v9, v17;
	v18 =	vld [tilespmem:s1+$0xA480];
	_ =	sdelay $0x4  }
0x14b: {  	[tilespmem:v19+s23+$0x0] =	vst.idx.msk $0xffff, v18  }
0x14c: {  	v19 =	vadd.s32 v10, v17;
	v18 =	vld [tilespmem:s1+$0xA490];
	_ =	sdelay $0x4  }
0x14d: {  	[tilespmem:v19+s23+$0x0] =	vst.idx.msk $0xffff, v18  }
0x14e: {  	v19 =	vadd.s32 v11, v17;
	v18 =	vld [tilespmem:s1+$0xA4A0];
	_ =	sdelay $0x4  }
0x14f: {  	[tilespmem:v19+s23+$0x0] =	vst.idx.msk $0xffff, v18  }
0x150: {  	v19 =	vadd.s32 v12, v17;
	v18 =	vld [tilespmem:s1+$0xA4B0];
	_ =	sdelay $0x4  }
0x151: {  	[tilespmem:v19+s23+$0x0] =	vst.idx.msk $0xffff, v18  }
0x152: {  	v19 =	vadd.s32 v13, v17;
	v18 =	vld [tilespmem:s1+$0xA4C0];
	_ =	sdelay $0x4  }
0x153: {  	[tilespmem:v19+s23+$0x0] =	vst.idx.msk $0xffff, v18  }
0x154: {  	v19 =	vadd.s32 v14, v17;
	v18 =	vld [tilespmem:s1+$0xA4D0];
	_ =	sdelay $0x4  }
0x155: {  	[tilespmem:v19+s23+$0x0] =	vst.idx.msk $0xffff, v18  }
0x156: {  	v19 =	vadd.s32 v15, v17;
	v18 =	vld [tilespmem:s1+$0xA4E0];
	_ =	sdelay $0x2  }
.Ltmp2:
0x157: {  	(pc) =	sbr.rel @p0 .LBB2_7-.Ltmp2, $4  }
0x158: {  	_ = 	snop  }
0x159: {  	[tilespmem:v19+s23+$0x0] =	vst.idx.msk $0xffff, v18  }
0x15a: {  	s30 =	sadd.s32 $0x8, s30;
	v19 =	vadd.s32 v16, v17;
	v18 =	vld [tilespmem:s1+$0xA4F0]  }
0x15b: {  	s31 =	sadd.s32 $0x400, s31;
	v17 =	vmov s30  }
0x15c: {  	_ = 	snop  }
0x15d: {  	v17 =	vshrl.u32 v17, $0x3  }
0x15e: {  	v17 =	vshll.u32 v17, $0x3  }
0x15f: {  	v17 =	vbroadcast v17, $0x0  }
0x160: {  	s0 =	sshra.s32 s0, $0x2;
	[tilespmem:v19+s23+$0x0] =	vst.idx.msk $0xffff, v18  }
0x161: {  	v18 =	vld [tilespmem:s0+$0xA400];
	v19 =	vadd.s32 v0, v17;
	_ =	sdelay $0x4  }
0x162: {  	[tilespmem:v19+s23+$0x0] =	vst.idx.msk $0xffff, v18  }
0x163: {  	v19 =	vadd.s32 v2, v17;
	v18 =	vld [tilespmem:s0+$0xA410];
	_ =	sdelay $0x4  }
0x164: {  	[tilespmem:v19+s23+$0x0] =	vst.idx.msk $0xffff, v18  }
0x165: {  	v19 =	vadd.s32 v3, v17;
	v18 =	vld [tilespmem:s0+$0xA420];
	_ =	sdelay $0x4  }
0x166: {  	[tilespmem:v19+s23+$0x0] =	vst.idx.msk $0xffff, v18  }
0x167: {  	v19 =	vadd.s32 v4, v17;
	v18 =	vld [tilespmem:s0+$0xA430];
	_ =	sdelay $0x4  }
0x168: {  	[tilespmem:v19+s23+$0x0] =	vst.idx.msk $0xffff, v18  }
0x169: {  	v19 =	vadd.s32 v5, v17;
	v18 =	vld [tilespmem:s0+$0xA440];
	_ =	sdelay $0x4  }
0x16a: {  	[tilespmem:v19+s23+$0x0] =	vst.idx.msk $0xffff, v18  }
0x16b: {  	v19 =	vadd.s32 v6, v17;
	v18 =	vld [tilespmem:s0+$0xA450];
	_ =	sdelay $0x4  }
0x16c: {  	[tilespmem:v19+s23+$0x0] =	vst.idx.msk $0xffff, v18  }
0x16d: {  	v19 =	vadd.s32 v7, v17;
	v18 =	vld [tilespmem:s0+$0xA460];
	_ =	sdelay $0x4  }
0x16e: {  	[tilespmem:v19+s23+$0x0] =	vst.idx.msk $0xffff, v18  }
0x16f: {  	v19 =	vadd.s32 v8, v17;
	v18 =	vld [tilespmem:s0+$0xA470];
	_ =	sdelay $0x4  }
0x170: {  	[tilespmem:v19+s23+$0x0] =	vst.idx.msk $0xffff, v18  }
0x171: {  	v19 =	vadd.s32 v9, v17;
	v18 =	vld [tilespmem:s0+$0xA480];
	_ =	sdelay $0x4  }
0x172: {  	[tilespmem:v19+s23+$0x0] =	vst.idx.msk $0xffff, v18  }
0x173: {  	v19 =	vadd.s32 v10, v17;
	v18 =	vld [tilespmem:s0+$0xA490];
	_ =	sdelay $0x4  }
0x174: {  	[tilespmem:v19+s23+$0x0] =	vst.idx.msk $0xffff, v18  }
0x175: {  	v19 =	vadd.s32 v11, v17;
	v18 =	vld [tilespmem:s0+$0xA4A0];
	_ =	sdelay $0x4  }
0x176: {  	[tilespmem:v19+s23+$0x0] =	vst.idx.msk $0xffff, v18  }
0x177: {  	v19 =	vadd.s32 v12, v17;
	v18 =	vld [tilespmem:s0+$0xA4B0];
	_ =	sdelay $0x4  }
0x178: {  	[tilespmem:v19+s23+$0x0] =	vst.idx.msk $0xffff, v18  }
0x179: {  	v19 =	vadd.s32 v13, v17;
	v18 =	vld [tilespmem:s0+$0xA4C0];
	_ =	sdelay $0x4  }
0x17a: {  	[tilespmem:v19+s23+$0x0] =	vst.idx.msk $0xffff, v18  }
0x17b: {  	v19 =	vadd.s32 v14, v17;
	v18 =	vld [tilespmem:s0+$0xA4D0];
	_ =	sdelay $0x4  }
0x17c: {  	[tilespmem:v19+s23+$0x0] =	vst.idx.msk $0xffff, v18  }
0x17d: {  	v19 =	vadd.s32 v15, v17;
	v18 =	vld [tilespmem:s0+$0xA4E0];
	_ =	sdelay $0x4  }
0x17e: {  	[tilespmem:v19+s23+$0x0] =	vst.idx.msk $0xffff, v18  }
0x17f: {  	v17 =	vadd.s32 v16, v17;
	v18 =	vld [tilespmem:s0+$0xA4F0]  }
0x180: {  	s31 =	sshll.u32 s29, $0x13  }
0x181: {  	s0 =	sor.u32 s4, s31  }
0x182: {  	s0 =	sshrl.u32 s0, $0x3  }
0x183: {  	s1 =	simm.s32 $0xE400;
	s0 =	sadd.s32 s5, s0  }
0x184: {  	s29 =	simm.s32 $0x800;
	s30 =	simm.s32 $0xE608;
	s8 =	sadd.s32 $0x0, s0;
	[tilespmem:v17+s23+$0x0] =	vst.idx.msk $0xffff, v18  }
.LBB2_9:
0x185: {  	[hbm4b:s8+s3] =	stream.linear.scatter [tilespmem:s1], [sflag:$0x3], $0x200, $0x38;
	[tilespmem:$0x12500] =	vst v63  }
0x186: {  	s8 =	smov.u32 s29;
	s1 =	smov.u32 s30;
	p0 =	sne.s32 s29, $0xF800  }
.Ltmp3:
0x187: {  	s29 =	sadd.s32 $0x800, s29;
	(pc) =	sbr.rel @p0 .LBB2_9-.Ltmp3, $2  }
0x188: {  	_ =	sdelay $0x2  }
0x189: {  	s30 =	sadd.s32 $0x208, s30;
	s8 =	sadd.s32 s8, s0  }
0x18a: {  	s28 =	sadd.s32 $0x1, s28  }
0x18b: {  	p0 =	sne.s32 s28, $0x19  }
.Ltmp4:
0x18c: {  	_ = 	snop;
	(pc) =	sbr.rel @p0 .LBB2_2-.Ltmp4, $2  }
0x18d: {  	_ =	sdelay $0x2  }
0x18e: {  	[hbm4b:s8+s3] =	stream.linear.scatter [tilespmem:s1], [sflag:$0x3], $0x200, $0x38;
	[tilespmem:$0x12500] =	vst v63  }
0x18f: {  	s26 =	sadd.s32 $0x1, s26  }
0x190: {  	p0 =	sne.s32 s26, s7  }
.Ltmp5:
0x191: {  	_ = 	snop;
	(pc) =	sbr.rel @p0 .LBB2_1-.Ltmp5, $4  }
0x192: {  	_ = 	snop  }
0x193: {  	_ =	swait.ge [sflag:s25], $0x4000  }
0x194: {  	[sflag:s25] =	ssyncset.done $0x0  }
0x195: {  	[sflag:s25] =	ssyncadd.s32 $0xFFFFC000  }
0x196: {  	_ =	sfence.sel $0x180000  }
0x197: {  	[bflag:$0x0] =	sbarrier.arrive $0xFFFF  }
0x198: {  	_ =	strace $0x9000004A  }
0x199: {  	s0 =	stileid.u32;
	[bflag:$0x2] =	sbarrier.arrive $0xFFFF  }
0x19a: {  	p0 =	sne.s32 s0, $0x0;
	s0 =	rddreg [dreg:$0x2]  }
0x19b: {  	s0 =	sadd.s32 @!p0 $0x100000, s0  }
0x19c: {  	[sflag:s0] =	ssyncadd.tile.s32 @!p0 $0x1;
	_ =	shalt  }
.Lfunc_end2:
_tile_overlayer_lowered:
.L_overlay_start_2:
0x19d: {  	(tag) =	ssettag $0x2  }
0x19e: {  	s0 =	rddreg [dreg:$0x0];
	s2 =	stileid.u32  }
0x19f: {  	s1 =	rddreg [dreg:$0x1];
	p0 =	sne.s32 s2, $0x0  }
0x1a0: {  	s3 =	rddreg [dreg:$0x2];
	[bflag:$0x3] =	sbarrier.arrive $0xFFFF;
	s2 =	simm.s32 @!p0 $0x1C04  }
0x1a1: {  	[timem:s3], [sflag:s2] =	dma.local @!p0 [hbm:s0], s1  }
0x1a2: {  	s0 =	simm.s32 @!p0 $0x4  }
0x1a3: {  	_ =	swait.ge @!p0 [sflag:s0], s1  }
0x1a4: {  	s1 =	ssub.s32 @!p0 $0x0, s1;
	[sflag:s0] =	ssyncset.done @!p0 $0x0  }
0x1a5: {  	[sflag:s0] =	ssyncadd.s32 @!p0 s1  }
0x1a6: {  	[bflag:$0x3] =	sbarrier.arrive $0xFFFF  }
0x1a7: {  	_ =	shalt  }

// kernel: kernel.7.cloned.1.call-start
scs
__scs_entry_jumppad:
0x0: {  	(pc) =	sbr.rel $0x88, $3  }
0x1: {  	(tag) =	ssettag $0x0;
	lr =	simm.s32 $0x1  }
0x2: {  	[smem:$0x3F9A] =	sst lr;
	_ =	strace $0xD0000000  }
0x3: {  	_ = 	snop  }
0x4: {  	_ = 	snop  }
0x5: {  	_ = 	snop  }
0x6: {  	_ = 	snop  }
0x7: {  	_ = 	snop  }
__scs_overlays_trampoline_lowered:
0x8: {  	[smem:$0x3FA9] =	sst s0  }
0x9: {  	[smem:$0x3FAA] =	sst s1  }
0xa: {  	[smem:$0x3FAB] =	sst s2  }
0xb: {  	[smem:$0x3FAC] =	sst s3  }
0xc: {  	[smem:$0x3FAD] =	sst s4  }
0xd: {  	[smem:$0x3FAE] =	sst s5  }
0xe: {  	[smem:$0x3FAF] =	sst s6  }
0xf: {  	[smem:$0x3FB0] =	sst s7  }
0x10: {  	[smem:$0x3FB1] =	sst s8  }
0x11: {  	[smem:$0x3FB2] =	sst s9;
	s0 =	simm.s32 @!p0 $0x0  }
0x12: {  	s1 =	sld [smem:$0x3F98];
	s0 =	simm.s32 @p0 $0x1  }
0x13: {  	[smem:$0x3FB3] =	sst s0;
	s0 =	simm.s32 @!p1 $0x0  }
0x14: {  	s2 =	sld [smem:$0x3F97];
	s0 =	simm.s32 @p1 $0x1  }
0x15: {  	[smem:$0x3FB4] =	sst s0;
	s0 =	simm.s32 @!p2 $0x0  }
0x16: {  	s3 =	sld [smem:$0x3FDB];
	s0 =	simm.s32 @p2 $0x1  }
0x17: {  	s4 =	simm.s32 $0x1BF5;
	[smem:$0x3FB6] =	sst s0  }
0x18: {  	s0 =	sld [smem:$0x3F99];
	_ =	swait.ge [sflag:s4], $0x0  }
0x19: {  	s7 =	sld [smem:$0x3F9A]  }
0x1a: {  	s8 =	sadd.s32 $0xFFFFE003, lr  }
0x1b: {  	s9 =	sadd.s32 $0xFFFFFEF7, lr;
	s5 =	simm.s32 $0xFFFFFFFF;
	p2 =	slt.u32 s8, $0xFFFFF086  }
0x1c: {  	p1 =	slt.u32 s9, $0xF7A;
	s5 =	simm.s32 @!p2 $0x0  }
0x1d: {  	s5 =	simm.s32 @p1 $0x1;
	p0 =	seq.s32 s7, s2  }
0x1e: {  	s7 =	smul.u32 @!p0 $0xF7A, s2;
	p2 =	seq.s32 @!p0 s5, $0x0  }
0x1f: {  	s9 =	smul.u32 $0xF7A, s1;
	s8 =	simm.s32 @!p0 $0x1BF5;
	p2 =	por !p2, p0  }
0x20: {  	[sflag:s8] =	ssyncset.s32 @!p0 $0xFFFFF086;
	s6 =	sadd.s32 @!p0 s3, s7;
	s7 =	simm.s32 @!p0 $0x108  }
0x21: {  	s3 =	sadd.s32 s3, s9;
	s6 =	sadd.s32 @!p0 $0x88, s6;
	s7 =	simm.s32 @p2 $0x1082  }
0x22: {  	[simem:s7], [sflag:s8] =	dma.local @!p0 [hbm:s6], $0xF7A  }
0x23: {  	s9 =	sor.u32 $0xD0000000, s2;
	s6 =	simm.s32 $0x108;
	_ =	swait.ge @!p0 [sflag:s8], $0x0  }
0x24: {  	s3 =	sadd.s32 $0x88, s3;
	s6 =	simm.s32 @!p1 $0x1082;
	[sflag:s4] =	ssyncset.s32 $0xFFFFF086  }
0x25: {  	[simem:s6], [sflag:s4] =	dma.local [hbm:s3], $0xF7A  }
0x26: {  	[smem:$0x3F9A] =	sst s1;
	(tag) =	ssettag s2;
	_ =	strace s9  }
0x27: {  	s1 =	sld [smem:$0x3FAA]  }
0x28: {  	s2 =	sld [smem:$0x3FAB]  }
0x29: {  	s4 =	sld [smem:$0x3FAD]  }
0x2a: {  	p0 =	seq.s32 s5, $0x0;
	s5 =	sld [smem:$0x3FAE]  }
0x2b: {  	s6 =	sld [smem:$0x3FAF]  }
0x2c: {  	s7 =	sld [smem:$0x3FB0]  }
0x2d: {  	s3 =	simm.s32 $0x108;
	s8 =	sld [smem:$0x3FB1]  }
0x2e: {  	s3 =	simm.s32 @!p0 $0x1082;
	s9 =	sld [smem:$0x3FB2]  }
0x2f: {  	lr =	sadd.s32 s0, s3;
	s0 =	sld [smem:$0x3FA9]  }
0x30: {  	s3 =	sld [smem:$0x3FAC]  }
0x31: {  	[smem:$0x3FB5] =	sst s10  }
0x32: {  	s10 =	sld [smem:$0x3FB3];
	_ =	sdelay $0x3  }
0x33: {  	p0 =	seq.s32 s10, $0x1;
	s10 =	sld [smem:$0x3FB5];
	_ =	sdelay $0x3  }
0x34: {  	[smem:$0x3FB5] =	sst s10  }
0x35: {  	s10 =	sld [smem:$0x3FB4];
	_ =	sdelay $0x3  }
0x36: {  	p1 =	seq.s32 s10, $0x1;
	s10 =	sld [smem:$0x3FB5];
	_ =	sdelay $0x3  }
0x37: {  	[smem:$0x3FB5] =	sst s10  }
0x38: {  	s10 =	sld [smem:$0x3FB6]  }
0x39: {  	_ = 	snop;
	(pc) =	sbr.ind lr, $3  }
0x3a: {  	_ = 	snop  }
0x3b: {  	_ = 	snop  }
0x3c: {  	p2 =	seq.s32 s10, $0x1;
	s10 =	sld [smem:$0x3FB5]  }
0x3d: {  	_ =	shalt  }
0x3e: {  	_ =	shalt  }
0x3f: {  	_ =	shalt  }
0x40: {  	_ =	shalt  }
0x41: {  	_ =	shalt  }
0x42: {  	_ =	shalt  }
0x43: {  	_ =	shalt  }
0x44: {  	_ =	shalt  }
0x45: {  	_ =	shalt  }
0x46: {  	_ =	shalt  }
0x47: {  	_ =	shalt  }
0x48: {  	_ =	shalt  }
0x49: {  	_ =	shalt  }
0x4a: {  	_ =	shalt  }
0x4b: {  	_ =	shalt  }
0x4c: {  	_ =	shalt  }
0x4d: {  	_ =	shalt  }
0x4e: {  	_ =	shalt  }
0x4f: {  	_ =	shalt  }
0x50: {  	_ =	shalt  }
0x51: {  	_ =	shalt  }
0x52: {  	_ =	shalt  }
0x53: {  	_ =	shalt  }
0x54: {  	_ =	shalt  }
0x55: {  	_ =	shalt  }
0x56: {  	_ =	shalt  }
0x57: {  	_ =	shalt  }
0x58: {  	_ =	shalt  }
0x59: {  	_ =	shalt  }
0x5a: {  	_ =	shalt  }
0x5b: {  	_ =	shalt  }
0x5c: {  	_ =	shalt  }
0x5d: {  	_ =	shalt  }
0x5e: {  	_ =	shalt  }
0x5f: {  	_ =	shalt  }
0x60: {  	_ =	shalt  }
0x61: {  	_ =	shalt  }
0x62: {  	_ =	shalt  }
0x63: {  	_ =	shalt  }
0x64: {  	_ =	shalt  }
0x65: {  	_ =	shalt  }
0x66: {  	_ =	shalt  }
0x67: {  	_ =	shalt  }
0x68: {  	_ =	shalt  }
0x69: {  	_ =	shalt  }
0x6a: {  	_ =	shalt  }
0x6b: {  	_ =	shalt  }
0x6c: {  	_ =	shalt  }
0x6d: {  	_ =	shalt  }
0x6e: {  	_ =	shalt  }
0x6f: {  	_ =	shalt  }
0x70: {  	_ =	shalt  }
0x71: {  	_ =	shalt  }
0x72: {  	_ =	shalt  }
0x73: {  	_ =	shalt  }
0x74: {  	_ =	shalt  }
0x75: {  	_ =	shalt  }
0x76: {  	_ =	shalt  }
0x77: {  	_ =	shalt  }
0x78: {  	_ =	shalt  }
0x79: {  	_ =	shalt  }
0x7a: {  	_ =	shalt  }
0x7b: {  	_ =	shalt  }
0x7c: {  	_ =	shalt  }
0x7d: {  	_ =	shalt  }
0x7e: {  	_ =	shalt  }
0x7f: {  	_ =	shalt  }
0x80: {  	_ =	shalt  }
0x81: {  	_ =	shalt  }
0x82: {  	_ =	shalt  }
0x83: {  	_ =	shalt  }
0x84: {  	_ =	shalt  }
0x85: {  	_ =	shalt  }
0x86: {  	_ =	shalt  }
0x87: {  	_ =	shalt  }
.Lfunc_end0:
.L_simem_size_0:
called_computation_lowered:
.L_overlay_start_0:
0x88: {  	s2 =	sld [smem:$0x3FD9]  }
0x89: {  	s3 =	sld [smem:$0x3FFE];
	_ =	sdelay $0x1  }
0x8a: {  	s1 =	srdreg.scid  }
0x8b: {  	s0 =	sand.u32 $0x1, s1  }
0x8c: {  	s16 =	sshll.u32 s0, $0xA;
	s2 =	sadd.s32 s3, s2  }
0x8d: {  	s2 =	sadd.s32 s2, s16  }
0x8e: {  	[smem:$0x3FC1] =	sst s2  }
0x8f: {  	_ = 	snop  }
0x90: {  	(tm) =	ssettm $0x1  }
0x91: {  	s17 =	sld [smem:$0x3FFB];
	_ =	sdelay $0x3  }
0x92: {  	_ =	strace s17  }
0x93: {  	s2 =	sld [smem:$0x3FFC];
	_ =	sdelay $0x3  }
0x94: {  	_ =	strace s2  }
0x95: {  	s2 =	sld [smem:$0x3FFD];
	_ =	sdelay $0x3  }
0x96: {  	_ =	strace s2  }
0x97: {  	_ =	strace $0x8FFFFFFF  }
0x98: {  	s18 =	sld [smem:$0x3FDB];
	_ =	sdelay $0x1  }
0x99: {  	s19 =	simm.s32 $_scs_section_size  }
0x9a: {  	s4 =	simm.s32 $_size__tile_overlayer_lowered;
	s5 =	simm.s32 $_tile_overlayer_lowered  }
0x9b: {  	s22 =	simm.s32 $0x1BFF;
	s21 =	sshll.u32 s5, $0x1;
	s2 =	sadd.s32 s19, s18  }
0x9c: {  	s6 =	simm.s32 $0x0;
	s20 =	sshll.u32 s4, $0x1;
	s4 =	sadd.s32 s21, s2  }
0x9d: {  	[timem:s6], [sflag:s22] =	dma.local [hbm:s4], s20  }
0x9e: {  	_ =	swait.ge [sflag:s22], s20  }
0x9f: {  	s3 =	ssub.s32 $0x0, s20;
	[sflag:s22] =	ssyncset.done $0x0  }
0xa0: {  	[sflag:s22] =	ssyncadd.s32 s3;
	_ =	sdelay $0x1  }
0xa1: {  	s23 =	simm.s32 $0x1B8B  }
0xa2: {  	_ =	swait.ge [sflag:s23], $0x1  }
0xa3: {  	[sflag:s23] =	ssyncset.done $0x0  }
0xa4: {  	s25 =	simm.s32 $0x1B8E;
	s24 =	sld [smem:$0x3FFE];
	[sflag:s23] =	ssyncadd.s32 $0xFFFFFFFF  }
0xa5: {  	s26 =	simm.s32 $execute0_lowered;
	[smem:$0x3FD2] =	sst s25  }
0xa6: {  	s4 =	sshll.u32 s26, $0x1;
	_ =	strace $0x80000046;
	[dreg:$0x1] =	wrdreg $0xFFFFFFFF  }
0xa7: {  	s28 =	simm.s32 $_size_execute0_lowered;
	s2 =	sadd.s32 s2, s4;
	[dreg:$0x0] =	wrdreg $0x0  }
0xa8: {  	s4 =	sshll.u32 s28, $0x1;
	[dreg:$0x2] =	wrdreg s2  }
0xa9: {  	[dreg:$0x3] =	wrdreg s4  }
0xaa: {  	[dreg:$0x4] =	wrdreg $0xC0  }
0xab: {  	_ =	task [dreg:s6], $0x5FFFF  }
0xac: {  	[dreg:$0x1] =	wrdreg $0xFFFFFFFF  }
0xad: {  	[dreg:$0x0] =	wrdreg $0x60  }
0xae: {  	[dreg:$0x2] =	wrdreg s24  }
0xaf: {  	[dreg:$0x3] =	wrdreg $0x9  }
0xb0: {  	_ =	task.clear_ibuf [dreg:s6], $0x4FFFF;
	_ =	strace $0x90000046  }
0xb1: {  	s29 =	simm.s32 $0x9;
	_ =	strace $0x80000048  }
0xb2: {  	_ =	swait.ge [sflag:s29], $0x1  }
0xb3: {  	[sflag:s29] =	ssyncadd.s32 $0xFFFFFFFF  }
0xb4: {  	_ =	strace $0x90000048  }
0xb5: {  	_ =	sfence  }
0xb6: {  	s30 =	sld [smem:$0x0];
	_ =	sdelay $0x2  }
0xb7: {  	s31 =	sshll.u32 s1, $0xD;
	s1 =	sshrl.u32 s1, $0x2  }
0xb8: {  	s3 =	sand.u32 $0x4000, s31;
	s1 =	sadd.s32 s1, s30  }
0xb9: {  	s0 =	sor.u32 s3, s0;
	s1 =	sshll.u32 s1, $0x11  }
0xba: {  	s0 =	sor.u32 s1, s0  }
0xbb: {  	s0 =	sadd.s32 $0x8F2B, s0  }
0xbc: {  	[sflag:s0] =	ssyncadd.remote.s32 $0x1  }
0xbd: {  	_ =	sfence.sel $0xFFFF  }
0xbe: {  	[dreg:$0x0] =	wrdreg $0xFFFFFFFF;
	(pc) =	sbr.abs _section_cstart, $3  }
0xbf: {  	[dreg:$0x1] =	wrdreg $0xFFFFFFFF  }
0xc0: {  	_ =	task.clear_ibuf [dreg:s6], $0x2FFFF;
	_ =	strace $0x9FFFFFFF  }
0xc1: {  	(tm) =	ssettm $0x7FFFFFFF  }
tec
execute0_lowered:
.L_overlay_start_1:
0x0: {  	(tag) =	ssettag $0x1  }
0x1: {  	v0 =	vimm.s32 $0xECA86420;
	vm0 =	vcmask $0xB08;
	vm1 =	vcmask $0x1310  }
0x2: {  	vm2 =	vcmask $0x1B18;
	vm3 =	vcmask $0x300;
	vm4 =	vcmask $0x2320  }
0x3: {  	vm5 =	vcmask $0x2B28;
	vm6 =	vcmask $0x3330;
	vm7 =	vcmask $0x3B38  }
0x4: {  	s0 =	srdreg.scid;
	v2 =	vlaneseq.u32;
	vm8 =	vmmov $0xff;
	vm9 =	vcmask $0x704  }
0x5: {  	s2 =	stileid.u32;
	s1 =	rddreg [dreg:$0x0];
	vm10 =	vcmask $0xF0C;
	vm11 =	vcmask $0x1714;
	vm12 =	vcmask $0x1F1C;
	s0 =	sand.u32 $0x1, s0  }
0x6: {  	s5 =	simm.s32 $0x0;
	vm13 =	vcmask $0x2724;
	v3 =	vimm.s32 $0x0;
	s2 =	sshll.u32 s2, $0xA;
	v0 =	vunpack.c.l.s4.s8 v0;
	s3 =	sshll.u32 s0, $0x9  }
0x7: {  	vm14 =	vcmask $0x2F2C;
	[smem:$0x7FF] =	sst s5;
	v1 =	vmul.u32 $0x2, v2;
	v2 =	vmul.u32 $0x208, v2;
	s0 =	ssub.s32 $0x2, s0;
	s2 =	sor.u32 s3, s2  }
0x8: {  	vm15 =	vcmask $0x3734;
	s4 =	sadd.s32 $0x1400, s1;
	v3 =	vsel vm3, $0x3, v3;
	v0 =	vunpack.c.0.s8.s32 v0;
	s30 =	sshrl.u32 s0, $0x1;
	[dreg:$0x9] =	wrdreg s2  }
0x9: {  	v4 =	vadd.s32 $0x2080, v2;
	v5 =	vor.u32 $0x1, v2;
	v6 =	vadd.s32 $0x2081, v2;
	s2 =	sshrl.u32 s2, $0x3;
	s0 =	ssub.s32 s0, s30;
	_ =	strace $0x80000047  }
0xa: {  	v7 =	vor.u32 $0x2, v2;
	v8 =	vadd.s32 $0x2082, v2;
	v9 =	vor.u32 $0x3, v2;
	s2 =	sadd.s32 s2, s1;
	[dreg:$0xa] =	wrdreg s4;
	s1 =	sadd.s32 $0x24200, s1  }
0xb: {  	v10 =	vadd.s32 $0x2083, v2;
	v11 =	vor.u32 $0x4, v2;
	v12 =	vadd.s32 $0x2084, v2;
	s0 =	smax.u32 s0, $0x1;
	[dreg:$0xb] =	wrdreg s1  }
0xc: {  	v13 =	vor.u32 $0x5, v2;
	v14 =	vadd.s32 $0x2085, v2;
	v15 =	vor.u32 $0x6, v2;
	s31 =	sadd.s32 $0xB200, s2;
	[dreg:$0xd] =	wrdreg s0  }
0xd: {  	v16 =	vadd.s32 $0x2086, v2;
	v17 =	vor.u32 $0x7, v2;
	v18 =	vadd.s32 $0x2087, v2;
	s2 =	simm.s32 $0x0;
	[dreg:$0xc] =	wrdreg s31  }
.LBB2_1:
0xe: {  	[dreg:$0xe] =	wrdreg s2  }
0xf: {  	s0 =	rddreg [dreg:$0xc]  }
0x10: {  	s1 =	simm.s32 $0x200;
	s17 =	simm.s32 $0x4000;
	s18 =	simm.s32 $0x4  }
0x11: {  	[tilespmem:s5], [sflag:$0x4] =	stream.strided.gather [hbm4b:s0+s1], $0x6400, s17, s1, $0x38;
	[tilespmem:$0x12900] =	vst v63  }
0x12: {  	_ =	swait.ge [sflag:s18], $0x6400  }
0x13: {  	[sflag:s18] =	ssyncset.done $0x0  }
0x14: {  	s30 =	simm.s32 $0x0;
	[sflag:s18] =	ssyncadd.s32 $0xFFFF9C00  }
0x15: {  	v19 =	vld [tilespmem:s30+$0x0];
	_ =	sdelay $0x4  }
0x16: {  	(v2sf) =	vpush v19, $0x0  }
0x17: {  	(v2sf) =	vpush v19, $0x7;
	_ =	sdelay $0x1  }
0x18: {  	(v2sf) =	vpush v19, $0x1  }
0x19: {  	(v2sf) =	vpush v19, $0x2;
	_ =	sdelay $0x1  }
0x1a: {  	(v2sf) =	vpush v19, $0x6;
	_ =	sdelay $0x1  }
0x1b: {  	(v2sf) =	vpush v19, $0x3;
	_ =	sdelay $0x1  }
0x1c: {  	(v2sf) =	vpush v19, $0x4;
	_ =	sdelay $0x1  }
0x1d: {  	(v2sf) =	vpush v19, $0xC  }
0x1e: {  	(v2sf) =	vpush v19, $0xD;
	_ =	sdelay $0x1  }
0x1f: {  	s19 =	spop (v2sf)  }
0x20: {  	(v2sf) =	vpush v19, $0xE;
	s20 =	spop (v2sf);
	s21 =	smulhi.u32 $0x68DB8BAD, s19  }
0x21: {  	(v2sf) =	vpush v19, $0xF;
	s4 =	sshra.s32 s20, $0x1F;
	s2 =	smulhi.u32 $0x68DB8BAD, s20  }
0x22: {  	s3 =	spop (v2sf);
	s4 =	smul.u32 $0x68DB8BAD, s4  }
0x23: {  	s22 =	spop (v2sf);
	s8 =	smulhi.u32 $0x68DB8BAD, s3  }
0x24: {  	s3 =	sshra.s32 s3, $0x1F;
	s9 =	smulhi.u32 $0x68DB8BAD, s22  }
0x25: {  	s6 =	spop (v2sf);
	s3 =	smul.u32 $0x68DB8BAD, s3  }
0x26: {  	s5 =	sshra.s32 s22, $0x1F;
	s10 =	smulhi.u32 $0x68DB8BAD, s6  }
0x27: {  	(v2sf) =	vpush v19, $0x8;
	s7 =	spop (v2sf);
	s5 =	smul.u32 $0x68DB8BAD, s5  }
0x28: {  	s6 =	sshra.s32 s6, $0x1F;
	s15 =	smulhi.u32 $0x68DB8BAD, s7  }
0x29: {  	(v2sf) =	vpush v19, $0x9;
	s31 =	spop (v2sf);
	s18 =	smul.u32 $0x68DB8BAD, s6  }
0x2a: {  	(v2sf) =	vpush v19, $0x5;
	s11 =	sshra.s32 s31, $0x1F;
	s31 =	smulhi.u32 $0x68DB8BAD, s31  }
0x2b: {  	(v2sf) =	vpush v19, $0xB;
	s3 =	sadd.s32 s3, s8;
	s12 =	spop (v2sf);
	s14 =	smul.u32 $0x68DB8BAD, s11  }
0x2c: {  	s13 =	spop (v2sf);
	s23 =	sshra.s32 s12, $0x1F;
	s12 =	smulhi.u32 $0x68DB8BAD, s12  }
0x2d: {  	s17 =	sshra.s32 s7, $0x1F;
	s25 =	sshrl.u32 s3, $0x1F;
	s16 =	smulhi.u32 $0x68DB8BAD, s13  }
0x2e: {  	s11 =	sshra.s32 s19, $0x1F;
	[dreg:$0x5] =	wrdreg s25;
	s0 =	smul.u32 $0x68DB8BAD, s23  }
0x2f: {  	s13 =	sshra.s32 s13, $0x1F;
	s26 =	spop (v2sf);
	s25 =	smul.u32 $0x68DB8BAD, s11  }
0x30: {  	(v2sf) =	vpush v19, $0xA;
	s7 =	sadd.s32 s4, s2;
	s2 =	smul.u32 $0x68DB8BAD, s13;
	s24 =	spop (v2sf)  }
0x31: {  	s5 =	sadd.s32 s5, s9;
	s13 =	smulhi.u32 $0x68DB8BAD, s24  }
0x32: {  	s22 =	sshra.s32 s24, $0x1F;
	s0 =	sadd.s32 s0, s12;
	s24 =	smul.u32 $0x68DB8BAD, s17  }
0x33: {  	s17 =	sshra.s32 s3, $0x1F;
	s25 =	sadd.s32 s25, s21;
	s23 =	sshrl.u32 s0, $0x1F  }
0x34: {  	s2 =	sadd.s32 s2, s16;
	s28 =	sshra.s32 s0, $0xC;
	s0 =	simm.s32 $0x10  }
0x35: {  	s29 =	sshra.s32 s2, $0xC;
	s15 =	sadd.s32 s24, s15;
	s2 =	sshrl.u32 s2, $0x1F  }
0x36: {  	s24 =	sshra.s32 s3, $0xC;
	v22 =	vmov s28;
	s28 =	simm.s32 $0x80;
	s1 =	spop (v2sf)  }
0x37: {  	v21 =	vmov s23;
	s23 =	sshra.s32 s7, $0x1F;
	s6 =	sshra.s32 s1, $0x1F;
	s8 =	smulhi.u32 $0x68DB8BAD, s1  }
0x38: {  	v20 =	vld [tilespmem:s0+$0x0];
	v22 =	vsel vm0, s29, v22;
	s29 =	sshra.s32 s26, $0x1F;
	s19 =	spop (v2sf);
	s4 =	smul.u32 $0x68DB8BAD, s6  }
0x39: {  	s20 =	sshra.s32 s19, $0x1F;
	s9 =	smulhi.u32 $0x68DB8BAD, s19;
	s19 =	spop (v2sf)  }
0x3a: {  	s12 =	smul.u32 $0x68DB8BAD, s20;
	s1 =	sshra.s32 s19, $0x1F;
	s6 =	spop (v2sf)  }
0x3b: {  	s11 =	smulhi.u32 $0x68DB8BAD, s19;
	s19 =	sshra.s32 s5, $0xC;
	s20 =	sadd.s32 s4, s8  }
0x3c: {  	s21 =	smulhi.u32 $0x68DB8BAD, s6;
	s4 =	sshra.s32 s6, $0x1F;
	s8 =	sshrl.u32 s5, $0x1F  }
0x3d: {  	(v2sf) =	vpush v20, $0x0;
	s6 =	smul.u32 $0x68DB8BAD, s1;
	s16 =	sadd.s32 s12, s9;
	[dreg:$0x6] =	wrdreg s8  }
0x3e: {  	v23 =	vsel vm0, s2, v21;
	(v2sf) =	vpush v20, $0x7;
	s12 =	sshra.s32 s5, $0x1F;
	s9 =	sshrl.u32 s20, $0x1F;
	s1 =	sshra.s32 s20, $0xC  }
0x3f: {  	v24 =	vmov s23;
	(v2sf) =	vpush v20, $0x1;
	s5 =	smul.u32 $0x68DB8BAD, s22;
	s20 =	spop (v2sf);
	v21 =	vmov s9;
	s22 =	sshra.s32 s16, $0xC  }
.LBB2_2:
0x40: {  	s2 =	smulhi.u32 $0x68DB8BAD, s26;
	s3 =	sshra.s32 s25, $0xC  }
0x41: {  	s9 =	sshra.s32 s25, $0x1F;
	s8 =	smov.u32 s28;
	s23 =	smov.u32 s30  }
0x42: {  	s30 =	smov.u32 s0;
	s29 =	smul.u32 $0x68DB8BAD, s29;
	s10 =	sadd.s32 s18, s10  }
0x43: {  	(v2sf) =	vpush v20, $0x2;
	s18 =	sshrl.u32 s25, $0x1F;
	s25 =	sshra.s32 s15, $0x1F;
	s16 =	sshrl.u32 s16, $0x1F  }
0x44: {  	p0 =	sne.s32 s28, $0x7C0;
	[dreg:$0x7] =	wrdreg s8;
	s14 =	sadd.s32 s14, s31  }
0x45: {  	(v2sf) =	vpush v20, $0x6;
	s6 =	sadd.s32 s6, s11;
	s11 =	smulhi.u32 $0x68DB8BAD, s20;
	s20 =	sshra.s32 s20, $0x1F  }
0x46: {  	v24 =	vsel vm3, s3, v24;
	s3 =	sshrl.u32 s15, $0x1F;
	s5 =	sadd.s32 s5, s13;
	v21 =	vsel vm0, s16, v21;
	s16 =	rddreg [dreg:$0x5];
	(v2sf) =	vpush v20, $0x3  }
0x47: {  	s0 =	sshrl.u32 s14, $0x1F;
	s2 =	sadd.s32 s29, s2;
	s8 =	smul.u32 $0x68DB8BAD, s20  }
0x48: {  	v24 =	vsel vm9, s9, v24;
	s20 =	smul.u32 $0x68DB8BAD, s4;
	s4 =	sshrl.u32 s6, $0x1F;
	s26 =	sshra.s32 s5, $0xC;
	(v2sf) =	vpush v20, $0x4  }
0x49: {  	v25 =	vmov s1;
	v26 =	vmov s18;
	s18 =	sshra.s32 s14, $0xC;
	v24 =	vsel vm0, s24, v24;
	s9 =	sshrl.u32 s2, $0x1F;
	s2 =	sshra.s32 s2, $0xC  }
0x4a: {  	s5 =	sshrl.u32 s5, $0x1F;
	s24 =	sshra.s32 s15, $0xC;
	v24 =	vsel vm10, s17, v24;
	(v2sf) =	vpush v20, $0xC;
	s1 =	sadd.s32 s8, s11;
	v22 =	vsel vm1, s2, v22  }
0x4b: {  	s11 =	sshrl.u32 s10, $0x1F;
	v23 =	vsel vm1, s9, v23;
	s2 =	sadd.s32 s20, s21;
	s9 =	rddreg [dreg:$0x6];
	v24 =	vsel vm1, s19, v24;
	(v2sf) =	vpush v20, $0xD  }
0x4c: {  	v25 =	vsel vm0, s22, v25;
	s21 =	sshra.s32 s14, $0x1F;
	s22 =	sshra.s32 s1, $0xC;
	s19 =	sshra.s32 s6, $0xC;
	v24 =	vsel vm11, s12, v24  }
0x4d: {  	v26 =	vnsel vm3, $0x0, v26;
	s20 =	sshra.s32 s2, $0xC;
	s6 =	sshra.s32 s6, $0x1F;
	s1 =	sshrl.u32 s1, $0x1F;
	v24 =	vsel vm2, s24, v24  }
0x4e: {  	v22 =	vsel vm2, s26, v22;
	s2 =	sshrl.u32 s2, $0x1F;
	(v2sf) =	vpush v20, $0xE;
	s12 =	sshrl.u32 s7, $0x1F;
	v24 =	vsel vm12, s25, v24;
	s24 =	spop (v2sf)  }
0x4f: {  	v25 =	vsel vm1, s22, v25;
	s22 =	sshra.s32 s10, $0xC;
	(v2sf) =	vpush v20, $0xF;
	v24 =	vsel vm4, s18, v24;
	s25 =	smulhi.u32 $0x68DB8BAD, s24;
	s26 =	spop (v2sf)  }
0x50: {  	v26 =	vsel vm0, s16, v26;
	s10 =	sshra.s32 s10, $0x1F;
	(v2sf) =	vpush v20, $0x8;
	v24 =	vsel vm13, s21, v24;
	s14 =	sshra.s32 s26, $0x1F;
	s18 =	smulhi.u32 $0x68DB8BAD, s26  }
0x51: {  	v26 =	vsel vm1, s9, v26;
	v21 =	vsel vm1, s1, v21;
	s7 =	sshra.s32 s7, $0xC;
	v24 =	vsel vm5, s19, v24;
	s15 =	spop (v2sf);
	s21 =	smul.u32 $0x68DB8BAD, s14  }
0x52: {  	v23 =	vsel vm2, s5, v23;
	v21 =	vsel vm2, s2, v21;
	v24 =	vsel vm14, s6, v24;
	s1 =	sshra.s32 s24, $0x1F;
	s19 =	spop (v2sf);
	s24 =	smulhi.u32 $0x68DB8BAD, s15  }
0x53: {  	v21 =	vcombine.low v21, v23;
	v23 =	vsel vm6, s22, v24;
	v24 =	vsel vm2, s3, v26;
	s3 =	sadd.s32 $0x40, s28;
	s17 =	sshra.s32 s15, $0x1F;
	s9 =	smulhi.u32 $0x68DB8BAD, s19  }
0x54: {  	v25 =	vsel vm2, s20, v25;
	v23 =	vsel vm15, s10, v23;
	s20 =	sshra.s32 s19, $0x1F;
	s16 =	spop (v2sf);
	s8 =	smul.u32 $0x68DB8BAD, s17  }
0x55: {  	v23 =	vsel vm7, s7, v23;
	s10 =	smulhi.u32 $0x68DB8BAD, s16;
	s22 =	spop (v2sf);
	s7 =	sadd.s32 s21, s18  }
0x56: {  	(v2sf) =	vpush v20, $0x9;
	v24 =	vsel vm4, s0, v24;
	s13 =	smul.u32 $0x68DB8BAD, s20;
	s16 =	sshra.s32 s16, $0x1F;
	s15 =	sshra.s32 s22, $0x1F  }
0x57: {  	v24 =	vsel vm5, s4, v24;
	s5 =	spop (v2sf);
	s6 =	sshra.s32 s7, $0x1F;
	s4 =	smulhi.u32 $0x68DB8BAD, s22  }
0x58: {  	v22 =	vcombine.low v25, v22;
	s19 =	sadd.s32 s8, s24;
	s26 =	sshra.s32 s5, $0x1F;
	s15 =	smul.u32 $0x68DB8BAD, s15  }
0x59: {  	v24 =	vsel vm6, s11, v24;
	(v2sf) =	vpush v20, $0x5;
	s11 =	spop (v2sf);
	s18 =	sshrl.u32 s19, $0x1F;
	s14 =	smul.u32 $0x68DB8BAD, s26  }
0x5a: {  	v22 =	vperm.xlane v22, v0;
	v21 =	vperm.xlane v21, v0;
	v24 =	vsel vm7, s12, v24;
	s20 =	spop (v2sf);
	s21 =	sshra.s32 s11, $0x1F;
	s11 =	smulhi.u32 $0x68DB8BAD, s11  }
0x5b: {  	v23 =	vperm.xlane v23, v1;
	v24 =	vperm.xlane v24, v1;
	(v2sf) =	vpush v20, $0xB;
	s22 =	sadd.s32 s13, s9;
	[dreg:$0x5] =	wrdreg s18;
	s18 =	smul.u32 $0x68DB8BAD, s16  }
0x5c: {  	s12 =	sshra.s32 s22, $0x1F;
	s24 =	sshra.s32 s20, $0x1F;
	s2 =	smulhi.u32 $0x68DB8BAD, s20  }
0x5d: {  	v22 =	vsel vm8, v23, v22;
	v21 =	vsel vm8, v24, v21;
	s26 =	spop (v2sf);
	s20 =	smul.u32 $0x68DB8BAD, s21;
	s21 =	sshrl.u32 s22, $0x1F;
	(v2sf) =	vpush v20, $0xA  }
0x5e: {  	v21 =	vadd.s32 v21, v22;
	s15 =	sadd.s32 s15, s4;
	s0 =	smul.u32 $0x68DB8BAD, s24;
	s24 =	spop (v2sf)  }
0x5f: {  	[dreg:$0x6] =	wrdreg s21;
	v21 =	vmul.u32 $0x2710, v21;
	s29 =	sshra.s32 s26, $0x1F;
	s8 =	spop (v2sf)  }
0x60: {  	s13 =	smulhi.u32 $0x68DB8BAD, s24;
	s11 =	sadd.s32 s20, s11;
	s9 =	sshra.s32 s8, $0x1F  }
0x61: {  	v21 =	vsub.s32 v19, v21;
	s17 =	sshrl.u32 s11, $0x1F;
	s20 =	smulhi.u32 $0x68DB8BAD, s8;
	s2 =	sadd.s32 s0, s2  }
0x62: {  	[tilespmem:s23+$0x6400] =	vst v21;
	v21 =	vmov s17;
	s31 =	smul.u32 $0x68DB8BAD, s9;
	s9 =	sshra.s32 s2, $0xC;
	s2 =	sshrl.u32 s2, $0x1F  }
0x63: {  	s28 =	sshra.s32 s24, $0x1F;
	s8 =	rddreg [dreg:$0x7];
	v23 =	vsel vm0, s2, v21;
	s2 =	smul.u32 $0x68DB8BAD, s1  }
0x64: {  	s0 =	sshra.s32 s8, $0x2;
	s20 =	sadd.s32 s31, s20;
	s31 =	smulhi.u32 $0x68DB8BAD, s5  }
0x65: {  	v19 =	vmov v20;
	s11 =	sshra.s32 s11, $0xC;
	v20 =	vld [tilespmem:s0+$0x0];
	s5 =	smul.u32 $0x68DB8BAD, s28;
	s24 =	spop (v2sf)  }
0x66: {  	s17 =	sshra.s32 s19, $0x1F;
	s23 =	sshra.s32 s24, $0x1F;
	s16 =	smulhi.u32 $0x68DB8BAD, s24  }
0x67: {  	s28 =	smov.u32 s3;
	s1 =	sshra.s32 s20, $0xC;
	s23 =	smul.u32 $0x68DB8BAD, s23  }
.Ltmp0:
0x68: {  	s25 =	sadd.s32 s2, s25;
	s24 =	spop (v2sf);
	(pc) =	sbr.rel @p0 .LBB2_2-.Ltmp0, $4  }
0x69: {  	v22 =	vmov s11;
	s16 =	sadd.s32 s23, s16;
	s23 =	sshrl.u32 s20, $0x1F;
	s8 =	sshra.s32 s24, $0x1F  }
0x6a: {  	v22 =	vsel vm0, s9, v22;
	s9 =	spop (v2sf);
	s11 =	smulhi.u32 $0x68DB8BAD, s24;
	s24 =	sshra.s32 s19, $0xC;
	(v2sf) =	vpush v20, $0x0  }
0x6b: {  	s19 =	sshra.s32 s22, $0xC;
	s22 =	sshra.s32 s16, $0xC;
	s21 =	smulhi.u32 $0x68DB8BAD, s9;
	(v2sf) =	vpush v20, $0x7  }
0x6c: {  	v24 =	vmov s6;
	v21 =	vmov s23;
	s4 =	sshra.s32 s9, $0x1F;
	s6 =	smul.u32 $0x68DB8BAD, s8;
	(v2sf) =	vpush v20, $0x1;
	s20 =	spop (v2sf)  }
0x6d: {  	(v2sf) =	vpush v20, $0x2;
	_ =	sdelay $0x1  }
0x6e: {  	(v2sf) =	vpush v20, $0x6;
	_ =	sdelay $0x1  }
0x6f: {  	s2 =	smulhi.u32 $0x68DB8BAD, s26  }
0x70: {  	s28 =	smul.u32 $0x68DB8BAD, s29;
	(v2sf) =	vpush v20, $0x3  }
0x71: {  	s29 =	smulhi.u32 $0x68DB8BAD, s20;
	[dreg:$0x1e] =	wrdreg s2;
	(v2sf) =	vpush v20, $0x4  }
0x72: {  	s9 =	sshra.s32 s20, $0x1F;
	s8 =	smul.u32 $0x68DB8BAD, s4;
	[smem:$0x7F2] =	sst s28;
	(v2sf) =	vpush v20, $0xC  }
0x73: {  	s3 =	smul.u32 $0x68DB8BAD, s9;
	[dreg:$0x1c] =	wrdreg s29  }
0x74: {  	[dreg:$0x1b] =	wrdreg s8;
	(v2sf) =	vpush v20, $0xD  }
0x75: {  	[dreg:$0x1f] =	wrdreg s3  }
0x76: {  	s14 =	sadd.s32 s14, s31;
	s31 =	sld [smem:$0x7F2];
	(v2sf) =	vpush v20, $0xE  }
0x77: {  	s13 =	sadd.s32 s5, s13;
	s5 =	rddreg [dreg:$0x1b];
	(v2sf) =	vpush v20, $0xF;
	s20 =	spop (v2sf)  }
0x78: {  	s18 =	sadd.s32 s18, s10;
	s10 =	rddreg [dreg:$0x1f];
	(v2sf) =	vpush v20, $0x8;
	s23 =	spop (v2sf)  }
0x79: {  	s9 =	sshra.s32 s23, $0x1F;
	s29 =	smulhi.u32 $0x68DB8BAD, s23;
	s28 =	spop (v2sf)  }
0x7a: {  	s3 =	smul.u32 $0x68DB8BAD, s9;
	s4 =	spop (v2sf)  }
0x7b: {  	s23 =	smulhi.u32 $0x68DB8BAD, s28;
	[dreg:$0x1d] =	wrdreg s29  }
0x7c: {  	s9 =	spop (v2sf);
	[smem:$0x7F3] =	sst s3  }
0x7d: {  	s28 =	sshra.s32 s28, $0x1F;
	s26 =	smulhi.u32 $0x68DB8BAD, s4;
	[dreg:$0x19] =	wrdreg s9  }
0x7e: {  	s29 =	sshra.s32 s4, $0x1F;
	[smem:$0x7F4] =	sst s23;
	s3 =	smul.u32 $0x68DB8BAD, s28  }
0x7f: {  	s8 =	spop (v2sf);
	s4 =	smul.u32 $0x68DB8BAD, s29  }
0x80: {  	(v2sf) =	vpush v20, $0x9;
	[smem:$0x7F6] =	sst s26;
	s9 =	spop (v2sf)  }
0x81: {  	[smem:$0x7F5] =	sst s3;
	s23 =	sshra.s32 s9, $0x1F;
	s3 =	spop (v2sf)  }
0x82: {  	[smem:$0x7F7] =	sst s4;
	s26 =	smul.u32 $0x68DB8BAD, s23;
	s29 =	sshra.s32 s3, $0x1F  }
0x83: {  	s28 =	spop (v2sf);
	s4 =	smul.u32 $0x68DB8BAD, s29  }
0x84: {  	s2 =	sshra.s32 s28, $0x1F;
	[dreg:$0x1a] =	wrdreg s26;
	s26 =	smulhi.u32 $0x68DB8BAD, s28  }
0x85: {  	s23 =	spop (v2sf);
	s2 =	smul.u32 $0x68DB8BAD, s2  }
0x86: {  	s28 =	spop (v2sf);
	[smem:$0x7F8] =	sst s4  }
0x87: {  	[dreg:$0x15] =	wrdreg s28;
	s29 =	spop (v2sf)  }
0x88: {  	(v2sf) =	vpush v20, $0x5;
	s28 =	smulhi.u32 $0x68DB8BAD, s8;
	[smem:$0x7F9] =	sst s26  }
0x89: {  	[smem:$0x7FA] =	sst s2;
	s26 =	smulhi.u32 $0x68DB8BAD, s29;
	s2 =	sshra.s32 s29, $0x1F  }
0x8a: {  	s8 =	sshra.s32 s8, $0x1F;
	s29 =	rddreg [dreg:$0x1e];
	s2 =	smul.u32 $0x68DB8BAD, s2  }
0x8b: {  	s11 =	sadd.s32 s6, s11;
	[smem:$0x7FB] =	sst s28;
	s28 =	smul.u32 $0x68DB8BAD, s8  }
0x8c: {  	s4 =	rddreg [dreg:$0x1c];
	s6 =	sadd.s32 s31, s29;
	s29 =	smulhi.u32 $0x68DB8BAD, s20  }
0x8d: {  	s31 =	sadd.s32 s10, s4;
	s20 =	sshra.s32 s20, $0x1F;
	[smem:$0x7FC] =	sst s26  }
0x8e: {  	s10 =	smul.u32 $0x68DB8BAD, s20;
	s20 =	sadd.s32 s5, s21;
	s21 =	sld [smem:$0x7F3]  }
0x8f: {  	s5 =	sld [smem:$0x7F4];
	s8 =	spop (v2sf)  }
0x90: {  	[smem:$0x7FD] =	sst s2;
	s26 =	smulhi.u32 $0x68DB8BAD, s8;
	s8 =	sshra.s32 s8, $0x1F  }
0x91: {  	s2 =	smul.u32 $0x68DB8BAD, s8;
	s8 =	rddreg [dreg:$0x1d]  }
0x92: {  	s4 =	sadd.s32 s21, s8;
	s21 =	sld [smem:$0x7F5];
	_ =	sdelay $0x1  }
0x93: {  	[dreg:$0x17] =	wrdreg s4  }
0x94: {  	s4 =	sadd.s32 s21, s5;
	s5 =	sld [smem:$0x7F6]  }
0x95: {  	s21 =	sld [smem:$0x7F7]  }
0x96: {  	[dreg:$0x18] =	wrdreg s13;
	s13 =	spop (v2sf)  }
0x97: {  	s8 =	smulhi.u32 $0x68DB8BAD, s13;
	s13 =	sshra.s32 s13, $0x1F;
	[dreg:$0x14] =	wrdreg s4  }
0x98: {  	s4 =	sadd.s32 s21, s5;
	s5 =	smul.u32 $0x68DB8BAD, s13;
	s13 =	sld [smem:$0x7FA]  }
0x99: {  	[dreg:$0x16] =	wrdreg s4  }
0x9a: {  	s2 =	sadd.s32 s2, s26;
	s4 =	sld [smem:$0x7F9]  }
0x9b: {  	[dreg:$0x12] =	wrdreg s2  }
0x9c: {  	s21 =	sld [smem:$0x7F8]  }
0x9d: {  	s13 =	sadd.s32 s13, s4;
	s4 =	sld [smem:$0x7FB]  }
0x9e: {  	s3 =	smulhi.u32 $0x68DB8BAD, s3;
	s2 =	rddreg [dreg:$0x19]  }
0x9f: {  	(v2sf) =	vpush v20, $0xB;
	s26 =	smulhi.u32 $0x68DB8BAD, s2;
	s2 =	sshra.s32 s2, $0x1F  }
0xa0: {  	s21 =	sadd.s32 s21, s3;
	s3 =	sadd.s32 s28, s4;
	s28 =	sld [smem:$0x7FD]  }
0xa1: {  	s2 =	smul.u32 $0x68DB8BAD, s2;
	[dreg:$0x13] =	wrdreg s3  }
0xa2: {  	s16 =	sshrl.u32 s16, $0x1F;
	v25 =	vmov s1;
	s1 =	sshrl.u32 s14, $0x1F;
	(v2sf) =	vpush v20, $0xA;
	s3 =	sld [smem:$0x7FC]  }
0xa3: {  	v21 =	vsel vm0, s16, v21;
	s16 =	sshra.s32 s18, $0xC;
	s2 =	sadd.s32 s2, s26;
	s26 =	sshrl.u32 s25, $0x1F  }
0xa4: {  	s9 =	smulhi.u32 $0x68DB8BAD, s9;
	v26 =	vmov s26;
	s26 =	sshra.s32 s31, $0xC;
	s8 =	sadd.s32 s5, s8  }
0xa5: {  	s4 =	smulhi.u32 $0x68DB8BAD, s23;
	s23 =	sshra.s32 s23, $0x1F;
	s28 =	sadd.s32 s28, s3  }
0xa6: {  	v25 =	vsel vm0, s22, v25;
	s3 =	smul.u32 $0x68DB8BAD, s23;
	s23 =	sadd.s32 s10, s29;
	s29 =	rddreg [dreg:$0x1a]  }
0xa7: {  	v25 =	vsel vm1, s26, v25;
	s26 =	rddreg [dreg:$0x15];
	s10 =	sshra.s32 s25, $0xC;
	s9 =	sadd.s32 s29, s9  }
0xa8: {  	v24 =	vsel vm3, s10, v24;
	s29 =	sshra.s32 s25, $0x1F;
	s10 =	sshrl.u32 s15, $0x1F;
	s25 =	sshra.s32 s15, $0x1F  }
0xa9: {  	s5 =	sadd.s32 s3, s4;
	s4 =	sshrl.u32 s6, $0x1F;
	v24 =	vsel vm9, s29, v24;
	s6 =	sshra.s32 s6, $0xC  }
0xaa: {  	s29 =	sshra.s32 s15, $0xC;
	s3 =	sshrl.u32 s11, $0x1F;
	s15 =	sshrl.u32 s18, $0x1F;
	v24 =	vsel vm0, s24, v24  }
0xab: {  	s18 =	sshra.s32 s18, $0x1F;
	v23 =	vsel vm1, s4, v23;
	s4 =	sshra.s32 s11, $0xC;
	s11 =	sshra.s32 s11, $0x1F;
	v24 =	vsel vm10, s17, v24  }
0xac: {  	v22 =	vsel vm1, s6, v22;
	s6 =	sshrl.u32 s20, $0x1F;
	s24 =	rddreg [dreg:$0x5];
	s17 =	sshra.s32 s14, $0xC;
	v24 =	vsel vm1, s19, v24  }
0xad: {  	v26 =	vnsel vm3, $0x0, v26;
	s14 =	sshra.s32 s14, $0x1F;
	s19 =	sshra.s32 s20, $0xC;
	v24 =	vsel vm11, s12, v24;
	s12 =	sshrl.u32 s31, $0x1F  }
0xae: {  	s20 =	sshra.s32 s26, $0x1F;
	v25 =	vsel vm2, s19, v25;
	s19 =	spop (v2sf);
	v24 =	vsel vm2, s29, v24;
	s29 =	rddreg [dreg:$0x18];
	v21 =	vsel vm1, s12, v21  }
0xaf: {  	v26 =	vsel vm0, s24, v26;
	s12 =	smulhi.u32 $0x68DB8BAD, s26;
	s31 =	sshra.s32 s29, $0xC;
	v24 =	vsel vm12, s25, v24;
	s25 =	rddreg [dreg:$0x6];
	v21 =	vsel vm2, s6, v21  }
0xb0: {  	s26 =	sshra.s32 s23, $0x1F;
	s22 =	sshrl.u32 s29, $0x1F;
	v26 =	vsel vm1, s25, v26;
	v22 =	vsel vm2, s31, v22;
	v24 =	vsel vm4, s17, v24;
	s17 =	sshrl.u32 s7, $0x1F  }
0xb1: {  	s7 =	sshra.s32 s7, $0xC;
	v23 =	vsel vm2, s22, v23;
	s22 =	rddreg [dreg:$0x17];
	s31 =	spop (v2sf);
	v24 =	vsel vm13, s14, v24;
	v26 =	vsel vm2, s10, v26  }
0xb2: {  	s14 =	sshrl.u32 s21, $0x1F;
	s29 =	sshra.s32 s22, $0x1F;
	s24 =	sshra.s32 s31, $0x1F;
	v21 =	vcombine.low v21, v23;
	v22 =	vcombine.low v25, v22;
	v24 =	vsel vm5, s4, v24  }
0xb3: {  	s25 =	sshra.s32 s23, $0xC;
	s4 =	sshra.s32 s21, $0xC;
	v27 =	vmov s29;
	v26 =	vsel vm4, s1, v26;
	s1 =	smul.u32 $0x68DB8BAD, s24;
	v29 =	vmov s14  }
0xb4: {  	s29 =	sshra.s32 s13, $0xC;
	s13 =	sshrl.u32 s13, $0x1F;
	s24 =	smul.u32 $0x68DB8BAD, s20;
	v24 =	vsel vm14, s11, v24;
	v27 =	vsel vm3, s25, v27;
	v26 =	vsel vm5, s3, v26  }
0xb5: {  	s6 =	smulhi.u32 $0x68DB8BAD, s31;
	s21 =	rddreg [dreg:$0x16];
	s20 =	sshra.s32 s9, $0xC;
	v28 =	vmov s4;
	v29 =	vsel vm0, s13, v29;
	v22 =	vperm.xlane v22, v0  }
0xb6: {  	s10 =	sshra.s32 s21, $0x1F;
	v21 =	vperm.xlane v21, v0;
	v24 =	vsel vm6, s16, v24;
	v28 =	vsel vm0, s29, v28;
	s3 =	sadd.s32 s24, s12;
	s29 =	sshrl.u32 s28, $0x1F  }
0xb7: {  	v27 =	vsel vm9, s26, v27;
	v26 =	vsel vm6, s15, v26;
	s12 =	sshrl.u32 s5, $0x1F;
	s5 =	sshra.s32 s5, $0xC;
	v24 =	vsel vm15, s18, v24;
	s18 =	rddreg [dreg:$0x14]  }
0xb8: {  	s11 =	smulhi.u32 $0x68DB8BAD, s19;
	s15 =	sshrl.u32 s23, $0x1F;
	v26 =	vsel vm7, s17, v26;
	v30 =	vmov s29;
	v28 =	vsel vm1, s5, v28;
	s31 =	sshra.s32 s18, $0xC  }
0xb9: {  	s25 =	sshra.s32 s19, $0x1F;
	s13 =	rddreg [dreg:$0x13];
	v29 =	vsel vm1, s12, v29;
	v32 =	vmov s15;
	s16 =	sshra.s32 s18, $0x1F;
	v27 =	vsel vm0, s31, v27  }
0xba: {  	s26 =	sshra.s32 s21, $0xC;
	s29 =	sshra.s32 s3, $0xC;
	s3 =	sshrl.u32 s3, $0x1F;
	v24 =	vsel vm7, s7, v24;
	v32 =	vnsel vm3, $0x0, v32;
	v27 =	vsel vm10, s16, v27  }
0xbb: {  	s1 =	sadd.s32 s1, s6;
	s14 =	sshra.s32 s13, $0xC;
	s17 =	sshrl.u32 s18, $0x1F;
	v28 =	vsel vm2, s29, v28;
	v29 =	vsel vm2, s3, v29;
	v27 =	vsel vm1, s26, v27  }
0xbc: {  	s4 =	smul.u32 $0x68DB8BAD, s25;
	s18 =	rddreg [dreg:$0x12];
	v26 =	vperm.xlane v26, v1;
	s31 =	sshra.s32 s28, $0xC;
	v32 =	vsel vm0, s17, v32;
	v27 =	vsel vm11, s10, v27  }
0xbd: {  	s25 =	sshrl.u32 s21, $0x1F;
	s19 =	sshra.s32 s18, $0xC;
	v24 =	vperm.xlane v24, v1;
	v31 =	vmov s31;
	s16 =	sshra.s32 s13, $0x1F;
	v27 =	vsel vm2, s14, v27  }
0xbe: {  	s24 =	sshra.s32 s9, $0x1F;
	s12 =	sshrl.u32 s13, $0x1F;
	v32 =	vsel vm1, s25, v32;
	v31 =	vsel vm0, s19, v31;
	s26 =	sshrl.u32 s18, $0x1F;
	v27 =	vsel vm12, s16, v27  }
0xbf: {  	s23 =	sshra.s32 s1, $0xC;
	s1 =	sshrl.u32 s1, $0x1F;
	s4 =	sadd.s32 s4, s11;
	v32 =	vsel vm2, s12, v32;
	v30 =	vsel vm0, s26, v30;
	v27 =	vsel vm4, s20, v27  }
0xc0: {  	s28 =	sshra.s32 s8, $0xC;
	s31 =	sshra.s32 s4, $0xC;
	s13 =	sshrl.u32 s4, $0x1F;
	v31 =	vsel vm1, s23, v31;
	v30 =	vsel vm1, s1, v30;
	v27 =	vsel vm13, s24, v27  }
0xc1: {  	s10 =	sshra.s32 s8, $0x1F;
	v31 =	vsel vm2, s31, v31;
	v30 =	vsel vm2, s13, v30;
	s16 =	sshrl.u32 s9, $0x1F;
	v27 =	vsel vm5, s28, v27  }
0xc2: {  	s11 =	sshra.s32 s2, $0xC;
	s17 =	sshrl.u32 s8, $0x1F;
	v28 =	vcombine.low v31, v28;
	v61 =	vsel vm4, s16, v32;
	v27 =	vsel vm14, s10, v27  }
0xc3: {  	s18 =	sshrl.u32 s2, $0x1F;
	s14 =	sshra.s32 s2, $0x1F;
	v62 =	vcombine.low v30, v29;
	v23 =	vsel vm5, s17, v61;
	v27 =	vsel vm6, s11, v27  }
0xc4: {  	s15 =	sshra.s32 s22, $0xC;
	s19 =	sshrl.u32 s22, $0x1F;
	v28 =	vperm.xlane v28, v0;
	v23 =	vsel vm6, s18, v23;
	v27 =	vsel vm15, s14, v27  }
0xc5: {  	v25 =	vperm.xlane v62, v0;
	v23 =	vsel vm7, s19, v23;
	v27 =	vsel vm7, s15, v27  }
0xc6: {  	v23 =	vperm.xlane v23, v1;
	v27 =	vperm.xlane v27, v1  }
0xc7: {  	v21 =	vsel vm8, v26, v21;
	v22 =	vsel vm8, v24, v22  }
0xc8: {  	v21 =	vadd.s32 v21, v22;
	v23 =	vsel vm8, v23, v25;
	v63 =	vsel vm8, v27, v28  }
0xc9: {  	v21 =	vmul.u32 $0x2710, v21;
	v22 =	vadd.s32 v23, v63  }
0xca: {  	v22 =	vmul.u32 $0x2710, v22  }
0xcb: {  	v19 =	vsub.s32 v19, v21  }
0xcc: {  	s21 =	simm.s32 $0x80;
	[tilespmem:s30+$0x6400] =	vst v19;
	v19 =	vsub.s32 v20, v22  }
0xcd: {  	s22 =	simm.s32 $0x6400;
	s23 =	simm.s32 $0x6800;
	s20 =	rddreg [dreg:$0xa];
	[tilespmem:s0+$0x6400] =	vst v19  }
0xce: {  	[tilespmem:s23], [sflag:$0x1] =	stream.indirect.gather [hbm4b:s20+s21], $0x20, s22, s21, $0xb8;
	[tilespmem:$0x12900] =	vst v63  }
0xcf: {  	s29 =	simm.s32 $0x6580;
	s25 =	simm.s32 $0x7800;
	s24 =	simm.s32 $0x6480  }
0xd0: {  	[tilespmem:s25], [sflag:$0x1] =	stream.indirect.gather [hbm4b:s20+s21], $0x20, s24, s21, $0xb8;
	[tilespmem:$0x12900] =	vst v63  }
0xd1: {  	s26 =	simm.s32 $0x6500;
	s31 =	simm.s32 $0x9800;
	s28 =	simm.s32 $0x8800  }
0xd2: {  	[tilespmem:s28], [sflag:$0x1] =	stream.indirect.gather [hbm4b:s20+s21], $0x20, s26, s21, $0xb8;
	[tilespmem:$0x12900] =	vst v63  }
0xd3: {  	s1 =	simm.s32 $0x400;
	s30 =	simm.s32 $0x0;
	s0 =	simm.s32 $0x200  }
0xd4: {  	[tilespmem:s31], [sflag:$0x1] =	stream.indirect.gather [hbm4b:s20+s21], $0x20, s29, s21, $0xb8;
	[tilespmem:$0x12900] =	vst v63  }
.LBB2_4:
0xd5: {  	v20 =	vmov s0;
	_ =	sdelay $0x3  }
0xd6: {  	s8 =	simm.s32 $0x0  }
0xd7: {  	v19 =	vld.idx.msk [tilespmem:v20+s8+$0x0 ss:$0x1], $0xffff;
	_ =	sdelay $0x4  }
0xd8: {  	(v2sf) =	vpush v19, $0x0  }
0xd9: {  	(v2sf) =	vpush v19, $0x1  }
0xda: {  	(v2sf) =	vpush v19, $0x2;
	_ =	sdelay $0x1  }
0xdb: {  	(v2sf) =	vpush v19, $0x7;
	_ =	sdelay $0x2  }
0xdc: {  	(v2sf) =	vpush v19, $0x3  }
0xdd: {  	(v2sf) =	vpush v19, $0x4;
	_ =	sdelay $0x1  }
0xde: {  	(v2sf) =	vpush v19, $0xC  }
0xdf: {  	(v2sf) =	vpush v19, $0xD;
	_ =	sdelay $0x1  }
0xe0: {  	[dreg:$0x2] =	wrdreg s1;
	(v2sf) =	vpush v19, $0xE  }
0xe1: {  	[dreg:$0x10] =	wrdreg s0  }
0xe2: {  	[dreg:$0xf] =	wrdreg s30;
	(v2sf) =	vpush v19, $0x8;
	s10 =	spop (v2sf)  }
0xe3: {  	s25 =	smulhi.u32 $0x68DB8BAD, s10;
	s2 =	spop (v2sf)  }
0xe4: {  	(v2sf) =	vpush v19, $0xF;
	s3 =	smulhi.u32 $0x68DB8BAD, s2;
	s4 =	spop (v2sf)  }
0xe5: {  	s30 =	sshllo.u32 s30, $0x1;
	s2 =	sshra.s32 s2, $0x1F;
	s5 =	smulhi.u32 $0x68DB8BAD, s4  }
0xe6: {  	s9 =	simm.s32 $0x0;
	(v2sf) =	vpush v19, $0x9;
	s6 =	spop (v2sf);
	s2 =	smul.u32 $0x68DB8BAD, s2  }
0xe7: {  	[dreg:$0x3] =	wrdreg s9;
	s4 =	sshra.s32 s4, $0x1F;
	s7 =	smulhi.u32 $0x68DB8BAD, s6  }
0xe8: {  	[dreg:$0x11] =	wrdreg s30;
	(v2sf) =	vpush v19, $0xA;
	s6 =	sshra.s32 s6, $0x1F;
	s4 =	smul.u32 $0x68DB8BAD, s4  }
0xe9: {  	s8 =	spop (v2sf);
	s29 =	smul.u32 $0x68DB8BAD, s6  }
0xea: {  	(v2sf) =	vpush v19, $0x5;
	s9 =	spop (v2sf);
	s18 =	smulhi.u32 $0x68DB8BAD, s8;
	s8 =	sshra.s32 s8, $0x1F  }
0xeb: {  	s1 =	sshra.s32 s10, $0x1F;
	s11 =	sshra.s32 s9, $0x1F;
	s8 =	smul.u32 $0x68DB8BAD, s8  }
0xec: {  	s2 =	sadd.s32 s2, s3;
	s12 =	spop (v2sf);
	s13 =	smul.u32 $0x68DB8BAD, s11  }
0xed: {  	s16 =	sadd.s32 s4, s5;
	s15 =	spop (v2sf);
	s24 =	smulhi.u32 $0x68DB8BAD, s12  }
0xee: {  	s31 =	sshra.s32 s2, $0x1F;
	s14 =	sshra.s32 s12, $0x1F;
	s19 =	smulhi.u32 $0x68DB8BAD, s15  }
0xef: {  	s12 =	sadd.s32 s29, s7;
	s20 =	spop (v2sf);
	s21 =	smul.u32 $0x68DB8BAD, s14  }
0xf0: {  	(v2sf) =	vpush v19, $0xB;
	s22 =	sshra.s32 s15, $0x1F;
	s15 =	sshra.s32 s16, $0xC;
	s17 =	smulhi.u32 $0x68DB8BAD, s20  }
0xf1: {  	(v2sf) =	vpush v19, $0x6;
	s14 =	sshrl.u32 s16, $0x1F;
	s23 =	spop (v2sf);
	s0 =	smul.u32 $0x68DB8BAD, s22  }
0xf2: {  	s6 =	sshra.s32 s20, $0x1F;
	s5 =	sadd.s32 s21, s24;
	s21 =	smul.u32 $0x68DB8BAD, s1  }
0xf3: {  	s16 =	sshra.s32 s16, $0x1F;
	s26 =	spop (v2sf);
	s6 =	smul.u32 $0x68DB8BAD, s6  }
0xf4: {  	s8 =	sadd.s32 s8, s18;
	s22 =	smulhi.u32 $0x68DB8BAD, s26;
	s11 =	sshra.s32 s26, $0x1F  }
0xf5: {  	s26 =	smul.u32 $0x68DB8BAD, s11;
	s7 =	sadd.s32 s21, s25;
	s4 =	spop (v2sf)  }
0xf6: {  	s21 =	sshra.s32 s8, $0xC;
	s25 =	sshra.s32 s23, $0x1F;
	s3 =	smulhi.u32 $0x68DB8BAD, s4  }
0xf7: {  	s10 =	sshra.s32 s4, $0x1F;
	s20 =	spop (v2sf);
	s4 =	smulhi.u32 $0x68DB8BAD, s9  }
0xf8: {  	s9 =	sadd.s32 s0, s19;
	s0 =	sshra.s32 s5, $0xC;
	s24 =	smul.u32 $0x68DB8BAD, s10  }
0xf9: {  	s10 =	sshrl.u32 s5, $0x1F;
	s19 =	sshra.s32 s9, $0xC;
	s5 =	spop (v2sf)  }
0xfa: {  	s18 =	sshra.s32 s20, $0x1F;
	s1 =	smulhi.u32 $0x68DB8BAD, s20;
	s20 =	sshrl.u32 s8, $0x1F  }
0xfb: {  	s28 =	sshrl.u32 s9, $0x1F;
	s9 =	smulhi.u32 $0x68DB8BAD, s23;
	v21 =	vmov s0;
	s0 =	simm.s32 $0x40  }
0xfc: {  	s23 =	sshra.s32 s7, $0xC;
	[smem:$0x7F1] =	sst s19;
	s11 =	smul.u32 $0x68DB8BAD, s18  }
0xfd: {  	s29 =	sshra.s32 s5, $0x1F;
	s18 =	sshrl.u32 s2, $0x1F;
	s30 =	sld [smem:$0x7F1]  }
0xfe: {  	s19 =	sadd.s32 s24, s3;
	s3 =	sshra.s32 s8, $0x1F;
	s8 =	sshra.s32 s12, $0x1F  }
0xff: {  	v22 =	vmov s10;
	s24 =	smulhi.u32 $0x68DB8BAD, s5;
	s5 =	sshra.s32 s2, $0xC;
	v23 =	vmov s8;
	s8 =	spop (v2sf)  }
0x100: {  	v22 =	vsel vm0, s28, v22;
	s2 =	sshra.s32 s7, $0x1F;
	v23 =	vsel vm3, s23, v23;
	s23 =	smulhi.u32 $0x68DB8BAD, s8;
	s28 =	spop (v2sf);
	v21 =	vsel vm0, s30, v21  }
.LBB2_5:
0x101: {  	s30 =	sshrl.u32 s19, $0x1F;
	s25 =	smul.u32 $0x68DB8BAD, s25  }
0x102: {  	s8 =	sshra.s32 s8, $0x1F;
	v23 =	vsel vm9, s2, v23;
	s7 =	sshrl.u32 s7, $0x1F;
	s10 =	smul.u32 $0x68DB8BAD, s29  }
0x103: {  	s4 =	sadd.s32 s13, s4;
	s1 =	sadd.s32 s11, s1;
	s2 =	sadd.s32 s26, s22;
	v23 =	vsel vm0, s5, v23;
	v24 =	vmov s7  }
0x104: {  	s5 =	sadd.s32 s6, s17;
	s11 =	sshrl.u32 s1, $0x1F;
	s1 =	sshra.s32 s1, $0xC;
	v23 =	vsel vm10, s31, v23;
	v24 =	vnsel vm3, $0x0, v24  }
0x105: {  	s6 =	sadd.s32 s25, s9;
	s26 =	sshrl.u32 s5, $0x1F;
	s5 =	sshra.s32 s5, $0xC;
	v23 =	vsel vm1, s15, v23;
	v24 =	vsel vm0, s18, v24  }
0x106: {  	s7 =	sshrl.u32 s2, $0x1F;
	s17 =	sadd.s32 s10, s24;
	v22 =	vsel vm1, s26, v22;
	s22 =	sshrl.u32 s6, $0x1F;
	v21 =	vsel vm1, s5, v21;
	v23 =	vsel vm11, s16, v23  }
0x107: {  	s10 =	smulhi.u32 $0x68DB8BAD, s28;
	s2 =	sshra.s32 s2, $0xC;
	s26 =	sshra.s32 s6, $0xC;
	v24 =	vsel vm1, s14, v24;
	v22 =	vsel vm2, s7, v22;
	v25 =	vmov s22  }
0x108: {  	s9 =	sshrl.u32 s4, $0x1F;
	s25 =	sshra.s32 s28, $0x1F;
	s18 =	smul.u32 $0x68DB8BAD, s8;
	v26 =	vmov s26;
	v21 =	vsel vm2, s2, v21;
	v23 =	vsel vm2, s21, v23  }
0x109: {  	s24 =	sshra.s32 s19, $0xC;
	s13 =	smul.u32 $0x68DB8BAD, s25;
	s16 =	sshra.s32 s4, $0xC;
	v24 =	vsel vm2, s20, v24;
	v25 =	vsel vm0, s30, v25;
	v23 =	vsel vm12, s3, v23  }
0x10a: {  	s25 =	sshra.s32 s17, $0xC;
	s21 =	sshra.s32 s4, $0x1F;
	s6 =	sadd.s32 s18, s23;
	v26 =	vsel vm0, s24, v26;
	v24 =	vsel vm4, s9, v24;
	v23 =	vsel vm4, s16, v23  }
0x10b: {  	s20 =	sshrl.u32 s17, $0x1F;
	s10 =	sadd.s32 s13, s10;
	v25 =	vsel vm1, s11, v25;
	s3 =	sshrl.u32 s6, $0x1F;
	v26 =	vsel vm1, s1, v26;
	v23 =	vsel vm13, s21, v23  }
0x10c: {  	s14 =	sshra.s32 s17, $0x1F;
	s13 =	sshra.s32 s6, $0xC;
	s15 =	sshrl.u32 s10, $0x1F;
	v24 =	vsel vm5, s20, v24;
	v25 =	vsel vm2, s3, v25;
	v23 =	vsel vm5, s25, v23  }
0x10d: {  	s16 =	sshra.s32 s10, $0xC;
	v26 =	vsel vm2, s13, v26;
	v24 =	vsel vm6, s15, v24;
	v23 =	vsel vm14, s14, v23  }
0x10e: {  	s17 =	sshrl.u32 s12, $0x1F;
	s18 =	sshra.s32 s10, $0x1F;
	v22 =	vcombine.low v25, v22;
	v21 =	vcombine.low v26, v21;
	v23 =	vsel vm6, s16, v23  }
0x10f: {  	s19 =	sshra.s32 s12, $0xC;
	v24 =	vsel vm7, s17, v24;
	v23 =	vsel vm15, s18, v23  }
0x110: {  	v22 =	vperm.xlane v22, v0;
	v21 =	vperm.xlane v21, v0;
	v23 =	vsel vm7, s19, v23  }
0x111: {  	v24 =	vperm.xlane v24, v1;
	v23 =	vperm.xlane v23, v1;
	_ =	sdelay $0x1  }
0x112: {  	v22 =	vsel vm8, v24, v22;
	v21 =	vsel vm8, v23, v21  }
0x113: {  	v21 =	vadd.s32 v22, v21  }
0x114: {  	v21 =	vmul.u32 $0x2710, v21;
	_ =	sdelay $0x1  }
0x115: {  	s20 =	smov.u32 s0;
	s21 =	rddreg [dreg:$0x3];
	v19 =	vsub.s32 v19, v21  }
0x116: {  	s22 =	sshra.s32 s20, $0x2;
	[tilespmem:s21+$0x6600] =	vst v19  }
0x117: {  	v19 =	vld.idx.msk [tilespmem:v20+s22+$0x0 ss:$0x1], $0xffff;
	_ =	sdelay $0x4  }
0x118: {  	(v2sf) =	vpush v19, $0x0  }
0x119: {  	(v2sf) =	vpush v19, $0x1  }
0x11a: {  	(v2sf) =	vpush v19, $0x2;
	_ =	sdelay $0x1  }
0x11b: {  	(v2sf) =	vpush v19, $0x7  }
0x11c: {  	(v2sf) =	vpush v19, $0x3;
	_ =	sdelay $0x1  }
0x11d: {  	(v2sf) =	vpush v19, $0x4  }
0x11e: {  	(v2sf) =	vpush v19, $0xC;
	_ =	sdelay $0x1  }
0x11f: {  	(v2sf) =	vpush v19, $0xD;
	_ =	sdelay $0x2  }
0x120: {  	(v2sf) =	vpush v19, $0xE;
	_ =	sdelay $0x1  }
0x121: {  	(v2sf) =	vpush v19, $0x8;
	s23 =	spop (v2sf)  }
0x122: {  	p0 =	sne.s32 s0, $0x7C0;
	(v2sf) =	vpush v19, $0xF;
	s31 =	smulhi.u32 $0x68DB8BAD, s23;
	s24 =	spop (v2sf)  }
0x123: {  	s0 =	sadd.s32 $0x40, s0;
	(v2sf) =	vpush v19, $0x9;
	s25 =	smulhi.u32 $0x68DB8BAD, s24;
	s26 =	spop (v2sf)  }
0x124: {  	[dreg:$0x3] =	wrdreg s22;
	s1 =	sshra.s32 s24, $0x1F;
	s30 =	smulhi.u32 $0x68DB8BAD, s26  }
0x125: {  	s11 =	sshra.s32 s23, $0x1F;
	s6 =	spop (v2sf);
	s1 =	smul.u32 $0x68DB8BAD, s1  }
0x126: {  	s3 =	sshra.s32 s26, $0x1F;
	s12 =	smulhi.u32 $0x68DB8BAD, s6;
	s7 =	spop (v2sf)  }
0x127: {  	s5 =	sshra.s32 s6, $0x1F;
	s18 =	smul.u32 $0x68DB8BAD, s3;
	s10 =	sshra.s32 s7, $0x1F  }
0x128: {  	(v2sf) =	vpush v19, $0xA;
	s8 =	spop (v2sf);
	s28 =	smul.u32 $0x68DB8BAD, s5;
	s23 =	sadd.s32 s1, s25  }
0x129: {  	s6 =	smulhi.u32 $0x68DB8BAD, s7;
	s17 =	sshra.s32 s8, $0x1F;
	s19 =	spop (v2sf)  }
0x12a: {  	s5 =	sshra.s32 s23, $0xC;
	s1 =	sadd.s32 s18, s30;
	s7 =	smul.u32 $0x68DB8BAD, s10  }
0x12b: {  	(v2sf) =	vpush v19, $0x5;
	s18 =	sshrl.u32 s23, $0x1F;
	s13 =	smul.u32 $0x68DB8BAD, s17;
	s20 =	spop (v2sf)  }
0x12c: {  	s21 =	sshra.s32 s19, $0x1F;
	s15 =	sshra.s32 s1, $0xC;
	s24 =	smulhi.u32 $0x68DB8BAD, s19  }
0x12d: {  	(v2sf) =	vpush v19, $0xB;
	s14 =	sshrl.u32 s1, $0x1F;
	s16 =	sshra.s32 s1, $0x1F;
	s4 =	smulhi.u32 $0x68DB8BAD, s20  }
0x12e: {  	s12 =	sadd.s32 s28, s12;
	s22 =	spop (v2sf);
	s9 =	smul.u32 $0x68DB8BAD, s21;
	(v2sf) =	vpush v19, $0x6  }
0x12f: {  	s3 =	sshra.s32 s20, $0x1F;
	s6 =	sadd.s32 s7, s6;
	s7 =	smul.u32 $0x68DB8BAD, s11  }
0x130: {  	s17 =	smulhi.u32 $0x68DB8BAD, s22;
	s2 =	sshra.s32 s22, $0x1F;
	s30 =	spop (v2sf)  }
0x131: {  	s3 =	smul.u32 $0x68DB8BAD, s3;
	s26 =	spop (v2sf);
	s1 =	sadd.s32 s9, s24  }
0x132: {  	s21 =	sshra.s32 s26, $0x1F;
	s10 =	spop (v2sf);
	s22 =	smulhi.u32 $0x68DB8BAD, s26  }
0x133: {  	s19 =	sshrl.u32 s1, $0x1F;
	s3 =	sadd.s32 s3, s4;
	s4 =	smulhi.u32 $0x68DB8BAD, s8  }
0x134: {  	s1 =	sshra.s32 s1, $0xC;
	s26 =	sshra.s32 s10, $0x1F;
	s10 =	smulhi.u32 $0x68DB8BAD, s10  }
0x135: {  	v22 =	vmov s19;
	s20 =	sshra.s32 s3, $0xC;
	v21 =	vmov s1;
	s8 =	sshrl.u32 s3, $0x1F;
	s19 =	smul.u32 $0x68DB8BAD, s26  }
0x136: {  	s3 =	sshra.s32 s6, $0x1F;
	s26 =	smul.u32 $0x68DB8BAD, s21;
	v21 =	vsel vm0, s20, v21;
	s20 =	sshrl.u32 s6, $0x1F  }
0x137: {  	s21 =	sshra.s32 s6, $0xC;
	s6 =	smul.u32 $0x68DB8BAD, s2;
	s24 =	spop (v2sf)  }
0x138: {  	s28 =	sshra.s32 s12, $0x1F;
	s25 =	sshra.s32 s30, $0x1F;
	s1 =	smulhi.u32 $0x68DB8BAD, s24  }
.Ltmp1:
0x139: {  	s7 =	sadd.s32 s7, s31;
	s29 =	sshra.s32 s24, $0x1F;
	(pc) =	sbr.rel @p0 .LBB2_5-.Ltmp1, $4  }
0x13a: {  	s31 =	sshra.s32 s23, $0x1F;
	s11 =	smul.u32 $0x68DB8BAD, s29;
	s9 =	spop (v2sf)  }
0x13b: {  	s2 =	sshra.s32 s7, $0x1F;
	s24 =	smulhi.u32 $0x68DB8BAD, s9;
	s29 =	sshra.s32 s9, $0x1F  }
0x13c: {  	v23 =	vmov s28;
	v22 =	vsel vm0, s8, v22;
	s9 =	smulhi.u32 $0x68DB8BAD, s30;
	s30 =	sshra.s32 s7, $0xC;
	s8 =	spop (v2sf)  }
0x13d: {  	s19 =	sadd.s32 s19, s10;
	v23 =	vsel vm3, s30, v23;
	s23 =	smulhi.u32 $0x68DB8BAD, s8;
	s28 =	spop (v2sf)  }
0x13e: {  	s0 =	smul.u32 $0x68DB8BAD, s25;
	v20 =	vsel vm9, s2, v23;
	s2 =	sadd.s32 s26, s22;
	s6 =	sadd.s32 s6, s17  }
0x13f: {  	s7 =	sshrl.u32 s7, $0x1F;
	s10 =	sshra.s32 s28, $0x1F;
	s4 =	sadd.s32 s13, s4  }
0x140: {  	s8 =	sshra.s32 s8, $0x1F;
	s1 =	sadd.s32 s11, s1;
	v23 =	vmov s7;
	s7 =	smul.u32 $0x68DB8BAD, s10  }
0x141: {  	v20 =	vsel vm0, s5, v20;
	s17 =	sshrl.u32 s2, $0x1F;
	s8 =	smul.u32 $0x68DB8BAD, s8;
	s10 =	sshrl.u32 s6, $0x1F  }
0x142: {  	s6 =	sshra.s32 s6, $0xC;
	s22 =	sshra.s32 s4, $0xC;
	s2 =	sshra.s32 s2, $0xC;
	v20 =	vsel vm10, s31, v20;
	v23 =	vnsel vm3, $0x0, v23;
	v22 =	vsel vm1, s10, v22  }
0x143: {  	s0 =	sadd.s32 s0, s9;
	s9 =	smul.u32 $0x68DB8BAD, s29;
	v21 =	vsel vm1, s6, v21;
	s29 =	sshrl.u32 s1, $0x1F;
	v20 =	vsel vm1, s15, v20;
	v23 =	vsel vm0, s18, v23  }
0x144: {  	s18 =	smulhi.u32 $0x68DB8BAD, s28;
	s8 =	sadd.s32 s8, s23;
	v22 =	vsel vm2, s17, v22;
	s23 =	sshrl.u32 s0, $0x1F;
	v21 =	vsel vm2, s2, v21;
	v20 =	vsel vm11, s16, v20  }
0x145: {  	s0 =	sshra.s32 s0, $0xC;
	s28 =	sshra.s32 s19, $0xC;
	s2 =	sshra.s32 s1, $0xC;
	v23 =	vsel vm1, s14, v23;
	v24 =	vmov s23;
	v20 =	vsel vm2, s21, v20  }
0x146: {  	s5 =	sadd.s32 s9, s24;
	s24 =	sshrl.u32 s19, $0x1F;
	v25 =	vmov s0;
	v23 =	vsel vm2, s20, v23;
	s21 =	sshrl.u32 s4, $0x1F;
	v20 =	vsel vm12, s3, v20  }
0x147: {  	s7 =	sadd.s32 s7, s18;
	s4 =	sshra.s32 s4, $0x1F;
	v24 =	vsel vm0, s24, v24;
	s25 =	sshrl.u32 s5, $0x1F;
	v25 =	vsel vm0, s28, v25;
	v20 =	vsel vm4, s22, v20  }
0x148: {  	s26 =	sshra.s32 s5, $0xC;
	s31 =	sshra.s32 s5, $0x1F;
	s5 =	sshra.s32 s8, $0xC;
	v23 =	vsel vm4, s21, v23;
	v24 =	vsel vm1, s29, v24;
	v20 =	vsel vm13, s4, v20  }
0x149: {  	s3 =	sshra.s32 s7, $0xC;
	v25 =	vsel vm1, s2, v25;
	s6 =	sshra.s32 s7, $0x1F;
	s7 =	sshrl.u32 s7, $0x1F;
	v23 =	vsel vm5, s25, v23;
	v20 =	vsel vm5, s26, v20  }
0x14a: {  	v25 =	vsel vm2, s5, v25;
	s4 =	sshrl.u32 s8, $0x1F;
	v23 =	vsel vm6, s7, v23;
	v20 =	vsel vm14, s31, v20  }
0x14b: {  	s9 =	sshrl.u32 s12, $0x1F;
	v21 =	vcombine.low v25, v21;
	v24 =	vsel vm2, s4, v24;
	v20 =	vsel vm6, s3, v20  }
0x14c: {  	s8 =	sshra.s32 s12, $0xC;
	v23 =	vsel vm7, s9, v23;
	v22 =	vcombine.low v24, v22;
	v20 =	vsel vm15, s6, v20  }
0x14d: {  	v21 =	vperm.xlane v21, v0;
	v23 =	vperm.xlane v23, v1;
	v20 =	vsel vm7, s8, v20  }
0x14e: {  	v22 =	vperm.xlane v22, v0;
	v20 =	vperm.xlane v20, v1;
	_ =	sdelay $0x1  }
0x14f: {  	v20 =	vsel vm8, v20, v21;
	v21 =	vsel vm8, v23, v22  }
0x150: {  	v20 =	vadd.s32 v21, v20  }
0x151: {  	v20 =	vmul.u32 $0x2710, v20  }
0x152: {  	s11 =	rddreg [dreg:$0xa]  }
0x153: {  	s10 =	rddreg [dreg:$0x3];
	v19 =	vsub.s32 v19, v20  }
0x154: {  	s13 =	simm.s32 $0x6600;
	s14 =	simm.s32 $0xA800;
	s12 =	simm.s32 $0x80;
	[tilespmem:s10+$0x6600] =	vst v19  }
0x155: {  	[tilespmem:s14], [sflag:$0x2] =	stream.indirect.gather [hbm4b:s11+s12], $0x20, s13, s12, $0xb8;
	[tilespmem:$0x12900] =	vst v63  }
0x156: {  	s15 =	simm.s32 $0x6680;
	s16 =	simm.s32 $0xB800  }
0x157: {  	[tilespmem:s16], [sflag:$0x2] =	stream.indirect.gather [hbm4b:s11+s12], $0x20, s15, s12, $0xb8;
	[tilespmem:$0x12900] =	vst v63  }
0x158: {  	s17 =	simm.s32 $0x6700;
	s18 =	simm.s32 $0xC800  }
0x159: {  	[tilespmem:s18], [sflag:$0x2] =	stream.indirect.gather [hbm4b:s11+s12], $0x20, s17, s12, $0xb8;
	[tilespmem:$0x12900] =	vst v63  }
0x15a: {  	s19 =	simm.s32 $0x6780;
	s20 =	simm.s32 $0xD800;
	s21 =	simm.s32 $0x1  }
0x15b: {  	[tilespmem:s20], [sflag:$0x2] =	stream.indirect.gather [hbm4b:s11+s12], $0x20, s19, s12, $0xb8;
	[tilespmem:$0x12900] =	vst v63  }
0x15c: {  	_ =	swait.ge [sflag:s21], $0x1000  }
0x15d: {  	[sflag:s21] =	ssyncset.done $0x0  }
0x15e: {  	[sflag:s21] =	ssyncadd.s32 $0xFFFFF000  }
0x15f: {  	_ =	swait.ge [sflag:s21], $0x1000  }
0x160: {  	[sflag:s21] =	ssyncset.done $0x0  }
0x161: {  	[sflag:s21] =	ssyncadd.s32 $0xFFFFF000  }
0x162: {  	_ =	swait.ge [sflag:s21], $0x1000  }
0x163: {  	[sflag:s21] =	ssyncset.done $0x0  }
0x164: {  	[sflag:s21] =	ssyncadd.s32 $0xFFFFF000  }
0x165: {  	_ =	swait.ge [sflag:s21], $0x1000  }
0x166: {  	s22 =	simm.s32 $0x0;
	s30 =	rddreg [dreg:$0xf]  }
0x167: {  	v19 =	vmov s22;
	[sflag:s21] =	ssyncset.done $0x0;
	p0 =	seq.s32 s30, $0x0  }
0x168: {  	v19 =	vshrl.u32 v19, $0x3;
	[sflag:s21] =	ssyncadd.s32 $0xFFFFF000;
	s0 =	simm.s32 @!p0 $0x3  }
0x169: {  	v19 =	vshll.u32 v19, v3;
	_ =	swait.ge @!p0 [sflag:s0], $0x4000  }
0x16a: {  	v19 =	vbroadcast v19, $0x0;
	[sflag:s0] =	ssyncset.done @!p0 $0x0  }
0x16b: {  	[sflag:s0] =	ssyncadd.s32 @!p0 $0xFFFFC000;
	s0 =	simm.s32 $0x6880  }
0x16c: {  	v21 =	vadd.s32 v2, v19;
	v20 =	vld [tilespmem:s0+$0xFFFFFF80];
	_ =	sdelay $0x3  }
0x16d: {  	s6 =	simm.s32 $0xE800  }
0x16e: {  	[tilespmem:v21+s6+$0x0] =	vst.idx.msk $0xffff, v20  }
0x16f: {  	s23 =	simm.s32 $0x1;
	v19 =	vadd.s32 v4, v19;
	v20 =	vld [tilespmem:s0+$0xFFFFFF90]  }
0x170: {  	v21 =	vmov s23  }
0x171: {  	v21 =	vshrl.u32 v21, $0x3  }
0x172: {  	v21 =	vshll.u32 v21, v3  }
0x173: {  	v21 =	vbroadcast v21, $0x0  }
0x174: {  	[tilespmem:v19+s6+$0x0] =	vst.idx.msk $0xffff, v20  }
0x175: {  	v20 =	vadd.s32 v5, v21;
	v19 =	vld [tilespmem:s0+$0xFFFFFFA0];
	_ =	sdelay $0x4  }
0x176: {  	[tilespmem:v20+s6+$0x0] =	vst.idx.msk $0xffff, v19  }
0x177: {  	s24 =	simm.s32 $0x2;
	v20 =	vadd.s32 v6, v21;
	v19 =	vld [tilespmem:s0+$0xFFFFFFB0]  }
0x178: {  	v21 =	vmov s24  }
0x179: {  	v21 =	vshrl.u32 v21, $0x3  }
0x17a: {  	v21 =	vshll.u32 v21, v3  }
0x17b: {  	v21 =	vbroadcast v21, $0x0  }
0x17c: {  	[tilespmem:v20+s6+$0x0] =	vst.idx.msk $0xffff, v19  }
0x17d: {  	v20 =	vadd.s32 v7, v21;
	v19 =	vld [tilespmem:s0+$0xFFFFFFC0];
	_ =	sdelay $0x4  }
0x17e: {  	[tilespmem:v20+s6+$0x0] =	vst.idx.msk $0xffff, v19  }
0x17f: {  	s25 =	simm.s32 $0x3;
	v20 =	vadd.s32 v8, v21;
	v19 =	vld [tilespmem:s0+$0xFFFFFFD0]  }
0x180: {  	v21 =	vmov s25  }
0x181: {  	v21 =	vshrl.u32 v21, $0x3  }
0x182: {  	v21 =	vshll.u32 v21, v3  }
0x183: {  	v21 =	vbroadcast v21, $0x0  }
0x184: {  	[tilespmem:v20+s6+$0x0] =	vst.idx.msk $0xffff, v19  }
0x185: {  	v20 =	vadd.s32 v9, v21;
	v19 =	vld [tilespmem:s0+$0xFFFFFFE0];
	_ =	sdelay $0x4  }
0x186: {  	[tilespmem:v20+s6+$0x0] =	vst.idx.msk $0xffff, v19  }
0x187: {  	s26 =	simm.s32 $0x4;
	v20 =	vadd.s32 v10, v21;
	v19 =	vld [tilespmem:s0+$0xFFFFFFF0]  }
0x188: {  	v21 =	vmov s26  }
0x189: {  	v21 =	vshrl.u32 v21, $0x3  }
0x18a: {  	v21 =	vshll.u32 v21, v3  }
0x18b: {  	v21 =	vbroadcast v21, $0x0  }
0x18c: {  	[tilespmem:v20+s6+$0x0] =	vst.idx.msk $0xffff, v19  }
0x18d: {  	v20 =	vadd.s32 v11, v21;
	v19 =	vld [tilespmem:s0+$0x0];
	_ =	sdelay $0x4  }
0x18e: {  	[tilespmem:v20+s6+$0x0] =	vst.idx.msk $0xffff, v19  }
0x18f: {  	s28 =	simm.s32 $0x5;
	v20 =	vadd.s32 v12, v21;
	v19 =	vld [tilespmem:s0+$0x10]  }
0x190: {  	v21 =	vmov s28  }
0x191: {  	v21 =	vshrl.u32 v21, $0x3  }
0x192: {  	v21 =	vshll.u32 v21, v3  }
0x193: {  	v21 =	vbroadcast v21, $0x0  }
0x194: {  	[tilespmem:v20+s6+$0x0] =	vst.idx.msk $0xffff, v19  }
0x195: {  	v20 =	vadd.s32 v13, v21;
	v19 =	vld [tilespmem:s0+$0x20];
	_ =	sdelay $0x4  }
0x196: {  	[tilespmem:v20+s6+$0x0] =	vst.idx.msk $0xffff, v19  }
0x197: {  	s29 =	simm.s32 $0x6;
	v20 =	vadd.s32 v14, v21;
	v19 =	vld [tilespmem:s0+$0x30]  }
0x198: {  	v21 =	vmov s29  }
0x199: {  	v21 =	vshrl.u32 v21, $0x3  }
0x19a: {  	v21 =	vshll.u32 v21, v3  }
0x19b: {  	v21 =	vbroadcast v21, $0x0  }
0x19c: {  	[tilespmem:v20+s6+$0x0] =	vst.idx.msk $0xffff, v19  }
0x19d: {  	v20 =	vadd.s32 v15, v21;
	v19 =	vld [tilespmem:s0+$0x40];
	_ =	sdelay $0x4  }
0x19e: {  	[tilespmem:v20+s6+$0x0] =	vst.idx.msk $0xffff, v19  }
0x19f: {  	s31 =	simm.s32 $0x7;
	v20 =	vadd.s32 v16, v21;
	v19 =	vld [tilespmem:s0+$0x50]  }
0x1a0: {  	v21 =	vmov s31  }
0x1a1: {  	v21 =	vshrl.u32 v21, $0x3  }
0x1a2: {  	v21 =	vshll.u32 v21, v3  }
0x1a3: {  	v21 =	vbroadcast v21, $0x0  }
0x1a4: {  	[tilespmem:v20+s6+$0x0] =	vst.idx.msk $0xffff, v19  }
0x1a5: {  	v20 =	vadd.s32 v17, v21;
	v19 =	vld [tilespmem:s0+$0x60];
	_ =	sdelay $0x4  }
0x1a6: {  	[tilespmem:v20+s6+$0x0] =	vst.idx.msk $0xffff, v19  }
0x1a7: {  	s1 =	simm.s32 $0x8;
	s10 =	simm.s32 $0xF;
	s12 =	simm.s32 $0x17;
	v20 =	vadd.s32 v18, v21;
	v19 =	vld [tilespmem:s0+$0x70]  }
.LBB2_7:
0x1a8: {  	p0 =	sne.s32 s12, $0x1FF;
	v21 =	vmov s1  }
0x1a9: {  	v21 =	vshrl.u32 v21, $0x3  }
0x1aa: {  	v21 =	vshll.u32 v21, v3  }
0x1ab: {  	v21 =	vbroadcast v21, $0x0  }
0x1ac: {  	s0 =	sadd.s32 $0x100, s0;
	[tilespmem:v20+s6+$0x0] =	vst.idx.msk $0xffff, v19  }
0x1ad: {  	v19 =	vld [tilespmem:s0+$0xFFFFFF80];
	v20 =	vadd.s32 v2, v21;
	_ =	sdelay $0x4  }
0x1ae: {  	[tilespmem:v20+s6+$0x0] =	vst.idx.msk $0xffff, v19  }
0x1af: {  	s1 =	sadd.s32 $0xFFFFFFFA, s10;
	v20 =	vadd.s32 v4, v21;
	v19 =	vld [tilespmem:s0+$0xFFFFFF90]  }
0x1b0: {  	v21 =	vmov s1  }
0x1b1: {  	v21 =	vshrl.u32 v21, $0x3  }
0x1b2: {  	v21 =	vshll.u32 v21, v3  }
0x1b3: {  	v21 =	vbroadcast v21, $0x0  }
0x1b4: {  	[tilespmem:v20+s6+$0x0] =	vst.idx.msk $0xffff, v19  }
0x1b5: {  	v20 =	vadd.s32 v5, v21;
	v19 =	vld [tilespmem:s0+$0xFFFFFFA0];
	_ =	sdelay $0x4  }
0x1b6: {  	[tilespmem:v20+s6+$0x0] =	vst.idx.msk $0xffff, v19  }
0x1b7: {  	s1 =	sadd.s32 $0xFFFFFFFB, s10;
	v20 =	vadd.s32 v6, v21;
	v19 =	vld [tilespmem:s0+$0xFFFFFFB0]  }
0x1b8: {  	v21 =	vmov s1  }
0x1b9: {  	v21 =	vshrl.u32 v21, $0x3  }
0x1ba: {  	v21 =	vshll.u32 v21, v3  }
0x1bb: {  	v21 =	vbroadcast v21, $0x0  }
0x1bc: {  	[tilespmem:v20+s6+$0x0] =	vst.idx.msk $0xffff, v19  }
0x1bd: {  	v20 =	vadd.s32 v7, v21;
	v19 =	vld [tilespmem:s0+$0xFFFFFFC0];
	_ =	sdelay $0x4  }
0x1be: {  	[tilespmem:v20+s6+$0x0] =	vst.idx.msk $0xffff, v19  }
0x1bf: {  	s1 =	sadd.s32 $0xFFFFFFFC, s10;
	v20 =	vadd.s32 v8, v21;
	v19 =	vld [tilespmem:s0+$0xFFFFFFD0]  }
0x1c0: {  	v21 =	vmov s1  }
0x1c1: {  	v21 =	vshrl.u32 v21, $0x3  }
0x1c2: {  	v21 =	vshll.u32 v21, v3  }
0x1c3: {  	v21 =	vbroadcast v21, $0x0  }
0x1c4: {  	[tilespmem:v20+s6+$0x0] =	vst.idx.msk $0xffff, v19  }
0x1c5: {  	v20 =	vadd.s32 v9, v21;
	v19 =	vld [tilespmem:s0+$0xFFFFFFE0];
	_ =	sdelay $0x4  }
0x1c6: {  	[tilespmem:v20+s6+$0x0] =	vst.idx.msk $0xffff, v19  }
0x1c7: {  	s1 =	sadd.s32 $0xFFFFFFFD, s10;
	v20 =	vadd.s32 v10, v21;
	v19 =	vld [tilespmem:s0+$0xFFFFFFF0]  }
0x1c8: {  	v21 =	vmov s1  }
0x1c9: {  	v21 =	vshrl.u32 v21, $0x3  }
0x1ca: {  	v21 =	vshll.u32 v21, v3  }
0x1cb: {  	v21 =	vbroadcast v21, $0x0  }
0x1cc: {  	[tilespmem:v20+s6+$0x0] =	vst.idx.msk $0xffff, v19  }
0x1cd: {  	v20 =	vadd.s32 v11, v21;
	v19 =	vld [tilespmem:s0+$0x0];
	_ =	sdelay $0x4  }
0x1ce: {  	[tilespmem:v20+s6+$0x0] =	vst.idx.msk $0xffff, v19  }
0x1cf: {  	s1 =	sadd.s32 $0xFFFFFFFE, s10;
	v20 =	vadd.s32 v12, v21;
	v19 =	vld [tilespmem:s0+$0x10]  }
0x1d0: {  	v21 =	vmov s1  }
0x1d1: {  	v21 =	vshrl.u32 v21, $0x3  }
0x1d2: {  	v21 =	vshll.u32 v21, v3  }
0x1d3: {  	v21 =	vbroadcast v21, $0x0  }
0x1d4: {  	[tilespmem:v20+s6+$0x0] =	vst.idx.msk $0xffff, v19  }
0x1d5: {  	v20 =	vadd.s32 v13, v21;
	v19 =	vld [tilespmem:s0+$0x20];
	_ =	sdelay $0x4  }
0x1d6: {  	[tilespmem:v20+s6+$0x0] =	vst.idx.msk $0xffff, v19  }
0x1d7: {  	s1 =	sadd.s32 $0xFFFFFFFF, s10;
	v20 =	vadd.s32 v14, v21;
	v19 =	vld [tilespmem:s0+$0x30]  }
0x1d8: {  	v21 =	vmov s1  }
0x1d9: {  	v21 =	vshrl.u32 v21, $0x3  }
0x1da: {  	v21 =	vshll.u32 v21, v3  }
0x1db: {  	v21 =	vbroadcast v21, $0x0  }
0x1dc: {  	[tilespmem:v20+s6+$0x0] =	vst.idx.msk $0xffff, v19  }
0x1dd: {  	v20 =	vadd.s32 v15, v21;
	v19 =	vld [tilespmem:s0+$0x40];
	_ =	sdelay $0x4  }
0x1de: {  	[tilespmem:v20+s6+$0x0] =	vst.idx.msk $0xffff, v19  }
0x1df: {  	v20 =	vadd.s32 v16, v21;
	v19 =	vld [tilespmem:s0+$0x50]  }
0x1e0: {  	v21 =	vmov s10;
	s10 =	smov.u32 s12  }
0x1e1: {  	v21 =	vshrl.u32 v21, $0x3  }
0x1e2: {  	v21 =	vshll.u32 v21, v3  }
0x1e3: {  	v21 =	vbroadcast v21, $0x0  }
0x1e4: {  	[tilespmem:v20+s6+$0x0] =	vst.idx.msk $0xffff, v19  }
0x1e5: {  	v20 =	vadd.s32 v17, v21;
	v19 =	vld [tilespmem:s0+$0x60];
	_ =	sdelay $0x1  }
.Ltmp2:
0x1e6: {  	(pc) =	sbr.rel @p0 .LBB2_7-.Ltmp2, $3  }
0x1e7: {  	_ =	sdelay $0x1  }
0x1e8: {  	[tilespmem:v20+s6+$0x0] =	vst.idx.msk $0xffff, v19  }
0x1e9: {  	s12 =	sadd.s32 $0x8, s12;
	s1 =	sadd.s32 $0xFFFFFFF9, s10;
	v20 =	vadd.s32 v18, v21;
	v19 =	vld [tilespmem:s0+$0x70]  }
0x1ea: {  	v21 =	vmov s1  }
0x1eb: {  	v21 =	vshrl.u32 v21, $0x3  }
0x1ec: {  	v21 =	vshll.u32 v21, v3  }
0x1ed: {  	v21 =	vbroadcast v21, $0x0  }
0x1ee: {  	s0 =	sadd.s32 $0x100, s0;
	[tilespmem:v20+s6+$0x0] =	vst.idx.msk $0xffff, v19  }
0x1ef: {  	v19 =	vld [tilespmem:s0+$0xFFFFFF80];
	v20 =	vadd.s32 v2, v21;
	_ =	sdelay $0x4  }
0x1f0: {  	[tilespmem:v20+s6+$0x0] =	vst.idx.msk $0xffff, v19  }
0x1f1: {  	s21 =	sadd.s32 $0xFFFFFFFA, s10;
	v20 =	vadd.s32 v4, v21;
	v19 =	vld [tilespmem:s0+$0xFFFFFF90]  }
0x1f2: {  	v57 =	vmov s21  }
0x1f3: {  	v21 =	vshrl.u32 v57, $0x3  }
0x1f4: {  	v21 =	vshll.u32 v21, v3  }
0x1f5: {  	v21 =	vbroadcast v21, $0x0  }
0x1f6: {  	[tilespmem:v20+s6+$0x0] =	vst.idx.msk $0xffff, v19  }
0x1f7: {  	v20 =	vadd.s32 v5, v21;
	v19 =	vld [tilespmem:s0+$0xFFFFFFA0];
	_ =	sdelay $0x4  }
0x1f8: {  	[tilespmem:v20+s6+$0x0] =	vst.idx.msk $0xffff, v19  }
0x1f9: {  	s22 =	sadd.s32 $0xFFFFFFFB, s10;
	v20 =	vadd.s32 v6, v21;
	v19 =	vld [tilespmem:s0+$0xFFFFFFB0]  }
0x1fa: {  	v58 =	vmov s22  }
0x1fb: {  	v21 =	vshrl.u32 v58, $0x3  }
0x1fc: {  	v21 =	vshll.u32 v21, v3  }
0x1fd: {  	v21 =	vbroadcast v21, $0x0  }
0x1fe: {  	[tilespmem:v20+s6+$0x0] =	vst.idx.msk $0xffff, v19  }
0x1ff: {  	v20 =	vadd.s32 v7, v21;
	v19 =	vld [tilespmem:s0+$0xFFFFFFC0];
	_ =	sdelay $0x4  }
0x200: {  	[tilespmem:v20+s6+$0x0] =	vst.idx.msk $0xffff, v19  }
0x201: {  	s23 =	sadd.s32 $0xFFFFFFFC, s10;
	v20 =	vadd.s32 v8, v21;
	v19 =	vld [tilespmem:s0+$0xFFFFFFD0]  }
0x202: {  	v59 =	vmov s23  }
0x203: {  	v21 =	vshrl.u32 v59, $0x3  }
0x204: {  	v21 =	vshll.u32 v21, v3  }
0x205: {  	v21 =	vbroadcast v21, $0x0  }
0x206: {  	[tilespmem:v20+s6+$0x0] =	vst.idx.msk $0xffff, v19  }
0x207: {  	v20 =	vadd.s32 v9, v21;
	v19 =	vld [tilespmem:s0+$0xFFFFFFE0];
	_ =	sdelay $0x4  }
0x208: {  	[tilespmem:v20+s6+$0x0] =	vst.idx.msk $0xffff, v19  }
0x209: {  	s24 =	sadd.s32 $0xFFFFFFFD, s10;
	v20 =	vadd.s32 v10, v21;
	v19 =	vld [tilespmem:s0+$0xFFFFFFF0]  }
0x20a: {  	v60 =	vmov s24  }
0x20b: {  	v21 =	vshrl.u32 v60, $0x3  }
0x20c: {  	v21 =	vshll.u32 v21, v3  }
0x20d: {  	v21 =	vbroadcast v21, $0x0  }
0x20e: {  	[tilespmem:v20+s6+$0x0] =	vst.idx.msk $0xffff, v19  }
0x20f: {  	v20 =	vadd.s32 v11, v21;
	v19 =	vld [tilespmem:s0+$0x0];
	_ =	sdelay $0x4  }
0x210: {  	[tilespmem:v20+s6+$0x0] =	vst.idx.msk $0xffff, v19  }
0x211: {  	s25 =	sadd.s32 $0xFFFFFFFE, s10;
	v20 =	vadd.s32 v12, v21;
	v19 =	vld [tilespmem:s0+$0x10]  }
0x212: {  	v61 =	vmov s25  }
0x213: {  	v21 =	vshrl.u32 v61, $0x3  }
0x214: {  	v21 =	vshll.u32 v21, v3  }
0x215: {  	v21 =	vbroadcast v21, $0x0  }
0x216: {  	[tilespmem:v20+s6+$0x0] =	vst.idx.msk $0xffff, v19  }
0x217: {  	v20 =	vadd.s32 v13, v21;
	v19 =	vld [tilespmem:s0+$0x20];
	_ =	sdelay $0x4  }
0x218: {  	[tilespmem:v20+s6+$0x0] =	vst.idx.msk $0xffff, v19  }
0x219: {  	s26 =	sadd.s32 $0xFFFFFFFF, s10;
	v20 =	vadd.s32 v14, v21;
	v19 =	vld [tilespmem:s0+$0x30]  }
0x21a: {  	v62 =	vmov s26  }
0x21b: {  	v21 =	vshrl.u32 v62, $0x3  }
0x21c: {  	v21 =	vshll.u32 v21, v3  }
0x21d: {  	v21 =	vbroadcast v21, $0x0  }
0x21e: {  	[tilespmem:v20+s6+$0x0] =	vst.idx.msk $0xffff, v19  }
0x21f: {  	v20 =	vadd.s32 v15, v21;
	v19 =	vld [tilespmem:s0+$0x40];
	_ =	sdelay $0x4  }
0x220: {  	[tilespmem:v20+s6+$0x0] =	vst.idx.msk $0xffff, v19  }
0x221: {  	v20 =	vadd.s32 v16, v21;
	v19 =	vld [tilespmem:s0+$0x50]  }
0x222: {  	v63 =	vmov s10  }
0x223: {  	v21 =	vshrl.u32 v63, $0x3  }
0x224: {  	v21 =	vshll.u32 v21, v3  }
0x225: {  	v21 =	vbroadcast v21, $0x0  }
0x226: {  	[tilespmem:v20+s6+$0x0] =	vst.idx.msk $0xffff, v19  }
0x227: {  	v20 =	vadd.s32 v17, v21;
	v19 =	vld [tilespmem:s0+$0x60];
	_ =	sdelay $0x4  }
0x228: {  	[tilespmem:v20+s6+$0x0] =	vst.idx.msk $0xffff, v19  }
0x229: {  	v20 =	vadd.s32 v18, v21;
	v19 =	vld [tilespmem:s0+$0x70]  }
0x22a: {  	s28 =	sshll.u32 s30, $0x14;
	s29 =	rddreg [dreg:$0x9]  }
0x22b: {  	s0 =	sor.u32 s29, s28  }
0x22c: {  	s31 =	rddreg [dreg:$0xb];
	s0 =	sshrl.u32 s0, $0x3  }
0x22d: {  	s1 =	simm.s32 $0xE800;
	s3 =	simm.s32 $0x800;
	s0 =	sadd.s32 s31, s0  }
0x22e: {  	s4 =	simm.s32 $0xEA08;
	s5 =	simm.s32 $0x0;
	s2 =	sadd.s32 $0x0, s0;
	[tilespmem:v20+s6+$0x0] =	vst.idx.msk $0xffff, v19  }
.LBB2_9:
0x22f: {  	[hbm4b:s2+s5] =	stream.linear.scatter [tilespmem:s1], [sflag:$0x3], $0x200, $0x38;
	[tilespmem:$0x12900] =	vst v63  }
0x230: {  	s2 =	smov.u32 s3;
	s1 =	smov.u32 s4;
	p0 =	sne.s32 s3, $0xF800  }
.Ltmp3:
0x231: {  	s3 =	sadd.s32 $0x800, s3;
	(pc) =	sbr.rel @p0 .LBB2_9-.Ltmp3, $2  }
0x232: {  	_ =	sdelay $0x2  }
0x233: {  	s4 =	sadd.s32 $0x208, s4;
	s2 =	sadd.s32 s2, s0  }
0x234: {  	p0 =	seq.s32 s30, $0x18  }
.Ltmp4:
0x235: {  	_ = 	snop;
	(pc) =	sbr.rel @p0 .LBB2_14-.Ltmp4, $3  }
0x236: {  	_ =	sdelay $0x1  }
0x237: {  	[hbm4b:s2+s5] =	stream.linear.scatter [tilespmem:s1], [sflag:$0x3], $0x200, $0x38;
	[tilespmem:$0x12900] =	vst v63  }
0x238: {  	s1 =	simm.s32 $0x0  }
0x239: {  	s0 =	rddreg [dreg:$0x2]  }
0x23a: {  	s0 =	sadd.s32 $0x0, s0  }
0x23b: {  	v19 =	vld [tilespmem:s0+$0x0];
	_ =	sdelay $0x4  }
0x23c: {  	(v2sf) =	vpush v19, $0x0  }
0x23d: {  	(v2sf) =	vpush v19, $0x1  }
0x23e: {  	(v2sf) =	vpush v19, $0x2;
	_ =	sdelay $0x1  }
0x23f: {  	(v2sf) =	vpush v19, $0x7;
	_ =	sdelay $0x1  }
0x240: {  	(v2sf) =	vpush v19, $0x3  }
0x241: {  	(v2sf) =	vpush v19, $0x4;
	_ =	sdelay $0x2  }
0x242: {  	(v2sf) =	vpush v19, $0xC  }
0x243: {  	(v2sf) =	vpush v19, $0xD;
	_ =	sdelay $0x1  }
0x244: {  	(v2sf) =	vpush v19, $0xE  }
0x245: {  	(v2sf) =	vpush v19, $0x8  }
0x246: {  	(v2sf) =	vpush v19, $0xF;
	s1 =	spop (v2sf)  }
0x247: {  	s23 =	smulhi.u32 $0x68DB8BAD, s1;
	s2 =	spop (v2sf)  }
0x248: {  	s3 =	smulhi.u32 $0x68DB8BAD, s2;
	s4 =	spop (v2sf)  }
0x249: {  	s2 =	sshra.s32 s2, $0x1F;
	s5 =	smulhi.u32 $0x68DB8BAD, s4  }
0x24a: {  	s6 =	spop (v2sf);
	s2 =	smul.u32 $0x68DB8BAD, s2  }
0x24b: {  	s4 =	sshra.s32 s4, $0x1F;
	s7 =	smulhi.u32 $0x68DB8BAD, s6  }
0x24c: {  	s6 =	sshra.s32 s6, $0x1F;
	s8 =	spop (v2sf);
	s4 =	smul.u32 $0x68DB8BAD, s4  }
0x24d: {  	(v2sf) =	vpush v19, $0x9;
	s1 =	sshra.s32 s1, $0x1F;
	s9 =	spop (v2sf);
	s6 =	smul.u32 $0x68DB8BAD, s6  }
0x24e: {  	s20 =	sshra.s32 s8, $0x1F;
	s8 =	smulhi.u32 $0x68DB8BAD, s8;
	s2 =	sadd.s32 s2, s3  }
0x24f: {  	(v2sf) =	vpush v19, $0xA;
	s10 =	sshra.s32 s9, $0x1F;
	s4 =	sadd.s32 s4, s5;
	s5 =	smul.u32 $0x68DB8BAD, s20  }
0x250: {  	(v2sf) =	vpush v19, $0x5;
	s11 =	spop (v2sf);
	s31 =	sshra.s32 s2, $0x1F;
	s14 =	smul.u32 $0x68DB8BAD, s10  }
0x251: {  	s12 =	spop (v2sf);
	s21 =	sshra.s32 s11, $0x1F;
	s11 =	smulhi.u32 $0x68DB8BAD, s11  }
0x252: {  	s17 =	sshra.s32 s4, $0xC;
	s15 =	sshrl.u32 s4, $0x1F;
	s13 =	smulhi.u32 $0x68DB8BAD, s12  }
0x253: {  	(v2sf) =	vpush v19, $0xB;
	s16 =	sshra.s32 s4, $0x1F;
	s22 =	spop (v2sf);
	s3 =	smul.u32 $0x68DB8BAD, s21  }
0x254: {  	s12 =	sshra.s32 s12, $0x1F;
	s18 =	smulhi.u32 $0x68DB8BAD, s22;
	s19 =	spop (v2sf)  }
0x255: {  	(v2sf) =	vpush v19, $0x6;
	s5 =	sadd.s32 s5, s8;
	s25 =	smul.u32 $0x68DB8BAD, s12;
	s24 =	spop (v2sf)  }
0x256: {  	s8 =	simm.s32 $0x0;
	s0 =	sshra.s32 s22, $0x1F;
	s4 =	smulhi.u32 $0x68DB8BAD, s24  }
0x257: {  	[dreg:$0x4] =	wrdreg s8;
	s26 =	sshra.s32 s24, $0x1F;
	s24 =	smulhi.u32 $0x68DB8BAD, s9  }
0x258: {  	s10 =	sadd.s32 s25, s13;
	s13 =	sadd.s32 s6, s7;
	s6 =	smul.u32 $0x68DB8BAD, s0  }
0x259: {  	s22 =	sshra.s32 s19, $0x1F;
	s3 =	sadd.s32 s3, s11;
	s28 =	smul.u32 $0x68DB8BAD, s26  }
0x25a: {  	s29 =	sshrl.u32 s3, $0x1F;
	s9 =	sshra.s32 s10, $0xC;
	s26 =	smul.u32 $0x68DB8BAD, s1  }
0x25b: {  	s25 =	sshrl.u32 s10, $0x1F;
	s10 =	smulhi.u32 $0x68DB8BAD, s19;
	s19 =	sshrl.u32 s2, $0x1F  }
0x25c: {  	[smem:$0x7F0] =	sst s9;
	s9 =	sadd.s32 s26, s23;
	s20 =	spop (v2sf)  }
0x25d: {  	s23 =	sshra.s32 s5, $0xC;
	s30 =	sshra.s32 s20, $0x1F;
	s20 =	smulhi.u32 $0x68DB8BAD, s20  }
0x25e: {  	s21 =	spop (v2sf);
	s11 =	smul.u32 $0x68DB8BAD, s30;
	s30 =	sshra.s32 s3, $0xC  }
0x25f: {  	s3 =	spop (v2sf);
	s12 =	sshra.s32 s21, $0x1F;
	s1 =	smulhi.u32 $0x68DB8BAD, s21  }
0x260: {  	s21 =	sshrl.u32 s5, $0x1F;
	s5 =	sshra.s32 s5, $0x1F;
	s26 =	smulhi.u32 $0x68DB8BAD, s3  }
0x261: {  	s7 =	sshra.s32 s3, $0x1F;
	s3 =	sshra.s32 s2, $0xC;
	v20 =	vmov s30;
	s30 =	sld [smem:$0x7F0]  }
0x262: {  	s2 =	sshra.s32 s13, $0x1F;
	s8 =	spop (v2sf);
	s20 =	sadd.s32 s11, s20  }
0x263: {  	v21 =	vmov s29;
	s11 =	smul.u32 $0x68DB8BAD, s12;
	s12 =	simm.s32 $0x40;
	v22 =	vmov s2;
	s2 =	sshra.s32 s9, $0xC  }
0x264: {  	v21 =	vsel vm0, s25, v21;
	s25 =	smulhi.u32 $0x68DB8BAD, s8;
	s29 =	spop (v2sf);
	v22 =	vsel vm3, s2, v22;
	s2 =	sshra.s32 s9, $0x1F;
	v20 =	vsel vm0, s30, v20  }
.LBB2_12:
0x265: {  	s30 =	sshrl.u32 s20, $0x1F  }
0x266: {  	s22 =	smul.u32 $0x68DB8BAD, s22;
	s8 =	sshra.s32 s8, $0x1F;
	v22 =	vsel vm9, s2, v22;
	s0 =	sshrl.u32 s9, $0x1F  }
0x267: {  	s7 =	smul.u32 $0x68DB8BAD, s7;
	s1 =	sadd.s32 s11, s1;
	s2 =	sadd.s32 s28, s4;
	v22 =	vsel vm0, s3, v22  }
0x268: {  	s9 =	sadd.s32 s6, s18;
	v23 =	vmov s0;
	s4 =	sadd.s32 s14, s24;
	s24 =	sshra.s32 s29, $0x1F;
	v22 =	vsel vm10, s31, v22  }
0x269: {  	s8 =	smul.u32 $0x68DB8BAD, s8;
	v23 =	vnsel vm3, $0x0, v23;
	s0 =	sshrl.u32 s9, $0x1F;
	s3 =	sshra.s32 s9, $0xC;
	v22 =	vsel vm1, s17, v22  }
0x26a: {  	s6 =	sadd.s32 s22, s10;
	s10 =	sshrl.u32 s2, $0x1F;
	s22 =	sshrl.u32 s4, $0x1F;
	v23 =	vsel vm0, s19, v23;
	v21 =	vsel vm1, s0, v21;
	v20 =	vsel vm1, s3, v20  }
0x26b: {  	s7 =	sadd.s32 s7, s26;
	s14 =	smul.u32 $0x68DB8BAD, s24;
	s24 =	sshra.s32 s6, $0xC;
	v22 =	vsel vm11, s16, v22;
	v23 =	vsel vm1, s15, v23;
	v21 =	vsel vm2, s10, v21  }
0x26c: {  	s18 =	sshra.s32 s4, $0xC;
	s2 =	sshra.s32 s2, $0xC;
	v25 =	vmov s24;
	v22 =	vsel vm2, s23, v22;
	v23 =	vsel vm2, s21, v23;
	s21 =	sshrl.u32 s6, $0x1F  }
0x26d: {  	s4 =	sshra.s32 s4, $0x1F;
	s17 =	smulhi.u32 $0x68DB8BAD, s29;
	s19 =	sshrl.u32 s7, $0x1F;
	v20 =	vsel vm2, s2, v20;
	v22 =	vsel vm12, s5, v22;
	v24 =	vmov s21  }
0x26e: {  	s26 =	sadd.s32 s8, s25;
	s0 =	sshrl.u32 s1, $0x1F;
	v23 =	vsel vm4, s22, v23;
	s22 =	sshra.s32 s20, $0xC;
	v22 =	vsel vm4, s18, v22;
	v24 =	vsel vm0, s30, v24  }
0x26f: {  	s1 =	sshra.s32 s1, $0xC;
	s23 =	sshra.s32 s7, $0xC;
	s30 =	sadd.s32 s14, s17;
	v23 =	vsel vm5, s19, v23;
	v25 =	vsel vm0, s22, v25;
	v22 =	vsel vm13, s4, v22  }
0x270: {  	s7 =	sshra.s32 s7, $0x1F;
	v24 =	vsel vm1, s0, v24;
	s9 =	sshrl.u32 s30, $0x1F;
	s4 =	sshrl.u32 s26, $0x1F;
	v25 =	vsel vm1, s1, v25;
	v22 =	vsel vm5, s23, v22  }
0x271: {  	s8 =	sshra.s32 s26, $0xC;
	s10 =	sshra.s32 s30, $0xC;
	v23 =	vsel vm6, s9, v23;
	v24 =	vsel vm2, s4, v24;
	v22 =	vsel vm14, s7, v22  }
0x272: {  	s11 =	sshrl.u32 s13, $0x1F;
	s14 =	sshra.s32 s30, $0x1F;
	v25 =	vsel vm2, s8, v25;
	v21 =	vcombine.low v24, v21;
	v22 =	vsel vm6, s10, v22  }
0x273: {  	s15 =	sshra.s32 s13, $0xC;
	v20 =	vcombine.low v25, v20;
	v23 =	vsel vm7, s11, v23;
	v22 =	vsel vm15, s14, v22  }
0x274: {  	v23 =	vperm.xlane v23, v1;
	v21 =	vperm.xlane v21, v0;
	v22 =	vsel vm7, s15, v22  }
0x275: {  	v20 =	vperm.xlane v20, v0;
	v22 =	vperm.xlane v22, v1;
	_ =	sdelay $0x1  }
0x276: {  	v21 =	vsel vm8, v23, v21;
	v20 =	vsel vm8, v22, v20  }
0x277: {  	v20 =	vadd.s32 v21, v20  }
0x278: {  	v20 =	vmul.u32 $0x2710, v20  }
0x279: {  	s16 =	smov.u32 s12;
	s18 =	rddreg [dreg:$0x4]  }
0x27a: {  	s17 =	sshra.s32 s16, $0x2;
	s0 =	rddreg [dreg:$0x2];
	v19 =	vsub.s32 v19, v20  }
0x27b: {  	s2 =	sadd.s32 s17, s0;
	[tilespmem:s18+$0x6400] =	vst v19  }
0x27c: {  	v19 =	vld [tilespmem:s2+$0x0];
	_ =	sdelay $0x4  }
0x27d: {  	(v2sf) =	vpush v19, $0x0  }
0x27e: {  	(v2sf) =	vpush v19, $0x1  }
0x27f: {  	(v2sf) =	vpush v19, $0x2;
	_ =	sdelay $0x1  }
0x280: {  	(v2sf) =	vpush v19, $0x7;
	_ =	sdelay $0x1  }
0x281: {  	(v2sf) =	vpush v19, $0x3  }
0x282: {  	(v2sf) =	vpush v19, $0x4;
	_ =	sdelay $0x1  }
0x283: {  	(v2sf) =	vpush v19, $0xC;
	_ =	sdelay $0x1  }
0x284: {  	(v2sf) =	vpush v19, $0xD;
	_ =	sdelay $0x2  }
0x285: {  	(v2sf) =	vpush v19, $0xE  }
0x286: {  	s20 =	spop (v2sf)  }
0x287: {  	p0 =	sne.s32 s12, $0x7C0;
	(v2sf) =	vpush v19, $0x8;
	s31 =	smulhi.u32 $0x68DB8BAD, s20;
	s21 =	spop (v2sf)  }
0x288: {  	s19 =	smov.u32 s17;
	(v2sf) =	vpush v19, $0xF;
	s22 =	smulhi.u32 $0x68DB8BAD, s21;
	s23 =	spop (v2sf)  }
0x289: {  	[dreg:$0x4] =	wrdreg s19;
	(v2sf) =	vpush v19, $0x9;
	s1 =	sshra.s32 s21, $0x1F;
	s24 =	smulhi.u32 $0x68DB8BAD, s23  }
0x28a: {  	s12 =	sadd.s32 $0x40, s12;
	s26 =	spop (v2sf);
	s1 =	smul.u32 $0x68DB8BAD, s1  }
0x28b: {  	s11 =	sshra.s32 s20, $0x1F;
	s3 =	sshra.s32 s23, $0x1F;
	s13 =	smulhi.u32 $0x68DB8BAD, s26  }
0x28c: {  	s5 =	sshra.s32 s26, $0x1F;
	s30 =	spop (v2sf);
	s10 =	smul.u32 $0x68DB8BAD, s3  }
0x28d: {  	(v2sf) =	vpush v19, $0xA;
	s7 =	sshra.s32 s30, $0x1F;
	s8 =	spop (v2sf);
	s29 =	smul.u32 $0x68DB8BAD, s5  }
0x28e: {  	s25 =	sadd.s32 s1, s22;
	s6 =	smulhi.u32 $0x68DB8BAD, s30;
	s0 =	sshra.s32 s8, $0x1F  }
0x28f: {  	s14 =	spop (v2sf);
	s3 =	sshra.s32 s25, $0xC;
	s5 =	smul.u32 $0x68DB8BAD, s7  }
0x290: {  	(v2sf) =	vpush v19, $0x5;
	s1 =	sadd.s32 s10, s24;
	s19 =	sshrl.u32 s25, $0x1F;
	s20 =	smul.u32 $0x68DB8BAD, s0  }
0x291: {  	s21 =	spop (v2sf);
	s22 =	sshra.s32 s14, $0x1F;
	s26 =	smulhi.u32 $0x68DB8BAD, s14  }
0x292: {  	s17 =	sshra.s32 s1, $0xC;
	s15 =	sshrl.u32 s1, $0x1F;
	s10 =	smulhi.u32 $0x68DB8BAD, s21  }
0x293: {  	(v2sf) =	vpush v19, $0xB;
	s16 =	sshra.s32 s1, $0x1F;
	s13 =	sadd.s32 s29, s13;
	s9 =	smul.u32 $0x68DB8BAD, s22  }
0x294: {  	s24 =	spop (v2sf);
	(v2sf) =	vpush v19, $0x6;
	s5 =	sadd.s32 s5, s6;
	s6 =	smul.u32 $0x68DB8BAD, s11  }
0x295: {  	s23 =	sshra.s32 s21, $0x1F;
	[dreg:$0x8] =	wrdreg s20;
	s18 =	smulhi.u32 $0x68DB8BAD, s24  }
0x296: {  	s2 =	sshra.s32 s24, $0x1F;
	s30 =	spop (v2sf);
	s21 =	smul.u32 $0x68DB8BAD, s23  }
0x297: {  	s24 =	smulhi.u32 $0x68DB8BAD, s8;
	s22 =	sshra.s32 s30, $0x1F;
	s0 =	spop (v2sf)  }
0x298: {  	s1 =	sadd.s32 s9, s26;
	s14 =	spop (v2sf);
	s4 =	smulhi.u32 $0x68DB8BAD, s0  }
0x299: {  	s23 =	sshra.s32 s0, $0x1F;
	s9 =	sshrl.u32 s1, $0x1F;
	s0 =	smulhi.u32 $0x68DB8BAD, s14  }
0x29a: {  	s10 =	sadd.s32 s21, s10;
	s20 =	sshra.s32 s14, $0x1F;
	s28 =	smul.u32 $0x68DB8BAD, s23  }
0x29b: {  	v21 =	vmov s9;
	s8 =	sshra.s32 s10, $0xC;
	s10 =	sshrl.u32 s10, $0x1F;
	s20 =	smul.u32 $0x68DB8BAD, s20  }
0x29c: {  	s1 =	sshra.s32 s1, $0xC;
	v21 =	vsel vm0, s10, v21;
	s10 =	smulhi.u32 $0x68DB8BAD, s30;
	s26 =	spop (v2sf)  }
0x29d: {  	s21 =	sshrl.u32 s5, $0x1F;
	v20 =	vmov s1;
	s14 =	sshra.s32 s26, $0x1F;
	s1 =	smulhi.u32 $0x68DB8BAD, s26  }
0x29e: {  	s23 =	sshra.s32 s5, $0xC;
	s5 =	sshra.s32 s5, $0x1F;
	s11 =	smul.u32 $0x68DB8BAD, s14  }
.Ltmp5:
0x29f: {  	s14 =	sshra.s32 s13, $0x1F;
	s9 =	spop (v2sf);
	(pc) =	sbr.rel @p0 .LBB2_12-.Ltmp5, $4  }
0x2a0: {  	s20 =	sadd.s32 s20, s0;
	v22 =	vmov s14;
	s14 =	rddreg [dreg:$0x8];
	s26 =	smulhi.u32 $0x68DB8BAD, s9  }
0x2a1: {  	s7 =	sshra.s32 s9, $0x1F;
	s9 =	sadd.s32 s6, s31;
	s31 =	sshra.s32 s25, $0x1F  }
0x2a2: {  	v20 =	vsel vm0, s8, v20;
	s6 =	smul.u32 $0x68DB8BAD, s2;
	s30 =	sshra.s32 s9, $0xC;
	s8 =	spop (v2sf)  }
0x2a3: {  	s2 =	sshra.s32 s9, $0x1F;
	v22 =	vsel vm3, s30, v22;
	s25 =	smulhi.u32 $0x68DB8BAD, s8;
	s29 =	spop (v2sf)  }
0x2a4: {  	s0 =	smul.u32 $0x68DB8BAD, s22  }
0x2a5: {  	v22 =	vsel vm9, s2, v22;
	s2 =	sadd.s32 s28, s4;
	s28 =	sadd.s32 s6, s18;
	s9 =	sshrl.u32 s9, $0x1F  }
0x2a6: {  	s12 =	sshra.s32 s29, $0x1F;
	s14 =	sadd.s32 s14, s24;
	s8 =	sshra.s32 s8, $0x1F  }
0x2a7: {  	s1 =	sadd.s32 s11, s1;
	s22 =	smulhi.u32 $0x68DB8BAD, s29;
	v22 =	vsel vm0, s3, v22;
	v23 =	vmov s9;
	s4 =	sshra.s32 s28, $0xC  }
0x2a8: {  	s6 =	smul.u32 $0x68DB8BAD, s12;
	s18 =	sshrl.u32 s2, $0x1F;
	s2 =	sshra.s32 s2, $0xC;
	v22 =	vsel vm10, s31, v22;
	v23 =	vnsel vm3, $0x0, v23;
	v20 =	vsel vm1, s4, v20  }
0x2a9: {  	s0 =	sadd.s32 s0, s10;
	s10 =	smul.u32 $0x68DB8BAD, s7;
	v22 =	vsel vm1, s17, v22;
	v23 =	vsel vm0, s19, v23;
	s19 =	sshrl.u32 s28, $0x1F;
	v20 =	vsel vm2, s2, v20  }
0x2aa: {  	s8 =	smul.u32 $0x68DB8BAD, s8;
	s24 =	sshrl.u32 s14, $0x1F;
	s29 =	sshra.s32 s14, $0x1F;
	v22 =	vsel vm11, s16, v22;
	v23 =	vsel vm1, s15, v23;
	v21 =	vsel vm1, s19, v21  }
0x2ab: {  	s3 =	sadd.s32 s10, s26;
	s26 =	sshrl.u32 s0, $0x1F;
	s0 =	sshra.s32 s0, $0xC;
	v22 =	vsel vm2, s23, v22;
	v23 =	vsel vm2, s21, v23;
	v21 =	vsel vm2, s18, v21  }
0x2ac: {  	s8 =	sadd.s32 s8, s25;
	s25 =	sshra.s32 s14, $0xC;
	s28 =	sshrl.u32 s20, $0x1F;
	v24 =	vmov s26;
	v25 =	vmov s0;
	v22 =	vsel vm12, s5, v22  }
0x2ad: {  	s9 =	sshrl.u32 s1, $0x1F;
	s7 =	sshra.s32 s20, $0xC;
	s31 =	sshrl.u32 s3, $0x1F;
	v23 =	vsel vm4, s24, v23;
	v24 =	vsel vm0, s28, v24;
	v22 =	vsel vm4, s25, v22  }
0x2ae: {  	s6 =	sadd.s32 s6, s22;
	s10 =	sshra.s32 s1, $0xC;
	s5 =	sshra.s32 s3, $0xC;
	v25 =	vsel vm0, s7, v25;
	v23 =	vsel vm5, s31, v23;
	v22 =	vsel vm13, s29, v22  }
0x2af: {  	s12 =	sshrl.u32 s8, $0x1F;
	s14 =	sshra.s32 s8, $0xC;
	s3 =	sshra.s32 s3, $0x1F;
	v24 =	vsel vm1, s9, v24;
	v25 =	vsel vm1, s10, v25;
	v22 =	vsel vm5, s5, v22  }
0x2b0: {  	s11 =	sshra.s32 s6, $0xC;
	s16 =	sshrl.u32 s6, $0x1F;
	v24 =	vsel vm2, s12, v24;
	v25 =	vsel vm2, s14, v25;
	v22 =	vsel vm14, s3, v22  }
0x2b1: {  	s15 =	sshra.s32 s6, $0x1F;
	s18 =	sshrl.u32 s13, $0x1F;
	v23 =	vsel vm6, s16, v23;
	v21 =	vcombine.low v24, v21;
	v22 =	vsel vm6, s11, v22  }
0x2b2: {  	s17 =	sshra.s32 s13, $0xC;
	v20 =	vcombine.low v25, v20;
	v23 =	vsel vm7, s18, v23;
	v22 =	vsel vm15, s15, v22  }
0x2b3: {  	v23 =	vperm.xlane v23, v1;
	v21 =	vperm.xlane v21, v0;
	v22 =	vsel vm7, s17, v22  }
0x2b4: {  	v20 =	vperm.xlane v20, v0;
	v22 =	vperm.xlane v22, v1;
	_ =	sdelay $0x1  }
0x2b5: {  	v21 =	vsel vm8, v23, v21;
	v20 =	vsel vm8, v22, v20  }
0x2b6: {  	v20 =	vadd.s32 v21, v20  }
0x2b7: {  	s30 =	rddreg [dreg:$0xf];
	v20 =	vmul.u32 $0x2710, v20  }
0x2b8: {  	s20 =	rddreg [dreg:$0xa]  }
0x2b9: {  	s19 =	rddreg [dreg:$0x4];
	v19 =	vsub.s32 v19, v20  }
0x2ba: {  	s22 =	simm.s32 $0x6400;
	s21 =	simm.s32 $0x80;
	s23 =	simm.s32 $0x6800;
	[tilespmem:s19+$0x6400] =	vst v19  }
0x2bb: {  	[tilespmem:s23], [sflag:$0x1] =	stream.indirect.gather [hbm4b:s20+s21], $0x20, s22, s21, $0xb8;
	[tilespmem:$0x12900] =	vst v63  }
0x2bc: {  	s6 =	simm.s32 $0xE800;
	s24 =	simm.s32 $0x6480;
	s25 =	simm.s32 $0x7800  }
0x2bd: {  	[tilespmem:s25], [sflag:$0x1] =	stream.indirect.gather [hbm4b:s20+s21], $0x20, s24, s21, $0xb8;
	[tilespmem:$0x12900] =	vst v63  }
0x2be: {  	s1 =	simm.s32 $0x0;
	s26 =	simm.s32 $0x6500;
	s28 =	simm.s32 $0x8800  }
0x2bf: {  	[tilespmem:s28], [sflag:$0x1] =	stream.indirect.gather [hbm4b:s20+s21], $0x20, s26, s21, $0xb8;
	[tilespmem:$0x12900] =	vst v63  }
0x2c0: {  	s31 =	simm.s32 $0x9800;
	s29 =	simm.s32 $0x6580;
	s5 =	simm.s32 $0x0  }
0x2c1: {  	[tilespmem:s31], [sflag:$0x1] =	stream.indirect.gather [hbm4b:s20+s21], $0x20, s29, s21, $0xb8;
	[tilespmem:$0x12900] =	vst v63  }
.LBB2_14:
0x2c2: {  	s0 =	simm.s32 $0x2  }
0x2c3: {  	_ =	swait.ge [sflag:s0], $0x1000  }
0x2c4: {  	[sflag:s0] =	ssyncset.done $0x0  }
0x2c5: {  	[sflag:s0] =	ssyncadd.s32 $0xFFFFF000  }
0x2c6: {  	_ =	swait.ge [sflag:s0], $0x1000  }
0x2c7: {  	[sflag:s0] =	ssyncset.done $0x0  }
0x2c8: {  	[sflag:s0] =	ssyncadd.s32 $0xFFFFF000  }
0x2c9: {  	_ =	swait.ge [sflag:s0], $0x1000  }
0x2ca: {  	[sflag:s0] =	ssyncset.done $0x0  }
0x2cb: {  	[sflag:s0] =	ssyncadd.s32 $0xFFFFF000  }
0x2cc: {  	_ =	swait.ge [sflag:s0], $0x1000  }
0x2cd: {  	v19 =	vmov s1;
	[sflag:s0] =	ssyncset.done $0x0  }
0x2ce: {  	s29 =	simm.s32 $0x3;
	v19 =	vshrl.u32 v19, $0x3;
	[sflag:s0] =	ssyncadd.s32 $0xFFFFF000  }
0x2cf: {  	v19 =	vshll.u32 v19, $0x3;
	_ =	swait.ge [sflag:s29], $0x4000  }
0x2d0: {  	v19 =	vbroadcast v19, $0x0;
	[sflag:s29] =	ssyncset.done $0x0  }
0x2d1: {  	s31 =	simm.s32 $0x0;
	[sflag:s29] =	ssyncadd.s32 $0xFFFFC000  }
0x2d2: {  	v21 =	vadd.s32 v2, v19;
	v20 =	vld [tilespmem:s31+$0xA800];
	_ =	sdelay $0x4  }
0x2d3: {  	[tilespmem:v21+s6+$0x0] =	vst.idx.msk $0xffff, v20  }
0x2d4: {  	v21 =	vadd.s32 v4, v19;
	v20 =	vld [tilespmem:s31+$0xA810];
	_ =	sdelay $0x4  }
0x2d5: {  	[tilespmem:v21+s6+$0x0] =	vst.idx.msk $0xffff, v20  }
0x2d6: {  	v21 =	vadd.s32 v5, v19;
	v20 =	vld [tilespmem:s31+$0xA820];
	_ =	sdelay $0x4  }
0x2d7: {  	[tilespmem:v21+s6+$0x0] =	vst.idx.msk $0xffff, v20  }
0x2d8: {  	v21 =	vadd.s32 v6, v19;
	v20 =	vld [tilespmem:s31+$0xA830];
	_ =	sdelay $0x4  }
0x2d9: {  	[tilespmem:v21+s6+$0x0] =	vst.idx.msk $0xffff, v20  }
0x2da: {  	v21 =	vadd.s32 v7, v19;
	v20 =	vld [tilespmem:s31+$0xA840];
	_ =	sdelay $0x4  }
0x2db: {  	[tilespmem:v21+s6+$0x0] =	vst.idx.msk $0xffff, v20  }
0x2dc: {  	v21 =	vadd.s32 v8, v19;
	v20 =	vld [tilespmem:s31+$0xA850];
	_ =	sdelay $0x4  }
0x2dd: {  	[tilespmem:v21+s6+$0x0] =	vst.idx.msk $0xffff, v20  }
0x2de: {  	v21 =	vadd.s32 v9, v19;
	v20 =	vld [tilespmem:s31+$0xA860];
	_ =	sdelay $0x4  }
0x2df: {  	[tilespmem:v21+s6+$0x0] =	vst.idx.msk $0xffff, v20  }
0x2e0: {  	v21 =	vadd.s32 v10, v19;
	v20 =	vld [tilespmem:s31+$0xA870];
	_ =	sdelay $0x4  }
0x2e1: {  	[tilespmem:v21+s6+$0x0] =	vst.idx.msk $0xffff, v20  }
0x2e2: {  	v21 =	vadd.s32 v11, v19;
	v20 =	vld [tilespmem:s31+$0xA880];
	_ =	sdelay $0x4  }
0x2e3: {  	[tilespmem:v21+s6+$0x0] =	vst.idx.msk $0xffff, v20  }
0x2e4: {  	v21 =	vadd.s32 v12, v19;
	v20 =	vld [tilespmem:s31+$0xA890];
	_ =	sdelay $0x4  }
0x2e5: {  	[tilespmem:v21+s6+$0x0] =	vst.idx.msk $0xffff, v20  }
0x2e6: {  	v21 =	vadd.s32 v13, v19;
	v20 =	vld [tilespmem:s31+$0xA8A0];
	_ =	sdelay $0x4  }
0x2e7: {  	[tilespmem:v21+s6+$0x0] =	vst.idx.msk $0xffff, v20  }
0x2e8: {  	v21 =	vadd.s32 v14, v19;
	v20 =	vld [tilespmem:s31+$0xA8B0];
	_ =	sdelay $0x4  }
0x2e9: {  	[tilespmem:v21+s6+$0x0] =	vst.idx.msk $0xffff, v20  }
0x2ea: {  	v21 =	vadd.s32 v15, v19;
	v20 =	vld [tilespmem:s31+$0xA8C0];
	_ =	sdelay $0x4  }
0x2eb: {  	[tilespmem:v21+s6+$0x0] =	vst.idx.msk $0xffff, v20  }
0x2ec: {  	v21 =	vadd.s32 v16, v19;
	v20 =	vld [tilespmem:s31+$0xA8D0];
	_ =	sdelay $0x4  }
0x2ed: {  	[tilespmem:v21+s6+$0x0] =	vst.idx.msk $0xffff, v20  }
0x2ee: {  	v21 =	vadd.s32 v17, v19;
	v20 =	vld [tilespmem:s31+$0xA8E0];
	_ =	sdelay $0x4  }
0x2ef: {  	[tilespmem:v21+s6+$0x0] =	vst.idx.msk $0xffff, v20  }
0x2f0: {  	s10 =	simm.s32 $0x8;
	v21 =	vadd.s32 v18, v19;
	v20 =	vld [tilespmem:s31+$0xA8F0]  }
0x2f1: {  	s12 =	simm.s32 $0x800;
	s0 =	simm.s32 $0x400;
	v19 =	vmov s10  }
.LBB2_15:
0x2f2: {  	p0 =	sne.s32 s12, $0xFC00;
	v19 =	vshrl.u32 v19, $0x3  }
0x2f3: {  	v19 =	vshll.u32 v19, $0x3  }
0x2f4: {  	v19 =	vbroadcast v19, $0x0  }
0x2f5: {  	s13 =	sshra.s32 s0, $0x2;
	s0 =	smov.u32 s12;
	[tilespmem:v21+s6+$0x0] =	vst.idx.msk $0xffff, v20  }
0x2f6: {  	v20 =	vld [tilespmem:s13+$0xA800];
	v21 =	vadd.s32 v2, v19;
	_ =	sdelay $0x4  }
0x2f7: {  	[tilespmem:v21+s6+$0x0] =	vst.idx.msk $0xffff, v20  }
0x2f8: {  	v21 =	vadd.s32 v4, v19;
	v20 =	vld [tilespmem:s13+$0xA810];
	_ =	sdelay $0x4  }
0x2f9: {  	[tilespmem:v21+s6+$0x0] =	vst.idx.msk $0xffff, v20  }
0x2fa: {  	v21 =	vadd.s32 v5, v19;
	v20 =	vld [tilespmem:s13+$0xA820];
	_ =	sdelay $0x4  }
0x2fb: {  	[tilespmem:v21+s6+$0x0] =	vst.idx.msk $0xffff, v20  }
0x2fc: {  	v21 =	vadd.s32 v6, v19;
	v20 =	vld [tilespmem:s13+$0xA830];
	_ =	sdelay $0x4  }
0x2fd: {  	[tilespmem:v21+s6+$0x0] =	vst.idx.msk $0xffff, v20  }
0x2fe: {  	v21 =	vadd.s32 v7, v19;
	v20 =	vld [tilespmem:s13+$0xA840];
	_ =	sdelay $0x4  }
0x2ff: {  	[tilespmem:v21+s6+$0x0] =	vst.idx.msk $0xffff, v20  }
0x300: {  	v21 =	vadd.s32 v8, v19;
	v20 =	vld [tilespmem:s13+$0xA850];
	_ =	sdelay $0x4  }
0x301: {  	[tilespmem:v21+s6+$0x0] =	vst.idx.msk $0xffff, v20  }
0x302: {  	v21 =	vadd.s32 v9, v19;
	v20 =	vld [tilespmem:s13+$0xA860];
	_ =	sdelay $0x4  }
0x303: {  	[tilespmem:v21+s6+$0x0] =	vst.idx.msk $0xffff, v20  }
0x304: {  	v21 =	vadd.s32 v10, v19;
	v20 =	vld [tilespmem:s13+$0xA870];
	_ =	sdelay $0x4  }
0x305: {  	[tilespmem:v21+s6+$0x0] =	vst.idx.msk $0xffff, v20  }
0x306: {  	v21 =	vadd.s32 v11, v19;
	v20 =	vld [tilespmem:s13+$0xA880];
	_ =	sdelay $0x4  }
0x307: {  	[tilespmem:v21+s6+$0x0] =	vst.idx.msk $0xffff, v20  }
0x308: {  	v21 =	vadd.s32 v12, v19;
	v20 =	vld [tilespmem:s13+$0xA890];
	_ =	sdelay $0x4  }
0x309: {  	[tilespmem:v21+s6+$0x0] =	vst.idx.msk $0xffff, v20  }
0x30a: {  	v21 =	vadd.s32 v13, v19;
	v20 =	vld [tilespmem:s13+$0xA8A0];
	_ =	sdelay $0x4  }
0x30b: {  	[tilespmem:v21+s6+$0x0] =	vst.idx.msk $0xffff, v20  }
0x30c: {  	v21 =	vadd.s32 v14, v19;
	v20 =	vld [tilespmem:s13+$0xA8B0];
	_ =	sdelay $0x4  }
0x30d: {  	[tilespmem:v21+s6+$0x0] =	vst.idx.msk $0xffff, v20  }
0x30e: {  	v21 =	vadd.s32 v15, v19;
	v20 =	vld [tilespmem:s13+$0xA8C0];
	_ =	sdelay $0x4  }
0x30f: {  	[tilespmem:v21+s6+$0x0] =	vst.idx.msk $0xffff, v20  }
0x310: {  	v21 =	vadd.s32 v16, v19;
	v20 =	vld [tilespmem:s13+$0xA8D0];
	_ =	sdelay $0x4  }
0x311: {  	[tilespmem:v21+s6+$0x0] =	vst.idx.msk $0xffff, v20  }
0x312: {  	v21 =	vadd.s32 v17, v19;
	v20 =	vld [tilespmem:s13+$0xA8E0];
	_ =	sdelay $0x2  }
.Ltmp6:
0x313: {  	(pc) =	sbr.rel @p0 .LBB2_15-.Ltmp6, $4  }
0x314: {  	_ = 	snop  }
0x315: {  	[tilespmem:v21+s6+$0x0] =	vst.idx.msk $0xffff, v20  }
0x316: {  	s10 =	sadd.s32 $0x8, s10;
	v21 =	vadd.s32 v18, v19;
	v20 =	vld [tilespmem:s13+$0xA8F0]  }
0x317: {  	s12 =	sadd.s32 $0x400, s12;
	v19 =	vmov s10  }
0x318: {  	_ = 	snop  }
0x319: {  	v19 =	vshrl.u32 v19, $0x3  }
0x31a: {  	v19 =	vshll.u32 v19, $0x3  }
0x31b: {  	v19 =	vbroadcast v19, $0x0  }
0x31c: {  	s0 =	sshra.s32 s0, $0x2;
	[tilespmem:v21+s6+$0x0] =	vst.idx.msk $0xffff, v20  }
0x31d: {  	v20 =	vld [tilespmem:s0+$0xA800];
	v49 =	vadd.s32 v2, v19;
	_ =	sdelay $0x4  }
0x31e: {  	[tilespmem:v49+s6+$0x0] =	vst.idx.msk $0xffff, v20  }
0x31f: {  	v50 =	vadd.s32 v4, v19;
	v20 =	vld [tilespmem:s0+$0xA810];
	_ =	sdelay $0x4  }
0x320: {  	[tilespmem:v50+s6+$0x0] =	vst.idx.msk $0xffff, v20  }
0x321: {  	v51 =	vadd.s32 v5, v19;
	v20 =	vld [tilespmem:s0+$0xA820];
	_ =	sdelay $0x4  }
0x322: {  	[tilespmem:v51+s6+$0x0] =	vst.idx.msk $0xffff, v20  }
0x323: {  	v52 =	vadd.s32 v6, v19;
	v20 =	vld [tilespmem:s0+$0xA830];
	_ =	sdelay $0x4  }
0x324: {  	[tilespmem:v52+s6+$0x0] =	vst.idx.msk $0xffff, v20  }
0x325: {  	v53 =	vadd.s32 v7, v19;
	v20 =	vld [tilespmem:s0+$0xA840];
	_ =	sdelay $0x4  }
0x326: {  	[tilespmem:v53+s6+$0x0] =	vst.idx.msk $0xffff, v20  }
0x327: {  	v54 =	vadd.s32 v8, v19;
	v20 =	vld [tilespmem:s0+$0xA850];
	_ =	sdelay $0x4  }
0x328: {  	[tilespmem:v54+s6+$0x0] =	vst.idx.msk $0xffff, v20  }
0x329: {  	v55 =	vadd.s32 v9, v19;
	v20 =	vld [tilespmem:s0+$0xA860];
	_ =	sdelay $0x4  }
0x32a: {  	[tilespmem:v55+s6+$0x0] =	vst.idx.msk $0xffff, v20  }
0x32b: {  	v56 =	vadd.s32 v10, v19;
	v20 =	vld [tilespmem:s0+$0xA870];
	_ =	sdelay $0x4  }
0x32c: {  	[tilespmem:v56+s6+$0x0] =	vst.idx.msk $0xffff, v20  }
0x32d: {  	v57 =	vadd.s32 v11, v19;
	v20 =	vld [tilespmem:s0+$0xA880];
	_ =	sdelay $0x4  }
0x32e: {  	[tilespmem:v57+s6+$0x0] =	vst.idx.msk $0xffff, v20  }
0x32f: {  	v58 =	vadd.s32 v12, v19;
	v20 =	vld [tilespmem:s0+$0xA890];
	_ =	sdelay $0x4  }
0x330: {  	[tilespmem:v58+s6+$0x0] =	vst.idx.msk $0xffff, v20  }
0x331: {  	v59 =	vadd.s32 v13, v19;
	v20 =	vld [tilespmem:s0+$0xA8A0];
	_ =	sdelay $0x4  }
0x332: {  	[tilespmem:v59+s6+$0x0] =	vst.idx.msk $0xffff, v20  }
0x333: {  	v60 =	vadd.s32 v14, v19;
	v20 =	vld [tilespmem:s0+$0xA8B0];
	_ =	sdelay $0x4  }
0x334: {  	[tilespmem:v60+s6+$0x0] =	vst.idx.msk $0xffff, v20  }
0x335: {  	v61 =	vadd.s32 v15, v19;
	v20 =	vld [tilespmem:s0+$0xA8C0];
	_ =	sdelay $0x4  }
0x336: {  	[tilespmem:v61+s6+$0x0] =	vst.idx.msk $0xffff, v20  }
0x337: {  	v62 =	vadd.s32 v16, v19;
	v20 =	vld [tilespmem:s0+$0xA8D0];
	_ =	sdelay $0x4  }
0x338: {  	[tilespmem:v62+s6+$0x0] =	vst.idx.msk $0xffff, v20  }
0x339: {  	v63 =	vadd.s32 v17, v19;
	v20 =	vld [tilespmem:s0+$0xA8E0];
	_ =	sdelay $0x4  }
0x33a: {  	[tilespmem:v63+s6+$0x0] =	vst.idx.msk $0xffff, v20  }
0x33b: {  	s29 =	rddreg [dreg:$0x11];
	v19 =	vadd.s32 v18, v19;
	v20 =	vld [tilespmem:s0+$0xA8F0]  }
0x33c: {  	s1 =	rddreg [dreg:$0x9];
	s0 =	sshll.u32 s29, $0x13  }
0x33d: {  	s0 =	sor.u32 s1, s0  }
0x33e: {  	s31 =	rddreg [dreg:$0xb];
	s0 =	sshrl.u32 s0, $0x3  }
0x33f: {  	s3 =	simm.s32 $0x800;
	s0 =	sadd.s32 s31, s0  }
0x340: {  	s4 =	simm.s32 $0xEA08;
	s1 =	simm.s32 $0xE800;
	s2 =	sadd.s32 $0x0, s0;
	[tilespmem:v19+s6+$0x0] =	vst.idx.msk $0xffff, v20  }
.LBB2_17:
0x341: {  	[hbm4b:s2+s5] =	stream.linear.scatter [tilespmem:s1], [sflag:$0x3], $0x200, $0x38;
	[tilespmem:$0x12900] =	vst v63  }
0x342: {  	s2 =	smov.u32 s3;
	s1 =	smov.u32 s4;
	p0 =	sne.s32 s3, $0xF800  }
.Ltmp7:
0x343: {  	s3 =	sadd.s32 $0x800, s3;
	(pc) =	sbr.rel @p0 .LBB2_17-.Ltmp7, $2  }
0x344: {  	_ =	sdelay $0x2  }
0x345: {  	s4 =	sadd.s32 $0x208, s4;
	s2 =	sadd.s32 s2, s0  }
0x346: {  	s30 =	sadd.s32 $0x1, s30  }
0x347: {  	p0 =	sne.s32 s30, $0x19  }
.Ltmp8:
0x348: {  	_ = 	snop;
	(pc) =	sbr.rel @p0 .LBB2_4-.Ltmp8, $4  }
0x349: {  	[hbm4b:s2+s5] =	stream.linear.scatter [tilespmem:s1], [sflag:$0x3], $0x200, $0x38;
	[tilespmem:$0x12900] =	vst v63  }
0x34a: {  	s0 =	rddreg [dreg:$0x10]  }
0x34b: {  	s31 =	rddreg [dreg:$0x2]  }
0x34c: {  	s0 =	sadd.s32 $0x400, s0;
	s1 =	sadd.s32 $0x400, s31  }
0x34d: {  	s1 =	simm.s32 $0x3  }
0x34e: {  	_ =	swait.ge [sflag:s1], $0x4000  }
0x34f: {  	s2 =	rddreg [dreg:$0xe]  }
0x350: {  	s0 =	rddreg [dreg:$0xd];
	s2 =	sadd.s32 $0x1, s2  }
0x351: {  	p0 =	sne.s32 s2, s0  }
.Ltmp9:
0x352: {  	_ = 	snop;
	(pc) =	sbr.rel @p0 .LBB2_1-.Ltmp9, $3  }
0x353: {  	_ =	sdelay $0x1  }
0x354: {  	[sflag:s1] =	ssyncset.done $0x0  }
0x355: {  	[sflag:s1] =	ssyncadd.s32 $0xFFFFC000  }
0x356: {  	_ =	sfence.sel $0x180000  }
0x357: {  	[bflag:$0x0] =	sbarrier.arrive $0xFFFF  }
0x358: {  	_ =	strace $0x90000047  }
0x359: {  	s0 =	stileid.u32;
	[bflag:$0x2] =	sbarrier.arrive $0xFFFF  }
0x35a: {  	p0 =	sne.s32 s0, $0x0;
	s0 =	rddreg [dreg:$0x1]  }
0x35b: {  	s0 =	sadd.s32 @!p0 $0x100000, s0  }
0x35c: {  	[sflag:s0] =	ssyncadd.tile.s32 @!p0 $0x1;
	_ =	shalt  }
.Lfunc_end2:
_tile_overlayer_lowered:
.L_overlay_start_2:
0x35d: {  	(tag) =	ssettag $0x2  }
0x35e: {  	s0 =	rddreg [dreg:$0x0];
	s2 =	stileid.u32  }
0x35f: {  	s1 =	rddreg [dreg:$0x1];
	p0 =	sne.s32 s2, $0x0  }
0x360: {  	s3 =	rddreg [dreg:$0x2];
	[bflag:$0x3] =	sbarrier.arrive $0xFFFF;
	s2 =	simm.s32 @!p0 $0x1C04  }
0x361: {  	[timem:s3], [sflag:s2] =	dma.local @!p0 [hbm:s0], s1  }
0x362: {  	s0 =	simm.s32 @!p0 $0x4  }
0x363: {  	_ =	swait.ge @!p0 [sflag:s0], s1  }
0x364: {  	s1 =	ssub.s32 @!p0 $0x0, s1;
	[sflag:s0] =	ssyncset.done @!p0 $0x0  }
0x365: {  	[sflag:s0] =	ssyncadd.s32 @!p0 s1  }
0x366: {  	[bflag:$0x3] =	sbarrier.arrive $0xFFFF  }
0x367: {  	_ =	shalt  }

</sc_bundles>
